<compile_context>
chip_gen: v7x
topology: tpu7x:2x2x1
jax: 0.10.2.dev20260603
libtpu: 0.0.44.dev20260713+nightly
codegen_flags: <defaults>
</compile_context>

<pallas_src>
import functools

import jax
import jax.numpy as jnp
from jax import lax
from jax.experimental import pallas as pl
from jax.experimental.pallas import tpu as pltpu
from jax.experimental.pallas import tpu_sc as plsc

N = 10000
NP = 10240
E = 320000
C = 128
G = 64

NC = 2
NS = 16
NW = NC * NS
EPT = E // NW
K = 80
NCH = EPT // K
RPT = NP // NS
RB = RPT // K

_mesh = plsc.VectorSubcoreMesh(core_axis_name="c", subcore_axis_name="s")


@functools.partial(
    pl.kernel,
    out_type=jax.ShapeDtypeStruct((NC, NP), jnp.float32),
    mesh=_mesh,
    scratch_types=[
        pltpu.VMEM((NCH, K), jnp.int32),
        pltpu.VMEM((K,), jnp.float32),
        pltpu.VMEM((RPT,), jnp.float32),
        pltpu.VMEM_SHARED((NP,), jnp.float32),
        pltpu.SemaphoreType.DMA,
    ],
)
def _deg_kernel(dst_hbm, out_hbm, idx_v, ones_v, stage_v, deg_sh, sem):
    c = lax.axis_index("c")
    s = lax.axis_index("s")
    wid = c * NS + s

    def fill_stage(i, _):
        stage_v[pl.ds(i * 16, 16)] = jnp.zeros((16,), jnp.float32)
        return 0
    lax.fori_loop(0, RPT // 16, fill_stage, 0)

    def fill_ones(i, _):
        ones_v[pl.ds(i * 16, 16)] = jnp.full((16,), 1.0, jnp.float32)
        return 0
    lax.fori_loop(0, K // 16, fill_ones, 0)

    pltpu.sync_copy(stage_v, deg_sh.at[pl.ds(s * RPT, RPT)])
    plsc.subcore_barrier()

    pltpu.sync_copy(dst_hbm.at[wid], idx_v)

    def body(j, _):
        pltpu.async_copy(ones_v, deg_sh.at[idx_v.at[j]], sem,
                         add=True).wait()
        return 0
    lax.fori_loop(0, NCH, body, 0)
    plsc.subcore_barrier()

    pltpu.sync_copy(deg_sh.at[pl.ds(s * RPT, RPT)], stage_v)
    pltpu.sync_copy(stage_v, out_hbm.at[c, pl.ds(s * RPT, RPT)])


@functools.partial(
    pl.kernel,
    out_type=jax.ShapeDtypeStruct((NC, NP, C), jnp.float32),
    mesh=_mesh,
    scratch_types=[
        pltpu.VMEM((64, K), jnp.int32),
        pltpu.VMEM((64, K), jnp.int32),
        pltpu.VMEM((3, K, C), jnp.float32),
        pltpu.VMEM_SHARED((NP, C), jnp.float32),
        pltpu.SemaphoreType.DMA,
        pltpu.SemaphoreType.DMA,
        pltpu.SemaphoreType.DMA,
        pltpu.SemaphoreType.DMA,
        pltpu.SemaphoreType.DMA,
        pltpu.SemaphoreType.DMA,
    ],
)
def _prop_kernel(hs_hbm, src_hbm, dst_hbm, out_hbm,
                 src_v, dst_v, rows_v, acc_sh,
                 gsem0, gsem1, gsem2, ssem0, ssem1, ssem2):
    c = lax.axis_index("c")
    s = lax.axis_index("s")
    wid = c * NS + s
    gsems = (gsem0, gsem1, gsem2)
    ssems = (ssem0, ssem1, ssem2)

    def fill_z(r, _):
        def fill_row(i, _):
            rows_v[0, r, pl.ds(i * 16, 16)] = jnp.zeros((16,), jnp.float32)
            return 0
        lax.fori_loop(0, C // 16, fill_row, 0)
        return 0
    lax.fori_loop(0, K, fill_z, 0)

    def zero_acc(r, _):
        pltpu.sync_copy(rows_v.at[0],
                        acc_sh.at[pl.ds(s * RPT + r * K, K)])
        return 0
    lax.fori_loop(0, RB, zero_acc, 0)
    plsc.subcore_barrier()

    def run_phase(base, nch):
        pltpu.sync_copy(src_hbm.at[wid, pl.ds(base, nch)],
                        src_v.at[pl.ds(0, nch)])
        pltpu.sync_copy(dst_hbm.at[wid, pl.ds(base, nch)],
                        dst_v.at[pl.ds(0, nch)])

        def gather(j, slot):
            return pltpu.async_copy(
                hs_hbm.at[src_v.at[j]], rows_v.at[slot], gsems[slot])

        gather(0, 0)
        gather(1, 1)

        def body(j, _):
            for r in range(3):
                rp2 = (r + 2) % 3

                @pl.when(lax.rem(j, 3) == r)
                def _():
                    @pl.when(j >= 1)
                    def _():
                        pltpu.make_async_copy(
                            rows_v.at[rp2],
                            acc_sh.at[dst_v.at[j - 1]],
                            ssems[rp2]).wait()

                    @pl.when(j + 2 < nch)
                    def _():
                        gather(j + 2, rp2)
                    pltpu.make_async_copy(
                        hs_hbm.at[src_v.at[j]],
                        rows_v.at[r], gsems[r]).wait()
                    pltpu.async_copy(rows_v.at[r],
                                     acc_sh.at[dst_v.at[j]], ssems[r],
                                     add=True)
            return 0
        lax.fori_loop(0, nch, body, 0)
        t = nch - 1
        pltpu.make_async_copy(rows_v.at[t % 3],
                              acc_sh.at[dst_v.at[t]],
                              ssems[t % 3]).wait()

    run_phase(0, 64)
    run_phase(64, NCH - 64)
    plsc.subcore_barrier()

    def wb(r, _):
        slot = rows_v.at[0]
        pltpu.sync_copy(acc_sh.at[pl.ds(s * RPT + r * K, K)], slot)
        pltpu.sync_copy(slot, out_hbm.at[c, pl.ds(s * RPT + r * K, K)])
        return 0
    lax.fori_loop(0, RB, wb, 0)


BLK = NP


def _mm1_body(degp_ref, x_ref, w_ref, hs_ref, dinv_ref):
    deg = degp_ref[0] + degp_ref[1] + 1.0
    dinv = lax.rsqrt(deg)
    h = jnp.dot(x_ref[...], w_ref[...], preferred_element_type=jnp.float32)
    hs_ref[...] = dinv * h
    dinv_ref[...] = dinv


def _call_mm1(degp, x_p, W1):
    return pl.pallas_call(
        _mm1_body,
        grid=(NP // BLK,),
        in_specs=[
            pl.BlockSpec((NC, BLK, 1), lambda i: (0, i, 0)),
            pl.BlockSpec((BLK, C), lambda i: (i, 0)),
            pl.BlockSpec((C, C), lambda i: (0, 0)),
        ],
        out_specs=[
            pl.BlockSpec((BLK, C), lambda i: (i, 0)),
            pl.BlockSpec((BLK, 1), lambda i: (i, 0)),
        ],
        out_shape=[
            jax.ShapeDtypeStruct((NP, C), jnp.float32),
            jax.ShapeDtypeStruct((NP, 1), jnp.float32),
        ],
    )(degp, x_p, W1)


def _mid_body(accp_ref, hs_ref, dinv_ref, b_ref, w_ref, bat_ref,
              h1_ref, hs2_ref, sx_ref):
    i = pl.program_id(0)
    dinv = dinv_ref[...]
    pre = dinv * (accp_ref[0] + accp_ref[1] + hs_ref[...]) + b_ref[...]
    h1 = jnp.maximum(pre, 0.0)
    h1_ref[...] = h1
    hs2_ref[...] = dinv * jnp.dot(h1, w_ref[...],
                                  preferred_element_type=jnp.float32)
    oh = (bat_ref[...] == lax.broadcasted_iota(jnp.int32, (1, G), 1))
    oh = oh.astype(jnp.float32)
    part = lax.dot_general(oh, h1, (((0,), (0,)), ((), ())),
                           preferred_element_type=jnp.float32)

    @pl.when(i == 0)
    def _():
        sx_ref[...] = jnp.zeros_like(sx_ref)
    sx_ref[...] += part


def _call_mid(accp, hs1, dinv, b1, W2, bat):
    return pl.pallas_call(
        _mid_body,
        grid=(NP // BLK,),
        in_specs=[
            pl.BlockSpec((NC, BLK, C), lambda i: (0, i, 0)),
            pl.BlockSpec((BLK, C), lambda i: (i, 0)),
            pl.BlockSpec((BLK, 1), lambda i: (i, 0)),
            pl.BlockSpec((1, C), lambda i: (0, 0)),
            pl.BlockSpec((C, C), lambda i: (0, 0)),
            pl.BlockSpec((BLK, 1), lambda i: (i, 0)),
        ],
        out_specs=[
            pl.BlockSpec((BLK, C), lambda i: (i, 0)),
            pl.BlockSpec((BLK, C), lambda i: (i, 0)),
            pl.BlockSpec((G, C), lambda i: (0, 0)),
        ],
        out_shape=[
            jax.ShapeDtypeStruct((NP, C), jnp.float32),
            jax.ShapeDtypeStruct((NP, C), jnp.float32),
            jax.ShapeDtypeStruct((G, C), jnp.float32),
        ],
    )(accp, hs1, dinv, b1, W2, bat)


def _fin_body(accp_ref, hs_ref, dinv_ref, b_ref, bat_ref, h2_ref, sx_ref):
    i = pl.program_id(0)
    dinv = dinv_ref[...]
    pre = dinv * (accp_ref[0] + accp_ref[1] + hs_ref[...]) + b_ref[...]
    h2 = jnp.maximum(pre, 0.0)
    h2_ref[...] = h2
    oh = (bat_ref[...] == lax.broadcasted_iota(jnp.int32, (1, G), 1))
    oh = oh.astype(jnp.float32)
    part = lax.dot_general(oh, h2, (((0,), (0,)), ((), ())),
                           preferred_element_type=jnp.float32)

    @pl.when(i == 0)
    def _():
        sx_ref[...] = jnp.zeros_like(sx_ref)
    sx_ref[...] += part


def _call_fin(accp, hs2, dinv, b2, bat):
    return pl.pallas_call(
        _fin_body,
        grid=(NP // BLK,),
        in_specs=[
            pl.BlockSpec((NC, BLK, C), lambda i: (0, i, 0)),
            pl.BlockSpec((BLK, C), lambda i: (i, 0)),
            pl.BlockSpec((BLK, 1), lambda i: (i, 0)),
            pl.BlockSpec((1, C), lambda i: (0, 0)),
            pl.BlockSpec((BLK, 1), lambda i: (i, 0)),
        ],
        out_specs=[
            pl.BlockSpec((BLK, C), lambda i: (i, 0)),
            pl.BlockSpec((G, C), lambda i: (0, 0)),
        ],
        out_shape=[
            jax.ShapeDtypeStruct((NP, C), jnp.float32),
            jax.ShapeDtypeStruct((G, C), jnp.float32),
        ],
    )(accp, hs2, dinv, b2, bat)


@jax.jit
def kernel(x, edge_index, batch, W1, b1, W2, b2):
    src3 = edge_index[0].reshape(NW, NCH, K)
    dst3 = edge_index[1].reshape(NW, NCH, K)
    x_p = jnp.pad(x, ((0, NP - N), (0, 0)))
    bat = jnp.pad(batch, (0, NP - N), constant_values=G).reshape(NP, 1)

    degp = _deg_kernel(dst3).reshape(NC, NP, 1)
    hs1, dinv = _call_mm1(degp, x_p, W1)
    accp1 = _prop_kernel(hs1, src3, dst3)
    h1, hs2, sx1 = _call_mid(accp1, hs1, dinv, b1.reshape(1, C), W2, bat)
    accp2 = _prop_kernel(hs2, src3, dst3)
    h2, sx2 = _call_fin(accp2, hs2, dinv, b2.reshape(1, C), bat)
    return h2[:N], jnp.concatenate([sx1, sx2], axis=1)

# --- scband reference (transcript-rebuilt; emitter-appended) ---
"""Pipeline reference for scband-gcn-137438953659 (READ-ONLY COPY).

The authoritative reference and input builder live on the scoring server;
editing this copy changes nothing except your own understanding.
"""

import jax, jax.numpy as jnp
import numpy as np

N = 10000
E = 320000
IN_C = 128
HID_C = 128
OUT_C = 128
G = 64  # number of graphs in the batch


def setup_inputs(seed: int = 0) -> dict:
    key = jax.random.key(seed)
    k1, k2, k3, k4, k5 = jax.random.split(key, 5)
    x = jax.random.normal(k1, (N, IN_C), dtype=jnp.float32)
    edge_index = jax.random.randint(k2, (2, E), 0, N, dtype=jnp.int32)
    batch = jnp.sort(jax.random.randint(k3, (N,), 0, G, dtype=jnp.int32))
    # learned parameters (GCNConv weight + bias for both layers)
    W1 = jax.random.normal(k4, (IN_C, HID_C), dtype=jnp.float32) * 0.05
    b1 = jnp.zeros((HID_C,), dtype=jnp.float32)
    W2 = jax.random.normal(k5, (HID_C, OUT_C), dtype=jnp.float32) * 0.05
    b2 = jnp.zeros((OUT_C,), dtype=jnp.float32)
    return {"x": x, "edge_index": edge_index, "batch": batch,
            "W1": W1, "b1": b1, "W2": W2, "b2": b2}


def _gcn_conv(x, src, dst, W, b):
    # GCNConv: out = D^{-1/2} (A + I) D^{-1/2} X W + b
    n = x.shape[0]
    loop = jnp.arange(n, dtype=src.dtype)
    s = jnp.concatenate([src, loop])
    d = jnp.concatenate([dst, loop])
    deg = jnp.zeros((n,), dtype=x.dtype).at[d].add(1.0)
    dinv = jnp.where(deg > 0, 1.0 / jnp.sqrt(deg), 0.0)
    norm = dinv[s] * dinv[d]
    h = x @ W
    msg = h[s] * norm[:, None]
    out = jnp.zeros((n, W.shape[1]), dtype=x.dtype).at[d].add(msg)
    return out + b


def reference(x, edge_index, batch, W1, b1, W2, b2):
    src, dst = edge_index[0], edge_index[1]
    h1 = jax.nn.relu(_gcn_conv(x, src, dst, W1, b1))
    s_x1 = jax.ops.segment_sum(h1, batch, num_segments=G)
    h2 = jax.nn.relu(_gcn_conv(h1, src, dst, W2, b2))
    s_x2 = jax.ops.segment_sum(h2, batch, num_segments=G)
    return h2, jnp.concatenate([s_x1, s_x2], axis=1)

if __name__ == "__main__":
    import jax
    _d = setup_inputs()
    print(jax.jit(kernel)(*tuple(_d.values())))

</pallas_src>

<mosaic_0001>
#map = affine_map<(d0, d1) -> (0, 0)>
#map1 = affine_map<(d0, d1) -> (0, 0, 0)>
module attributes {stable_mosaic.version = 14 : i64} {
  func.func @_prop_kernel(%arg0: i32, %arg1: i32, %arg2: memref<10240x128xf32, #tpu.memory_space<hbm>>, %arg3: memref<32x125x80xi32, #tpu.memory_space<hbm>>, %arg4: memref<32x125x80xi32, #tpu.memory_space<hbm>>, %arg5: memref<2x10240x128xf32, #tpu.memory_space<hbm>>, %arg6: memref<64x80xi32, #tpu.memory_space<vmem>>, %arg7: memref<64x80xi32, #tpu.memory_space<vmem>>, %arg8: memref<3x80x128xf32, #tpu.memory_space<vmem>>, %arg9: memref<10240x128xf32, #tpu.memory_space<vmem_shared>>, %arg10: memref<!tpu.dma_semaphore, #tpu.memory_space<semaphore_mem>>, %arg11: memref<!tpu.dma_semaphore, #tpu.memory_space<semaphore_mem>>, %arg12: memref<!tpu.dma_semaphore, #tpu.memory_space<semaphore_mem>>, %arg13: memref<!tpu.dma_semaphore, #tpu.memory_space<semaphore_mem>>, %arg14: memref<!tpu.dma_semaphore, #tpu.memory_space<semaphore_mem>>, %arg15: memref<!tpu.dma_semaphore, #tpu.memory_space<semaphore_mem>>) attributes {dimension_semantics = [#tpu.dimension_semantics<core_parallel>, #tpu.dimension_semantics<subcore_parallel>], iteration_bounds = array<i64: 2, 16>, scalar_prefetch = 0 : i64, scratch_operands = 10 : i64, tpu.core_type = #tpu.core_type<sc_vector_subcore>, window_params = [{transform_indices = #map}, {transform_indices = #map1}, {transform_indices = #map1}, {transform_indices = #map1}]} {
    %mul3A = arith.constant 16 : i32
    %mul3A_0 = arith.muli %arg0, %mul3A : i32
    %add3A = arith.addi %mul3A_0, %arg1 : i32
    %scan3A = arith.constant 0 : i32
    %scan3A_1 = arith.constant 0 : i32
    %scan3A_2 = arith.constant 80 : i32
    %scan3A_3 = arith.addi %scan3A_1, %scan3A_2 : i32
    %scan3A_4 = arith.constant 1 : i32
    %scan3A_5 = scf.for %scan3A_106 = %scan3A_1 to %scan3A_3 step %scan3A_4 iter_args(%scan3A_107 = %scan3A) -> (i32)  : i32 {
      %scan3A_108 = arith.constant 0 : i32
      %scan3A_109 = arith.constant 0 : i32
      %scan3A_110 = arith.constant 8 : i32
      %scan3A_111 = arith.addi %scan3A_109, %scan3A_110 : i32
      %scan3A_112 = arith.constant 1 : i32
      %scan3A_113 = scf.for %scan3A_116 = %scan3A_109 to %scan3A_111 step %scan3A_112 iter_args(%scan3A_117 = %scan3A_108) -> (i32)  : i32 {
        %broadcast_in_dim3A = arith.constant 0.000000e+00 : f32
        %broadcast_in_dim3A_118 = vector.broadcast %broadcast_in_dim3A : f32 to vector<16xf32>
        %mul3A_119 = arith.constant 16 : i32
        %mul3A_120 = arith.muli %scan3A_116, %mul3A_119 : i32
        %swap3A = arith.constant 0 : i32
        %swap3A_121 = arith.index_cast %swap3A : i32 to index
        %swap3A_122 = arith.index_cast %scan3A_106 : i32 to index
        %swap3A_123 = arith.index_cast %mul3A_120 : i32 to index
        %swap3A_124 = tpu.vector_load %arg8[%swap3A_121, %swap3A_122, %swap3A_123] {strides = array<i32>} : memref<3x80x128xf32, #tpu.memory_space<vmem>>, vector<1x1x16xf32>,
        %swap3A_125 = vector.shape_cast %swap3A_124 : vector<1x1x16xf32> to vector<16xf32>
        %swap3A_126 = vector.shape_cast %broadcast_in_dim3A_118 : vector<16xf32> to vector<1x1x16xf32>
        tpu.vector_store %arg8[%swap3A_121, %swap3A_122, %swap3A_123], %swap3A_126 {strides = array<i32>} : memref<3x80x128xf32, #tpu.memory_space<vmem>>, vector<1x1x16xf32>,
        %scan3A_127 = arith.constant 0 : i32
        scf.yield %scan3A_127 : i32
      }
      %scan3A_114 = arith.constant 8 : i32
      %scan3A_115 = arith.constant 0 : i32
      scf.yield %scan3A_115 : i32
    }
    %scan3A_6 = arith.constant 80 : i32
    %scan3A_7 = arith.constant 0 : i32
    %scan3A_8 = arith.constant 0 : i32
    %scan3A_9 = arith.constant 8 : i32
    %scan3A_10 = arith.addi %scan3A_8, %scan3A_9 : i32
    %scan3A_11 = arith.constant 1 : i32
    %scan3A_12 = scf.for %scan3A_106 = %scan3A_8 to %scan3A_10 step %scan3A_11 iter_args(%scan3A_107 = %scan3A_7) -> (i32)  : i32 {
      %mul3A_108 = arith.constant 640 : i32
      %mul3A_109 = arith.muli %arg1, %mul3A_108 : i32
      %mul3A_110 = arith.constant 80 : i32
      %mul3A_111 = arith.muli %scan3A_106, %mul3A_110 : i32
      %add3A_112 = arith.addi %mul3A_109, %mul3A_111 : i32
      %run_scoped3A = arith.constant 0 : i32
      "tpu.region"() ({
        %run_scoped3A_114 = tpu.sem_alloc : memref<!tpu.dma_semaphore, #tpu.memory_space<semaphore_mem>>
        %dma_start3A_115 = arith.constant 0 : i32
        %dma_start3A_116 = arith.constant 0 : i32
        %dma_start3A_117 = tpu.memref_slice %arg8[%run_scoped3A, %dma_start3A_115, %dma_start3A_116] : memref<3x80x128xf32, #tpu.memory_space<vmem>> -> memref<1x80x128xf32, #tpu.memory_space<vmem>>
        %dma_start3A_118 = tpu.memref_squeeze %dma_start3A_117 : memref<1x80x128xf32, #tpu.memory_space<vmem>> -> memref<80x128xf32, #tpu.memory_space<vmem>>
        %dma_start3A_119 = arith.constant 0 : i32
        %dma_start3A_120 = tpu.memref_slice %arg9[%add3A_112, %dma_start3A_119] : memref<10240x128xf32, #tpu.memory_space<vmem_shared>> -> memref<80x128xf32, #tpu.memory_space<vmem_shared>>
        %dma_start3A_121 = arith.constant 0 : i32
        %dma_start3A_122 = tpu.memref_slice %arg9[%add3A_112, %dma_start3A_121] : memref<10240x128xf32, #tpu.memory_space<vmem_shared>> -> memref<80x128xf32, #tpu.memory_space<vmem_shared>>
        %dma_start3A_123 = arith.constant 0 : i32
        %dma_start3A_124 = arith.constant 0 : i32
        %dma_start3A_125 = tpu.memref_slice %arg8[%run_scoped3A, %dma_start3A_123, %dma_start3A_124] : memref<3x80x128xf32, #tpu.memory_space<vmem>> -> memref<1x80x128xf32, #tpu.memory_space<vmem>>
        %dma_start3A_126 = tpu.memref_squeeze %dma_start3A_125 : memref<1x80x128xf32, #tpu.memory_space<vmem>> -> memref<80x128xf32, #tpu.memory_space<vmem>>
        tpu.enqueue_dma source(%dma_start3A_126 : memref<80x128xf32, #tpu.memory_space<vmem>>) target(%dma_start3A_122 : memref<80x128xf32, #tpu.memory_space<vmem_shared>>) target_semaphore(%run_scoped3A_114 : memref<!tpu.dma_semaphore, #tpu.memory_space<semaphore_mem>>)
        %dma_wait3A_127 = arith.constant 0 : i32
        %dma_wait3A_128 = arith.constant 0 : i32
        %dma_wait3A_129 = tpu.memref_slice %arg8[%run_scoped3A, %dma_wait3A_127, %dma_wait3A_128] : memref<3x80x128xf32, #tpu.memory_space<vmem>> -> memref<1x80x128xf32, #tpu.memory_space<vmem>>
        %dma_wait3A_130 = tpu.memref_squeeze %dma_wait3A_129 : memref<1x80x128xf32, #tpu.memory_space<vmem>> -> memref<80x128xf32, #tpu.memory_space<vmem>>
        %dma_wait3A_131 = arith.constant 0 : i32
        %dma_wait3A_132 = tpu.memref_slice %arg9[%add3A_112, %dma_wait3A_131] : memref<10240x128xf32, #tpu.memory_space<vmem_shared>> -> memref<80x128xf32, #tpu.memory_space<vmem_shared>>
        %dma_wait3A_133 = arith.constant 0 : i32
        %dma_wait3A_134 = tpu.memref_slice %arg9[%add3A_112, %dma_wait3A_133] : memref<10240x128xf32, #tpu.memory_space<vmem_shared>> -> memref<80x128xf32, #tpu.memory_space<vmem_shared>>
        %dma_wait3A_135 = arith.constant 0 : i32
        %dma_wait3A_136 = arith.constant 0 : i32
        %dma_wait3A_137 = tpu.memref_slice %arg8[%run_scoped3A, %dma_wait3A_135, %dma_wait3A_136] : memref<3x80x128xf32, #tpu.memory_space<vmem>> -> memref<1x80x128xf32, #tpu.memory_space<vmem>>
        %dma_wait3A_138 = tpu.memref_squeeze %dma_wait3A_137 : memref<1x80x128xf32, #tpu.memory_space<vmem>> -> memref<80x128xf32, #tpu.memory_space<vmem>>
        tpu.wait_dma2 semaphore(%run_scoped3A_114 : memref<!tpu.dma_semaphore, #tpu.memory_space<semaphore_mem>>) src(%dma_wait3A_138 : memref<80x128xf32, #tpu.memory_space<vmem>>) dst(%dma_wait3A_134 : memref<80x128xf32, #tpu.memory_space<vmem_shared>>)
        tpu.yield
      }) : () -> ()
      %scan3A_113 = arith.constant 0 : i32
      scf.yield %scan3A_113 : i32
    }
    %scan3A_13 = arith.constant 8 : i32
    %barrier3A = arith.constant 0 : index
    tpu.barrier barrier_id(%barrier3A)
    "tpu.region"() ({
      %run_scoped3A = tpu.sem_alloc : memref<!tpu.dma_semaphore, #tpu.memory_space<semaphore_mem>>
      %dma_start3A_106 = arith.constant 0 : i32
      %dma_start3A_107 = arith.constant 0 : i32
      %dma_start3A_108 = tpu.memref_slice %arg6[%dma_start3A_106, %dma_start3A_107] : memref<64x80xi32, #tpu.memory_space<vmem>> -> memref<64x80xi32, #tpu.memory_space<vmem>>
      %dma_start3A_109 = arith.constant 0 : i32
      %dma_start3A_110 = arith.constant 0 : i32
      %dma_start3A_111 = tpu.memref_slice %arg3[%add3A, %dma_start3A_109, %dma_start3A_110] : memref<32x125x80xi32, #tpu.memory_space<hbm>> -> memref<1x64x80xi32, #tpu.memory_space<hbm>>
      %dma_start3A_112 = tpu.memref_squeeze %dma_start3A_111 : memref<1x64x80xi32, #tpu.memory_space<hbm>> -> memref<64x80xi32, #tpu.memory_space<hbm>>
      %dma_start3A_113 = arith.constant 0 : i32
      %dma_start3A_114 = arith.constant 0 : i32
      %dma_start3A_115 = tpu.memref_slice %arg6[%dma_start3A_113, %dma_start3A_114] : memref<64x80xi32, #tpu.memory_space<vmem>> -> memref<64x80xi32, #tpu.memory_space<vmem>>
      %dma_start3A_116 = arith.constant 0 : i32
      %dma_start3A_117 = arith.constant 0 : i32
      %dma_start3A_118 = tpu.memref_slice %arg3[%add3A, %dma_start3A_116, %dma_start3A_117] : memref<32x125x80xi32, #tpu.memory_space<hbm>> -> memref<1x64x80xi32, #tpu.memory_space<hbm>>
      %dma_start3A_119 = tpu.memref_squeeze %dma_start3A_118 : memref<1x64x80xi32, #tpu.memory_space<hbm>> -> memref<64x80xi32, #tpu.memory_space<hbm>>
      tpu.enqueue_dma source(%dma_start3A_119 : memref<64x80xi32, #tpu.memory_space<hbm>>) target(%dma_start3A_115 : memref<64x80xi32, #tpu.memory_space<vmem>>) target_semaphore(%run_scoped3A : memref<!tpu.dma_semaphore, #tpu.memory_space<semaphore_mem>>)
      %dma_wait3A_120 = arith.constant 0 : i32
      %dma_wait3A_121 = arith.constant 0 : i32
      %dma_wait3A_122 = tpu.memref_slice %arg6[%dma_wait3A_120, %dma_wait3A_121] : memref<64x80xi32, #tpu.memory_space<vmem>> -> memref<64x80xi32, #tpu.memory_space<vmem>>
      %dma_wait3A_123 = arith.constant 0 : i32
      %dma_wait3A_124 = arith.constant 0 : i32
      %dma_wait3A_125 = tpu.memref_slice %arg3[%add3A, %dma_wait3A_123, %dma_wait3A_124] : memref<32x125x80xi32, #tpu.memory_space<hbm>> -> memref<1x64x80xi32, #tpu.memory_space<hbm>>
      %dma_wait3A_126 = tpu.memref_squeeze %dma_wait3A_125 : memref<1x64x80xi32, #tpu.memory_space<hbm>> -> memref<64x80xi32, #tpu.memory_space<hbm>>
      %dma_wait3A_127 = arith.constant 0 : i32
      %dma_wait3A_128 = arith.constant 0 : i32
      %dma_wait3A_129 = tpu.memref_slice %arg6[%dma_wait3A_127, %dma_wait3A_128] : memref<64x80xi32, #tpu.memory_space<vmem>> -> memref<64x80xi32, #tpu.memory_space<vmem>>
      %dma_wait3A_130 = arith.constant 0 : i32
      %dma_wait3A_131 = arith.constant 0 : i32
      %dma_wait3A_132 = tpu.memref_slice %arg3[%add3A, %dma_wait3A_130, %dma_wait3A_131] : memref<32x125x80xi32, #tpu.memory_space<hbm>> -> memref<1x64x80xi32, #tpu.memory_space<hbm>>
      %dma_wait3A_133 = tpu.memref_squeeze %dma_wait3A_132 : memref<1x64x80xi32, #tpu.memory_space<hbm>> -> memref<64x80xi32, #tpu.memory_space<hbm>>
      tpu.wait_dma2 semaphore(%run_scoped3A : memref<!tpu.dma_semaphore, #tpu.memory_space<semaphore_mem>>) src(%dma_wait3A_133 : memref<64x80xi32, #tpu.memory_space<hbm>>) dst(%dma_wait3A_129 : memref<64x80xi32, #tpu.memory_space<vmem>>)
      tpu.yield
    }) : () -> ()
    "tpu.region"() ({
      %run_scoped3A = tpu.sem_alloc : memref<!tpu.dma_semaphore, #tpu.memory_space<semaphore_mem>>
      %dma_start3A_106 = arith.constant 0 : i32
      %dma_start3A_107 = arith.constant 0 : i32
      %dma_start3A_108 = tpu.memref_slice %arg7[%dma_start3A_106, %dma_start3A_107] : memref<64x80xi32, #tpu.memory_space<vmem>> -> memref<64x80xi32, #tpu.memory_space<vmem>>
      %dma_start3A_109 = arith.constant 0 : i32
      %dma_start3A_110 = arith.constant 0 : i32
      %dma_start3A_111 = tpu.memref_slice %arg4[%add3A, %dma_start3A_109, %dma_start3A_110] : memref<32x125x80xi32, #tpu.memory_space<hbm>> -> memref<1x64x80xi32, #tpu.memory_space<hbm>>
      %dma_start3A_112 = tpu.memref_squeeze %dma_start3A_111 : memref<1x64x80xi32, #tpu.memory_space<hbm>> -> memref<64x80xi32, #tpu.memory_space<hbm>>
      %dma_start3A_113 = arith.constant 0 : i32
      %dma_start3A_114 = arith.constant 0 : i32
      %dma_start3A_115 = tpu.memref_slice %arg7[%dma_start3A_113, %dma_start3A_114] : memref<64x80xi32, #tpu.memory_space<vmem>> -> memref<64x80xi32, #tpu.memory_space<vmem>>
      %dma_start3A_116 = arith.constant 0 : i32
      %dma_start3A_117 = arith.constant 0 : i32
      %dma_start3A_118 = tpu.memref_slice %arg4[%add3A, %dma_start3A_116, %dma_start3A_117] : memref<32x125x80xi32, #tpu.memory_space<hbm>> -> memref<1x64x80xi32, #tpu.memory_space<hbm>>
      %dma_start3A_119 = tpu.memref_squeeze %dma_start3A_118 : memref<1x64x80xi32, #tpu.memory_space<hbm>> -> memref<64x80xi32, #tpu.memory_space<hbm>>
      tpu.enqueue_dma source(%dma_start3A_119 : memref<64x80xi32, #tpu.memory_space<hbm>>) target(%dma_start3A_115 : memref<64x80xi32, #tpu.memory_space<vmem>>) target_semaphore(%run_scoped3A : memref<!tpu.dma_semaphore, #tpu.memory_space<semaphore_mem>>)
      %dma_wait3A_120 = arith.constant 0 : i32
      %dma_wait3A_121 = arith.constant 0 : i32
      %dma_wait3A_122 = tpu.memref_slice %arg7[%dma_wait3A_120, %dma_wait3A_121] : memref<64x80xi32, #tpu.memory_space<vmem>> -> memref<64x80xi32, #tpu.memory_space<vmem>>
      %dma_wait3A_123 = arith.constant 0 : i32
      %dma_wait3A_124 = arith.constant 0 : i32
      %dma_wait3A_125 = tpu.memref_slice %arg4[%add3A, %dma_wait3A_123, %dma_wait3A_124] : memref<32x125x80xi32, #tpu.memory_space<hbm>> -> memref<1x64x80xi32, #tpu.memory_space<hbm>>
      %dma_wait3A_126 = tpu.memref_squeeze %dma_wait3A_125 : memref<1x64x80xi32, #tpu.memory_space<hbm>> -> memref<64x80xi32, #tpu.memory_space<hbm>>
      %dma_wait3A_127 = arith.constant 0 : i32
      %dma_wait3A_128 = arith.constant 0 : i32
      %dma_wait3A_129 = tpu.memref_slice %arg7[%dma_wait3A_127, %dma_wait3A_128] : memref<64x80xi32, #tpu.memory_space<vmem>> -> memref<64x80xi32, #tpu.memory_space<vmem>>
      %dma_wait3A_130 = arith.constant 0 : i32
      %dma_wait3A_131 = arith.constant 0 : i32
      %dma_wait3A_132 = tpu.memref_slice %arg4[%add3A, %dma_wait3A_130, %dma_wait3A_131] : memref<32x125x80xi32, #tpu.memory_space<hbm>> -> memref<1x64x80xi32, #tpu.memory_space<hbm>>
      %dma_wait3A_133 = tpu.memref_squeeze %dma_wait3A_132 : memref<1x64x80xi32, #tpu.memory_space<hbm>> -> memref<64x80xi32, #tpu.memory_space<hbm>>
      tpu.wait_dma2 semaphore(%run_scoped3A : memref<!tpu.dma_semaphore, #tpu.memory_space<semaphore_mem>>) src(%dma_wait3A_133 : memref<64x80xi32, #tpu.memory_space<hbm>>) dst(%dma_wait3A_129 : memref<64x80xi32, #tpu.memory_space<vmem>>)
      tpu.yield
    }) : () -> ()
    %dma_start3A = arith.constant 0 : i32
    %dma_start3A_14 = arith.constant 0 : i32
    %dma_start3A_15 = arith.constant 0 : i32
    %dma_start3A_16 = arith.constant 0 : i32
    %dma_start3A_17 = tpu.memref_slice %arg8[%dma_start3A_14, %dma_start3A_15, %dma_start3A_16] : memref<3x80x128xf32, #tpu.memory_space<vmem>> -> memref<1x80x128xf32, #tpu.memory_space<vmem>>
    %dma_start3A_18 = tpu.memref_squeeze %dma_start3A_17 : memref<1x80x128xf32, #tpu.memory_space<vmem>> -> memref<80x128xf32, #tpu.memory_space<vmem>>
    %dma_start3A_19 = arith.constant 0 : i32
    %dma_start3A_20 = tpu.memref_slice %arg6[%dma_start3A, %dma_start3A_19] : memref<64x80xi32, #tpu.memory_space<vmem>> -> memref<1x80xi32, #tpu.memory_space<vmem>>
    %dma_start3A_21 = tpu.memref_squeeze %dma_start3A_20 : memref<1x80xi32, #tpu.memory_space<vmem>> -> memref<80xi32, #tpu.memory_space<vmem>>
    %dma_start3A_22 = arith.constant 0 : i32
    %dma_start3A_23 = arith.constant 0 : i32
    %dma_start3A_24 = tpu.memref_slice %arg2[%dma_start3A_22, %dma_start3A_23] : memref<10240x128xf32, #tpu.memory_space<hbm>> -> memref<10240x128xf32, #tpu.memory_space<hbm>>
    tpu.enqueue_indirect_dma source(%dma_start3A_24 : memref<10240x128xf32, #tpu.memory_space<hbm>>) target(%dma_start3A_18 : memref<80x128xf32, #tpu.memory_space<vmem>>) offsets(%dma_start3A_21 : memref<80xi32, #tpu.memory_space<vmem>>) semaphore(%arg10 : memref<!tpu.dma_semaphore, #tpu.memory_space<semaphore_mem>>)
    %dma_start3A_25 = arith.constant 1 : i32
    %dma_start3A_26 = arith.constant 1 : i32
    %dma_start3A_27 = arith.constant 0 : i32
    %dma_start3A_28 = arith.constant 0 : i32
    %dma_start3A_29 = tpu.memref_slice %arg8[%dma_start3A_26, %dma_start3A_27, %dma_start3A_28] : memref<3x80x128xf32, #tpu.memory_space<vmem>> -> memref<1x80x128xf32, #tpu.memory_space<vmem>>
    %dma_start3A_30 = tpu.memref_squeeze %dma_start3A_29 : memref<1x80x128xf32, #tpu.memory_space<vmem>> -> memref<80x128xf32, #tpu.memory_space<vmem>>
    %dma_start3A_31 = arith.constant 0 : i32
    %dma_start3A_32 = tpu.memref_slice %arg6[%dma_start3A_25, %dma_start3A_31] : memref<64x80xi32, #tpu.memory_space<vmem>> -> memref<1x80xi32, #tpu.memory_space<vmem>>
    %dma_start3A_33 = tpu.memref_squeeze %dma_start3A_32 : memref<1x80xi32, #tpu.memory_space<vmem>> -> memref<80xi32, #tpu.memory_space<vmem>>
    %dma_start3A_34 = arith.constant 0 : i32
    %dma_start3A_35 = arith.constant 0 : i32
    %dma_start3A_36 = tpu.memref_slice %arg2[%dma_start3A_34, %dma_start3A_35] : memref<10240x128xf32, #tpu.memory_space<hbm>> -> memref<10240x128xf32, #tpu.memory_space<hbm>>
    tpu.enqueue_indirect_dma source(%dma_start3A_36 : memref<10240x128xf32, #tpu.memory_space<hbm>>) target(%dma_start3A_30 : memref<80x128xf32, #tpu.memory_space<vmem>>) offsets(%dma_start3A_33 : memref<80xi32, #tpu.memory_space<vmem>>) semaphore(%arg11 : memref<!tpu.dma_semaphore, #tpu.memory_space<semaphore_mem>>)
    %scan3A_37 = arith.constant 0 : i32
    %scan3A_38 = arith.constant 0 : i32
    %scan3A_39 = arith.constant 64 : i32
    %scan3A_40 = arith.addi %scan3A_38, %scan3A_39 : i32
    %scan3A_41 = arith.constant 1 : i32
    %scan3A_42 = scf.for %scan3A_106 = %scan3A_38 to %scan3A_40 step %scan3A_41 iter_args(%scan3A_107 = %scan3A_37) -> (i32)  : i32 {
      %rem3A = arith.constant 3 : i32
      %rem3A_108 = arith.remsi %scan3A_106, %rem3A : i32
      %eq3A = arith.constant 0 : i32
      %eq3A_109 = arith.cmpi eq, %rem3A_108, %eq3A : i32
      %convert_element_type3A = arith.extui %eq3A_109 : i1 to i32
      %cond3A = arith.constant 0 : i32
      %cond3A_110 = arith.cmpi ne, %convert_element_type3A, %cond3A : i32
      scf.if %cond3A_110 {
        %ge3A = arith.constant 1 : i32
        %ge3A_126 = arith.cmpi sge, %scan3A_106, %ge3A : i32
        %convert_element_type3A_127 = arith.extui %ge3A_126 : i1 to i32
        %cond3A_128 = arith.constant 0 : i32
        %cond3A_129 = arith.cmpi ne, %convert_element_type3A_127, %cond3A_128 : i32
        scf.if %cond3A_129 {
          %sub3A = arith.constant 1 : i32
          %sub3A_158 = arith.subi %scan3A_106, %sub3A : i32
          %dma_wait3A_159 = arith.constant 2 : i32
          %dma_wait3A_160 = arith.constant 0 : i32
          %dma_wait3A_161 = arith.constant 0 : i32
          %dma_wait3A_162 = tpu.memref_slice %arg8[%dma_wait3A_159, %dma_wait3A_160, %dma_wait3A_161] : memref<3x80x128xf32, #tpu.memory_space<vmem>> -> memref<1x80x128xf32, #tpu.memory_space<vmem>>
          %dma_wait3A_163 = tpu.memref_squeeze %dma_wait3A_162 : memref<1x80x128xf32, #tpu.memory_space<vmem>> -> memref<80x128xf32, #tpu.memory_space<vmem>>
          %dma_wait3A_164 = arith.constant 0 : i32
          %dma_wait3A_165 = tpu.memref_slice %arg7[%sub3A_158, %dma_wait3A_164] : memref<64x80xi32, #tpu.memory_space<vmem>> -> memref<1x80xi32, #tpu.memory_space<vmem>>
          %dma_wait3A_166 = tpu.memref_squeeze %dma_wait3A_165 : memref<1x80xi32, #tpu.memory_space<vmem>> -> memref<80xi32, #tpu.memory_space<vmem>>
          %dma_wait3A_167 = arith.constant 0 : i32
          %dma_wait3A_168 = arith.constant 0 : i32
          %dma_wait3A_169 = tpu.memref_slice %arg9[%dma_wait3A_167, %dma_wait3A_168] : memref<10240x128xf32, #tpu.memory_space<vmem_shared>> -> memref<10240x128xf32, #tpu.memory_space<vmem_shared>>
          tpu.wait_indirect_dma semaphore(%arg15 : memref<!tpu.dma_semaphore, #tpu.memory_space<semaphore_mem>>) src(%dma_wait3A_163 : memref<80x128xf32, #tpu.memory_space<vmem>>) dst(%dma_wait3A_169 : memref<10240x128xf32, #tpu.memory_space<vmem_shared>>)
        } else {
        }
        %add3A_130 = arith.constant 2 : i32
        %add3A_131 = arith.addi %scan3A_106, %add3A_130 : i32
        %lt3A = arith.constant 64 : i32
        %lt3A_132 = arith.cmpi slt, %add3A_131, %lt3A : i32
        %convert_element_type3A_133 = arith.extui %lt3A_132 : i1 to i32
        %cond3A_134 = arith.constant 0 : i32
        %cond3A_135 = arith.cmpi ne, %convert_element_type3A_133, %cond3A_134 : i32
        scf.if %cond3A_135 {
          %add3A_158 = arith.constant 2 : i32
          %add3A_159 = arith.addi %scan3A_106, %add3A_158 : i32
          %dma_start3A_160 = arith.constant 2 : i32
          %dma_start3A_161 = arith.constant 0 : i32
          %dma_start3A_162 = arith.constant 0 : i32
          %dma_start3A_163 = tpu.memref_slice %arg8[%dma_start3A_160, %dma_start3A_161, %dma_start3A_162] : memref<3x80x128xf32, #tpu.memory_space<vmem>> -> memref<1x80x128xf32, #tpu.memory_space<vmem>>
          %dma_start3A_164 = tpu.memref_squeeze %dma_start3A_163 : memref<1x80x128xf32, #tpu.memory_space<vmem>> -> memref<80x128xf32, #tpu.memory_space<vmem>>
          %dma_start3A_165 = arith.constant 0 : i32
          %dma_start3A_166 = tpu.memref_slice %arg6[%add3A_159, %dma_start3A_165] : memref<64x80xi32, #tpu.memory_space<vmem>> -> memref<1x80xi32, #tpu.memory_space<vmem>>
          %dma_start3A_167 = tpu.memref_squeeze %dma_start3A_166 : memref<1x80xi32, #tpu.memory_space<vmem>> -> memref<80xi32, #tpu.memory_space<vmem>>
          %dma_start3A_168 = arith.constant 0 : i32
          %dma_start3A_169 = arith.constant 0 : i32
          %dma_start3A_170 = tpu.memref_slice %arg2[%dma_start3A_168, %dma_start3A_169] : memref<10240x128xf32, #tpu.memory_space<hbm>> -> memref<10240x128xf32, #tpu.memory_space<hbm>>
          tpu.enqueue_indirect_dma source(%dma_start3A_170 : memref<10240x128xf32, #tpu.memory_space<hbm>>) target(%dma_start3A_164 : memref<80x128xf32, #tpu.memory_space<vmem>>) offsets(%dma_start3A_167 : memref<80xi32, #tpu.memory_space<vmem>>) semaphore(%arg12 : memref<!tpu.dma_semaphore, #tpu.memory_space<semaphore_mem>>)
        } else {
        }
        %dma_wait3A_136 = arith.constant 0 : i32
        %dma_wait3A_137 = arith.constant 0 : i32
        %dma_wait3A_138 = arith.constant 0 : i32
        %dma_wait3A_139 = tpu.memref_slice %arg8[%dma_wait3A_136, %dma_wait3A_137, %dma_wait3A_138] : memref<3x80x128xf32, #tpu.memory_space<vmem>> -> memref<1x80x128xf32, #tpu.memory_space<vmem>>
        %dma_wait3A_140 = tpu.memref_squeeze %dma_wait3A_139 : memref<1x80x128xf32, #tpu.memory_space<vmem>> -> memref<80x128xf32, #tpu.memory_space<vmem>>
        %dma_wait3A_141 = arith.constant 0 : i32
        %dma_wait3A_142 = tpu.memref_slice %arg6[%scan3A_106, %dma_wait3A_141] : memref<64x80xi32, #tpu.memory_space<vmem>> -> memref<1x80xi32, #tpu.memory_space<vmem>>
        %dma_wait3A_143 = tpu.memref_squeeze %dma_wait3A_142 : memref<1x80xi32, #tpu.memory_space<vmem>> -> memref<80xi32, #tpu.memory_space<vmem>>
        %dma_wait3A_144 = arith.constant 0 : i32
        %dma_wait3A_145 = arith.constant 0 : i32
        %dma_wait3A_146 = tpu.memref_slice %arg2[%dma_wait3A_144, %dma_wait3A_145] : memref<10240x128xf32, #tpu.memory_space<hbm>> -> memref<10240x128xf32, #tpu.memory_space<hbm>>
        tpu.wait_indirect_dma semaphore(%arg10 : memref<!tpu.dma_semaphore, #tpu.memory_space<semaphore_mem>>) src(%dma_wait3A_146 : memref<10240x128xf32, #tpu.memory_space<hbm>>) dst(%dma_wait3A_140 : memref<80x128xf32, #tpu.memory_space<vmem>>)
        %dma_start3A_147 = arith.constant 0 : i32
        %dma_start3A_148 = arith.constant 0 : i32
        %dma_start3A_149 = arith.constant 0 : i32
        %dma_start3A_150 = tpu.memref_slice %arg8[%dma_start3A_147, %dma_start3A_148, %dma_start3A_149] : memref<3x80x128xf32, #tpu.memory_space<vmem>> -> memref<1x80x128xf32, #tpu.memory_space<vmem>>
        %dma_start3A_151 = tpu.memref_squeeze %dma_start3A_150 : memref<1x80x128xf32, #tpu.memory_space<vmem>> -> memref<80x128xf32, #tpu.memory_space<vmem>>
        %dma_start3A_152 = arith.constant 0 : i32
        %dma_start3A_153 = tpu.memref_slice %arg7[%scan3A_106, %dma_start3A_152] : memref<64x80xi32, #tpu.memory_space<vmem>> -> memref<1x80xi32, #tpu.memory_space<vmem>>
        %dma_start3A_154 = tpu.memref_squeeze %dma_start3A_153 : memref<1x80xi32, #tpu.memory_space<vmem>> -> memref<80xi32, #tpu.memory_space<vmem>>
        %dma_start3A_155 = arith.constant 0 : i32
        %dma_start3A_156 = arith.constant 0 : i32
        %dma_start3A_157 = tpu.memref_slice %arg9[%dma_start3A_155, %dma_start3A_156] : memref<10240x128xf32, #tpu.memory_space<vmem_shared>> -> memref<10240x128xf32, #tpu.memory_space<vmem_shared>>
        tpu.enqueue_indirect_dma source(%dma_start3A_151 : memref<80x128xf32, #tpu.memory_space<vmem>>) target(%dma_start3A_157 : memref<10240x128xf32, #tpu.memory_space<vmem_shared>>) offsets(%dma_start3A_154 : memref<80xi32, #tpu.memory_space<vmem>>) semaphore(%arg13 : memref<!tpu.dma_semaphore, #tpu.memory_space<semaphore_mem>>) {add = true}
      } else {
      }
      %rem3A_111 = arith.constant 3 : i32
      %rem3A_112 = arith.remsi %scan3A_106, %rem3A_111 : i32
      %eq3A_113 = arith.constant 1 : i32
      %eq3A_114 = arith.cmpi eq, %rem3A_112, %eq3A_113 : i32
      %convert_element_type3A_115 = arith.extui %eq3A_114 : i1 to i32
      %cond3A_116 = arith.constant 0 : i32
      %cond3A_117 = arith.cmpi ne, %convert_element_type3A_115, %cond3A_116 : i32
      scf.if %cond3A_117 {
        %ge3A = arith.constant 1 : i32
        %ge3A_126 = arith.cmpi sge, %scan3A_106, %ge3A : i32
        %convert_element_type3A_127 = arith.extui %ge3A_126 : i1 to i32
        %cond3A_128 = arith.constant 0 : i32
        %cond3A_129 = arith.cmpi ne, %convert_element_type3A_127, %cond3A_128 : i32
        scf.if %cond3A_129 {
          %sub3A = arith.constant 1 : i32
          %sub3A_158 = arith.subi %scan3A_106, %sub3A : i32
          %dma_wait3A_159 = arith.constant 0 : i32
          %dma_wait3A_160 = arith.constant 0 : i32
          %dma_wait3A_161 = arith.constant 0 : i32
          %dma_wait3A_162 = tpu.memref_slice %arg8[%dma_wait3A_159, %dma_wait3A_160, %dma_wait3A_161] : memref<3x80x128xf32, #tpu.memory_space<vmem>> -> memref<1x80x128xf32, #tpu.memory_space<vmem>>
          %dma_wait3A_163 = tpu.memref_squeeze %dma_wait3A_162 : memref<1x80x128xf32, #tpu.memory_space<vmem>> -> memref<80x128xf32, #tpu.memory_space<vmem>>
          %dma_wait3A_164 = arith.constant 0 : i32
          %dma_wait3A_165 = tpu.memref_slice %arg7[%sub3A_158, %dma_wait3A_164] : memref<64x80xi32, #tpu.memory_space<vmem>> -> memref<1x80xi32, #tpu.memory_space<vmem>>
          %dma_wait3A_166 = tpu.memref_squeeze %dma_wait3A_165 : memref<1x80xi32, #tpu.memory_space<vmem>> -> memref<80xi32, #tpu.memory_space<vmem>>
          %dma_wait3A_167 = arith.constant 0 : i32
          %dma_wait3A_168 = arith.constant 0 : i32
          %dma_wait3A_169 = tpu.memref_slice %arg9[%dma_wait3A_167, %dma_wait3A_168] : memref<10240x128xf32, #tpu.memory_space<vmem_shared>> -> memref<10240x128xf32, #tpu.memory_space<vmem_shared>>
          tpu.wait_indirect_dma semaphore(%arg13 : memref<!tpu.dma_semaphore, #tpu.memory_space<semaphore_mem>>) src(%dma_wait3A_163 : memref<80x128xf32, #tpu.memory_space<vmem>>) dst(%dma_wait3A_169 : memref<10240x128xf32, #tpu.memory_space<vmem_shared>>)
        } else {
        }
        %add3A_130 = arith.constant 2 : i32
        %add3A_131 = arith.addi %scan3A_106, %add3A_130 : i32
        %lt3A = arith.constant 64 : i32
        %lt3A_132 = arith.cmpi slt, %add3A_131, %lt3A : i32
        %convert_element_type3A_133 = arith.extui %lt3A_132 : i1 to i32
        %cond3A_134 = arith.constant 0 : i32
        %cond3A_135 = arith.cmpi ne, %convert_element_type3A_133, %cond3A_134 : i32
        scf.if %cond3A_135 {
          %add3A_158 = arith.constant 2 : i32
          %add3A_159 = arith.addi %scan3A_106, %add3A_158 : i32
          %dma_start3A_160 = arith.constant 0 : i32
          %dma_start3A_161 = arith.constant 0 : i32
          %dma_start3A_162 = arith.constant 0 : i32
          %dma_start3A_163 = tpu.memref_slice %arg8[%dma_start3A_160, %dma_start3A_161, %dma_start3A_162] : memref<3x80x128xf32, #tpu.memory_space<vmem>> -> memref<1x80x128xf32, #tpu.memory_space<vmem>>
          %dma_start3A_164 = tpu.memref_squeeze %dma_start3A_163 : memref<1x80x128xf32, #tpu.memory_space<vmem>> -> memref<80x128xf32, #tpu.memory_space<vmem>>
          %dma_start3A_165 = arith.constant 0 : i32
          %dma_start3A_166 = tpu.memref_slice %arg6[%add3A_159, %dma_start3A_165] : memref<64x80xi32, #tpu.memory_space<vmem>> -> memref<1x80xi32, #tpu.memory_space<vmem>>
          %dma_start3A_167 = tpu.memref_squeeze %dma_start3A_166 : memref<1x80xi32, #tpu.memory_space<vmem>> -> memref<80xi32, #tpu.memory_space<vmem>>
          %dma_start3A_168 = arith.constant 0 : i32
          %dma_start3A_169 = arith.constant 0 : i32
          %dma_start3A_170 = tpu.memref_slice %arg2[%dma_start3A_168, %dma_start3A_169] : memref<10240x128xf32, #tpu.memory_space<hbm>> -> memref<10240x128xf32, #tpu.memory_space<hbm>>
          tpu.enqueue_indirect_dma source(%dma_start3A_170 : memref<10240x128xf32, #tpu.memory_space<hbm>>) target(%dma_start3A_164 : memref<80x128xf32, #tpu.memory_space<vmem>>) offsets(%dma_start3A_167 : memref<80xi32, #tpu.memory_space<vmem>>) semaphore(%arg10 : memref<!tpu.dma_semaphore, #tpu.memory_space<semaphore_mem>>)
        } else {
        }
        %dma_wait3A_136 = arith.constant 1 : i32
        %dma_wait3A_137 = arith.constant 0 : i32
        %dma_wait3A_138 = arith.constant 0 : i32
        %dma_wait3A_139 = tpu.memref_slice %arg8[%dma_wait3A_136, %dma_wait3A_137, %dma_wait3A_138] : memref<3x80x128xf32, #tpu.memory_space<vmem>> -> memref<1x80x128xf32, #tpu.memory_space<vmem>>
        %dma_wait3A_140 = tpu.memref_squeeze %dma_wait3A_139 : memref<1x80x128xf32, #tpu.memory_space<vmem>> -> memref<80x128xf32, #tpu.memory_space<vmem>>
        %dma_wait3A_141 = arith.constant 0 : i32
        %dma_wait3A_142 = tpu.memref_slice %arg6[%scan3A_106, %dma_wait3A_141] : memref<64x80xi32, #tpu.memory_space<vmem>> -> memref<1x80xi32, #tpu.memory_space<vmem>>
        %dma_wait3A_143 = tpu.memref_squeeze %dma_wait3A_142 : memref<1x80xi32, #tpu.memory_space<vmem>> -> memref<80xi32, #tpu.memory_space<vmem>>
        %dma_wait3A_144 = arith.constant 0 : i32
        %dma_wait3A_145 = arith.constant 0 : i32
        %dma_wait3A_146 = tpu.memref_slice %arg2[%dma_wait3A_144, %dma_wait3A_145] : memref<10240x128xf32, #tpu.memory_space<hbm>> -> memref<10240x128xf32, #tpu.memory_space<hbm>>
        tpu.wait_indirect_dma semaphore(%arg11 : memref<!tpu.dma_semaphore, #tpu.memory_space<semaphore_mem>>) src(%dma_wait3A_146 : memref<10240x128xf32, #tpu.memory_space<hbm>>) dst(%dma_wait3A_140 : memref<80x128xf32, #tpu.memory_space<vmem>>)
        %dma_start3A_147 = arith.constant 1 : i32
        %dma_start3A_148 = arith.constant 0 : i32
        %dma_start3A_149 = arith.constant 0 : i32
        %dma_start3A_150 = tpu.memref_slice %arg8[%dma_start3A_147, %dma_start3A_148, %dma_start3A_149] : memref<3x80x128xf32, #tpu.memory_space<vmem>> -> memref<1x80x128xf32, #tpu.memory_space<vmem>>
        %dma_start3A_151 = tpu.memref_squeeze %dma_start3A_150 : memref<1x80x128xf32, #tpu.memory_space<vmem>> -> memref<80x128xf32, #tpu.memory_space<vmem>>
        %dma_start3A_152 = arith.constant 0 : i32
        %dma_start3A_153 = tpu.memref_slice %arg7[%scan3A_106, %dma_start3A_152] : memref<64x80xi32, #tpu.memory_space<vmem>> -> memref<1x80xi32, #tpu.memory_space<vmem>>
        %dma_start3A_154 = tpu.memref_squeeze %dma_start3A_153 : memref<1x80xi32, #tpu.memory_space<vmem>> -> memref<80xi32, #tpu.memory_space<vmem>>
        %dma_start3A_155 = arith.constant 0 : i32
        %dma_start3A_156 = arith.constant 0 : i32
        %dma_start3A_157 = tpu.memref_slice %arg9[%dma_start3A_155, %dma_start3A_156] : memref<10240x128xf32, #tpu.memory_space<vmem_shared>> -> memref<10240x128xf32, #tpu.memory_space<vmem_shared>>
        tpu.enqueue_indirect_dma source(%dma_start3A_151 : memref<80x128xf32, #tpu.memory_space<vmem>>) target(%dma_start3A_157 : memref<10240x128xf32, #tpu.memory_space<vmem_shared>>) offsets(%dma_start3A_154 : memref<80xi32, #tpu.memory_space<vmem>>) semaphore(%arg14 : memref<!tpu.dma_semaphore, #tpu.memory_space<semaphore_mem>>) {add = true}
      } else {
      }
      %rem3A_118 = arith.constant 3 : i32
      %rem3A_119 = arith.remsi %scan3A_106, %rem3A_118 : i32
      %eq3A_120 = arith.constant 2 : i32
      %eq3A_121 = arith.cmpi eq, %rem3A_119, %eq3A_120 : i32
      %convert_element_type3A_122 = arith.extui %eq3A_121 : i1 to i32
      %cond3A_123 = arith.constant 0 : i32
      %cond3A_124 = arith.cmpi ne, %convert_element_type3A_122, %cond3A_123 : i32
      scf.if %cond3A_124 {
        %ge3A = arith.constant 1 : i32
        %ge3A_126 = arith.cmpi sge, %scan3A_106, %ge3A : i32
        %convert_element_type3A_127 = arith.extui %ge3A_126 : i1 to i32
        %cond3A_128 = arith.constant 0 : i32
        %cond3A_129 = arith.cmpi ne, %convert_element_type3A_127, %cond3A_128 : i32
        scf.if %cond3A_129 {
          %sub3A = arith.constant 1 : i32
          %sub3A_158 = arith.subi %scan3A_106, %sub3A : i32
          %dma_wait3A_159 = arith.constant 1 : i32
          %dma_wait3A_160 = arith.constant 0 : i32
          %dma_wait3A_161 = arith.constant 0 : i32
          %dma_wait3A_162 = tpu.memref_slice %arg8[%dma_wait3A_159, %dma_wait3A_160, %dma_wait3A_161] : memref<3x80x128xf32, #tpu.memory_space<vmem>> -> memref<1x80x128xf32, #tpu.memory_space<vmem>>
          %dma_wait3A_163 = tpu.memref_squeeze %dma_wait3A_162 : memref<1x80x128xf32, #tpu.memory_space<vmem>> -> memref<80x128xf32, #tpu.memory_space<vmem>>
          %dma_wait3A_164 = arith.constant 0 : i32
          %dma_wait3A_165 = tpu.memref_slice %arg7[%sub3A_158, %dma_wait3A_164] : memref<64x80xi32, #tpu.memory_space<vmem>> -> memref<1x80xi32, #tpu.memory_space<vmem>>
          %dma_wait3A_166 = tpu.memref_squeeze %dma_wait3A_165 : memref<1x80xi32, #tpu.memory_space<vmem>> -> memref<80xi32, #tpu.memory_space<vmem>>
          %dma_wait3A_167 = arith.constant 0 : i32
          %dma_wait3A_168 = arith.constant 0 : i32
          %dma_wait3A_169 = tpu.memref_slice %arg9[%dma_wait3A_167, %dma_wait3A_168] : memref<10240x128xf32, #tpu.memory_space<vmem_shared>> -> memref<10240x128xf32, #tpu.memory_space<vmem_shared>>
          tpu.wait_indirect_dma semaphore(%arg14 : memref<!tpu.dma_semaphore, #tpu.memory_space<semaphore_mem>>) src(%dma_wait3A_163 : memref<80x128xf32, #tpu.memory_space<vmem>>) dst(%dma_wait3A_169 : memref<10240x128xf32, #tpu.memory_space<vmem_shared>>)
        } else {
        }
        %add3A_130 = arith.constant 2 : i32
        %add3A_131 = arith.addi %scan3A_106, %add3A_130 : i32
        %lt3A = arith.constant 64 : i32
        %lt3A_132 = arith.cmpi slt, %add3A_131, %lt3A : i32
        %convert_element_type3A_133 = arith.extui %lt3A_132 : i1 to i32
        %cond3A_134 = arith.constant 0 : i32
        %cond3A_135 = arith.cmpi ne, %convert_element_type3A_133, %cond3A_134 : i32
        scf.if %cond3A_135 {
          %add3A_158 = arith.constant 2 : i32
          %add3A_159 = arith.addi %scan3A_106, %add3A_158 : i32
          %dma_start3A_160 = arith.constant 1 : i32
          %dma_start3A_161 = arith.constant 0 : i32
          %dma_start3A_162 = arith.constant 0 : i32
          %dma_start3A_163 = tpu.memref_slice %arg8[%dma_start3A_160, %dma_start3A_161, %dma_start3A_162] : memref<3x80x128xf32, #tpu.memory_space<vmem>> -> memref<1x80x128xf32, #tpu.memory_space<vmem>>
          %dma_start3A_164 = tpu.memref_squeeze %dma_start3A_163 : memref<1x80x128xf32, #tpu.memory_space<vmem>> -> memref<80x128xf32, #tpu.memory_space<vmem>>
          %dma_start3A_165 = arith.constant 0 : i32
          %dma_start3A_166 = tpu.memref_slice %arg6[%add3A_159, %dma_start3A_165] : memref<64x80xi32, #tpu.memory_space<vmem>> -> memref<1x80xi32, #tpu.memory_space<vmem>>
          %dma_start3A_167 = tpu.memref_squeeze %dma_start3A_166 : memref<1x80xi32, #tpu.memory_space<vmem>> -> memref<80xi32, #tpu.memory_space<vmem>>
          %dma_start3A_168 = arith.constant 0 : i32
          %dma_start3A_169 = arith.constant 0 : i32
          %dma_start3A_170 = tpu.memref_slice %arg2[%dma_start3A_168, %dma_start3A_169] : memref<10240x128xf32, #tpu.memory_space<hbm>> -> memref<10240x128xf32, #tpu.memory_space<hbm>>
          tpu.enqueue_indirect_dma source(%dma_start3A_170 : memref<10240x128xf32, #tpu.memory_space<hbm>>) target(%dma_start3A_164 : memref<80x128xf32, #tpu.memory_space<vmem>>) offsets(%dma_start3A_167 : memref<80xi32, #tpu.memory_space<vmem>>) semaphore(%arg11 : memref<!tpu.dma_semaphore, #tpu.memory_space<semaphore_mem>>)
        } else {
        }
        %dma_wait3A_136 = arith.constant 2 : i32
        %dma_wait3A_137 = arith.constant 0 : i32
        %dma_wait3A_138 = arith.constant 0 : i32
        %dma_wait3A_139 = tpu.memref_slice %arg8[%dma_wait3A_136, %dma_wait3A_137, %dma_wait3A_138] : memref<3x80x128xf32, #tpu.memory_space<vmem>> -> memref<1x80x128xf32, #tpu.memory_space<vmem>>
        %dma_wait3A_140 = tpu.memref_squeeze %dma_wait3A_139 : memref<1x80x128xf32, #tpu.memory_space<vmem>> -> memref<80x128xf32, #tpu.memory_space<vmem>>
        %dma_wait3A_141 = arith.constant 0 : i32
        %dma_wait3A_142 = tpu.memref_slice %arg6[%scan3A_106, %dma_wait3A_141] : memref<64x80xi32, #tpu.memory_space<vmem>> -> memref<1x80xi32, #tpu.memory_space<vmem>>
        %dma_wait3A_143 = tpu.memref_squeeze %dma_wait3A_142 : memref<1x80xi32, #tpu.memory_space<vmem>> -> memref<80xi32, #tpu.memory_space<vmem>>
        %dma_wait3A_144 = arith.constant 0 : i32
        %dma_wait3A_145 = arith.constant 0 : i32
        %dma_wait3A_146 = tpu.memref_slice %arg2[%dma_wait3A_144, %dma_wait3A_145] : memref<10240x128xf32, #tpu.memory_space<hbm>> -> memref<10240x128xf32, #tpu.memory_space<hbm>>
        tpu.wait_indirect_dma semaphore(%arg12 : memref<!tpu.dma_semaphore, #tpu.memory_space<semaphore_mem>>) src(%dma_wait3A_146 : memref<10240x128xf32, #tpu.memory_space<hbm>>) dst(%dma_wait3A_140 : memref<80x128xf32, #tpu.memory_space<vmem>>)
        %dma_start3A_147 = arith.constant 2 : i32
        %dma_start3A_148 = arith.constant 0 : i32
        %dma_start3A_149 = arith.constant 0 : i32
        %dma_start3A_150 = tpu.memref_slice %arg8[%dma_start3A_147, %dma_start3A_148, %dma_start3A_149] : memref<3x80x128xf32, #tpu.memory_space<vmem>> -> memref<1x80x128xf32, #tpu.memory_space<vmem>>
        %dma_start3A_151 = tpu.memref_squeeze %dma_start3A_150 : memref<1x80x128xf32, #tpu.memory_space<vmem>> -> memref<80x128xf32, #tpu.memory_space<vmem>>
        %dma_start3A_152 = arith.constant 0 : i32
        %dma_start3A_153 = tpu.memref_slice %arg7[%scan3A_106, %dma_start3A_152] : memref<64x80xi32, #tpu.memory_space<vmem>> -> memref<1x80xi32, #tpu.memory_space<vmem>>
        %dma_start3A_154 = tpu.memref_squeeze %dma_start3A_153 : memref<1x80xi32, #tpu.memory_space<vmem>> -> memref<80xi32, #tpu.memory_space<vmem>>
        %dma_start3A_155 = arith.constant 0 : i32
        %dma_start3A_156 = arith.constant 0 : i32
        %dma_start3A_157 = tpu.memref_slice %arg9[%dma_start3A_155, %dma_start3A_156] : memref<10240x128xf32, #tpu.memory_space<vmem_shared>> -> memref<10240x128xf32, #tpu.memory_space<vmem_shared>>
        tpu.enqueue_indirect_dma source(%dma_start3A_151 : memref<80x128xf32, #tpu.memory_space<vmem>>) target(%dma_start3A_157 : memref<10240x128xf32, #tpu.memory_space<vmem_shared>>) offsets(%dma_start3A_154 : memref<80xi32, #tpu.memory_space<vmem>>) semaphore(%arg15 : memref<!tpu.dma_semaphore, #tpu.memory_space<semaphore_mem>>) {add = true}
      } else {
      }
      %scan3A_125 = arith.constant 0 : i32
      scf.yield %scan3A_125 : i32
    }
    %scan3A_43 = arith.constant 64 : i32
    %dma_wait3A = arith.constant 0 : i32
    %dma_wait3A_44 = arith.constant 63 : i32
    %dma_wait3A_45 = arith.constant 0 : i32
    %dma_wait3A_46 = arith.constant 0 : i32
    %dma_wait3A_47 = tpu.memref_slice %arg8[%dma_wait3A, %dma_wait3A_45, %dma_wait3A_46] : memref<3x80x128xf32, #tpu.memory_space<vmem>> -> memref<1x80x128xf32, #tpu.memory_space<vmem>>
    %dma_wait3A_48 = tpu.memref_squeeze %dma_wait3A_47 : memref<1x80x128xf32, #tpu.memory_space<vmem>> -> memref<80x128xf32, #tpu.memory_space<vmem>>
    %dma_wait3A_49 = arith.constant 0 : i32
    %dma_wait3A_50 = tpu.memref_slice %arg7[%dma_wait3A_44, %dma_wait3A_49] : memref<64x80xi32, #tpu.memory_space<vmem>> -> memref<1x80xi32, #tpu.memory_space<vmem>>
    %dma_wait3A_51 = tpu.memref_squeeze %dma_wait3A_50 : memref<1x80xi32, #tpu.memory_space<vmem>> -> memref<80xi32, #tpu.memory_space<vmem>>
    %dma_wait3A_52 = arith.constant 0 : i32
    %dma_wait3A_53 = arith.constant 0 : i32
    %dma_wait3A_54 = tpu.memref_slice %arg9[%dma_wait3A_52, %dma_wait3A_53] : memref<10240x128xf32, #tpu.memory_space<vmem_shared>> -> memref<10240x128xf32, #tpu.memory_space<vmem_shared>>
    tpu.wait_indirect_dma semaphore(%arg13 : memref<!tpu.dma_semaphore, #tpu.memory_space<semaphore_mem>>) src(%dma_wait3A_48 : memref<80x128xf32, #tpu.memory_space<vmem>>) dst(%dma_wait3A_54 : memref<10240x128xf32, #tpu.memory_space<vmem_shared>>)
    "tpu.region"() ({
      %run_scoped3A = tpu.sem_alloc : memref<!tpu.dma_semaphore, #tpu.memory_space<semaphore_mem>>
      %dma_start3A_106 = arith.constant 0 : i32
      %dma_start3A_107 = arith.constant 0 : i32
      %dma_start3A_108 = tpu.memref_slice %arg6[%dma_start3A_106, %dma_start3A_107] : memref<64x80xi32, #tpu.memory_space<vmem>> -> memref<61x80xi32, #tpu.memory_space<vmem>>
      %dma_start3A_109 = arith.constant 64 : i32
      %dma_start3A_110 = arith.constant 0 : i32
      %dma_start3A_111 = tpu.memref_slice %arg3[%add3A, %dma_start3A_109, %dma_start3A_110] : memref<32x125x80xi32, #tpu.memory_space<hbm>> -> memref<1x61x80xi32, #tpu.memory_space<hbm>>
      %dma_start3A_112 = tpu.memref_squeeze %dma_start3A_111 : memref<1x61x80xi32, #tpu.memory_space<hbm>> -> memref<61x80xi32, #tpu.memory_space<hbm>>
      %dma_start3A_113 = arith.constant 0 : i32
      %dma_start3A_114 = arith.constant 0 : i32
      %dma_start3A_115 = tpu.memref_slice %arg6[%dma_start3A_113, %dma_start3A_114] : memref<64x80xi32, #tpu.memory_space<vmem>> -> memref<61x80xi32, #tpu.memory_space<vmem>>
      %dma_start3A_116 = arith.constant 64 : i32
      %dma_start3A_117 = arith.constant 0 : i32
      %dma_start3A_118 = tpu.memref_slice %arg3[%add3A, %dma_start3A_116, %dma_start3A_117] : memref<32x125x80xi32, #tpu.memory_space<hbm>> -> memref<1x61x80xi32, #tpu.memory_space<hbm>>
      %dma_start3A_119 = tpu.memref_squeeze %dma_start3A_118 : memref<1x61x80xi32, #tpu.memory_space<hbm>> -> memref<61x80xi32, #tpu.memory_space<hbm>>
      tpu.enqueue_dma source(%dma_start3A_119 : memref<61x80xi32, #tpu.memory_space<hbm>>) target(%dma_start3A_115 : memref<61x80xi32, #tpu.memory_space<vmem>>) target_semaphore(%run_scoped3A : memref<!tpu.dma_semaphore, #tpu.memory_space<semaphore_mem>>)
      %dma_wait3A_120 = arith.constant 0 : i32
      %dma_wait3A_121 = arith.constant 0 : i32
      %dma_wait3A_122 = tpu.memref_slice %arg6[%dma_wait3A_120, %dma_wait3A_121] : memref<64x80xi32, #tpu.memory_space<vmem>> -> memref<61x80xi32, #tpu.memory_space<vmem>>
      %dma_wait3A_123 = arith.constant 64 : i32
      %dma_wait3A_124 = arith.constant 0 : i32
      %dma_wait3A_125 = tpu.memref_slice %arg3[%add3A, %dma_wait3A_123, %dma_wait3A_124] : memref<32x125x80xi32, #tpu.memory_space<hbm>> -> memref<1x61x80xi32, #tpu.memory_space<hbm>>
      %dma_wait3A_126 = tpu.memref_squeeze %dma_wait3A_125 : memref<1x61x80xi32, #tpu.memory_space<hbm>> -> memref<61x80xi32, #tpu.memory_space<hbm>>
      %dma_wait3A_127 = arith.constant 0 : i32
      %dma_wait3A_128 = arith.constant 0 : i32
      %dma_wait3A_129 = tpu.memref_slice %arg6[%dma_wait3A_127, %dma_wait3A_128] : memref<64x80xi32, #tpu.memory_space<vmem>> -> memref<61x80xi32, #tpu.memory_space<vmem>>
      %dma_wait3A_130 = arith.constant 64 : i32
      %dma_wait3A_131 = arith.constant 0 : i32
      %dma_wait3A_132 = tpu.memref_slice %arg3[%add3A, %dma_wait3A_130, %dma_wait3A_131] : memref<32x125x80xi32, #tpu.memory_space<hbm>> -> memref<1x61x80xi32, #tpu.memory_space<hbm>>
      %dma_wait3A_133 = tpu.memref_squeeze %dma_wait3A_132 : memref<1x61x80xi32, #tpu.memory_space<hbm>> -> memref<61x80xi32, #tpu.memory_space<hbm>>
      tpu.wait_dma2 semaphore(%run_scoped3A : memref<!tpu.dma_semaphore, #tpu.memory_space<semaphore_mem>>) src(%dma_wait3A_133 : memref<61x80xi32, #tpu.memory_space<hbm>>) dst(%dma_wait3A_129 : memref<61x80xi32, #tpu.memory_space<vmem>>)
      tpu.yield
    }) : () -> ()
    "tpu.region"() ({
      %run_scoped3A = tpu.sem_alloc : memref<!tpu.dma_semaphore, #tpu.memory_space<semaphore_mem>>
      %dma_start3A_106 = arith.constant 0 : i32
      %dma_start3A_107 = arith.constant 0 : i32
      %dma_start3A_108 = tpu.memref_slice %arg7[%dma_start3A_106, %dma_start3A_107] : memref<64x80xi32, #tpu.memory_space<vmem>> -> memref<61x80xi32, #tpu.memory_space<vmem>>
      %dma_start3A_109 = arith.constant 64 : i32
      %dma_start3A_110 = arith.constant 0 : i32
      %dma_start3A_111 = tpu.memref_slice %arg4[%add3A, %dma_start3A_109, %dma_start3A_110] : memref<32x125x80xi32, #tpu.memory_space<hbm>> -> memref<1x61x80xi32, #tpu.memory_space<hbm>>
      %dma_start3A_112 = tpu.memref_squeeze %dma_start3A_111 : memref<1x61x80xi32, #tpu.memory_space<hbm>> -> memref<61x80xi32, #tpu.memory_space<hbm>>
      %dma_start3A_113 = arith.constant 0 : i32
      %dma_start3A_114 = arith.constant 0 : i32
      %dma_start3A_115 = tpu.memref_slice %arg7[%dma_start3A_113, %dma_start3A_114] : memref<64x80xi32, #tpu.memory_space<vmem>> -> memref<61x80xi32, #tpu.memory_space<vmem>>
      %dma_start3A_116 = arith.constant 64 : i32
      %dma_start3A_117 = arith.constant 0 : i32
      %dma_start3A_118 = tpu.memref_slice %arg4[%add3A, %dma_start3A_116, %dma_start3A_117] : memref<32x125x80xi32, #tpu.memory_space<hbm>> -> memref<1x61x80xi32, #tpu.memory_space<hbm>>
      %dma_start3A_119 = tpu.memref_squeeze %dma_start3A_118 : memref<1x61x80xi32, #tpu.memory_space<hbm>> -> memref<61x80xi32, #tpu.memory_space<hbm>>
      tpu.enqueue_dma source(%dma_start3A_119 : memref<61x80xi32, #tpu.memory_space<hbm>>) target(%dma_start3A_115 : memref<61x80xi32, #tpu.memory_space<vmem>>) target_semaphore(%run_scoped3A : memref<!tpu.dma_semaphore, #tpu.memory_space<semaphore_mem>>)
      %dma_wait3A_120 = arith.constant 0 : i32
      %dma_wait3A_121 = arith.constant 0 : i32
      %dma_wait3A_122 = tpu.memref_slice %arg7[%dma_wait3A_120, %dma_wait3A_121] : memref<64x80xi32, #tpu.memory_space<vmem>> -> memref<61x80xi32, #tpu.memory_space<vmem>>
      %dma_wait3A_123 = arith.constant 64 : i32
      %dma_wait3A_124 = arith.constant 0 : i32
      %dma_wait3A_125 = tpu.memref_slice %arg4[%add3A, %dma_wait3A_123, %dma_wait3A_124] : memref<32x125x80xi32, #tpu.memory_space<hbm>> -> memref<1x61x80xi32, #tpu.memory_space<hbm>>
      %dma_wait3A_126 = tpu.memref_squeeze %dma_wait3A_125 : memref<1x61x80xi32, #tpu.memory_space<hbm>> -> memref<61x80xi32, #tpu.memory_space<hbm>>
      %dma_wait3A_127 = arith.constant 0 : i32
      %dma_wait3A_128 = arith.constant 0 : i32
      %dma_wait3A_129 = tpu.memref_slice %arg7[%dma_wait3A_127, %dma_wait3A_128] : memref<64x80xi32, #tpu.memory_space<vmem>> -> memref<61x80xi32, #tpu.memory_space<vmem>>
      %dma_wait3A_130 = arith.constant 64 : i32
      %dma_wait3A_131 = arith.constant 0 : i32
      %dma_wait3A_132 = tpu.memref_slice %arg4[%add3A, %dma_wait3A_130, %dma_wait3A_131] : memref<32x125x80xi32, #tpu.memory_space<hbm>> -> memref<1x61x80xi32, #tpu.memory_space<hbm>>
      %dma_wait3A_133 = tpu.memref_squeeze %dma_wait3A_132 : memref<1x61x80xi32, #tpu.memory_space<hbm>> -> memref<61x80xi32, #tpu.memory_space<hbm>>
      tpu.wait_dma2 semaphore(%run_scoped3A : memref<!tpu.dma_semaphore, #tpu.memory_space<semaphore_mem>>) src(%dma_wait3A_133 : memref<61x80xi32, #tpu.memory_space<hbm>>) dst(%dma_wait3A_129 : memref<61x80xi32, #tpu.memory_space<vmem>>)
      tpu.yield
    }) : () -> ()
    %dma_start3A_55 = arith.constant 0 : i32
    %dma_start3A_56 = arith.constant 0 : i32
    %dma_start3A_57 = arith.constant 0 : i32
    %dma_start3A_58 = arith.constant 0 : i32
    %dma_start3A_59 = tpu.memref_slice %arg8[%dma_start3A_56, %dma_start3A_57, %dma_start3A_58] : memref<3x80x128xf32, #tpu.memory_space<vmem>> -> memref<1x80x128xf32, #tpu.memory_space<vmem>>
    %dma_start3A_60 = tpu.memref_squeeze %dma_start3A_59 : memref<1x80x128xf32, #tpu.memory_space<vmem>> -> memref<80x128xf32, #tpu.memory_space<vmem>>
    %dma_start3A_61 = arith.constant 0 : i32
    %dma_start3A_62 = tpu.memref_slice %arg6[%dma_start3A_55, %dma_start3A_61] : memref<64x80xi32, #tpu.memory_space<vmem>> -> memref<1x80xi32, #tpu.memory_space<vmem>>
    %dma_start3A_63 = tpu.memref_squeeze %dma_start3A_62 : memref<1x80xi32, #tpu.memory_space<vmem>> -> memref<80xi32, #tpu.memory_space<vmem>>
    %dma_start3A_64 = arith.constant 0 : i32
    %dma_start3A_65 = arith.constant 0 : i32
    %dma_start3A_66 = tpu.memref_slice %arg2[%dma_start3A_64, %dma_start3A_65] : memref<10240x128xf32, #tpu.memory_space<hbm>> -> memref<10240x128xf32, #tpu.memory_space<hbm>>
    tpu.enqueue_indirect_dma source(%dma_start3A_66 : memref<10240x128xf32, #tpu.memory_space<hbm>>) target(%dma_start3A_60 : memref<80x128xf32, #tpu.memory_space<vmem>>) offsets(%dma_start3A_63 : memref<80xi32, #tpu.memory_space<vmem>>) semaphore(%arg10 : memref<!tpu.dma_semaphore, #tpu.memory_space<semaphore_mem>>)
    %dma_start3A_67 = arith.constant 1 : i32
    %dma_start3A_68 = arith.constant 1 : i32
    %dma_start3A_69 = arith.constant 0 : i32
    %dma_start3A_70 = arith.constant 0 : i32
    %dma_start3A_71 = tpu.memref_slice %arg8[%dma_start3A_68, %dma_start3A_69, %dma_start3A_70] : memref<3x80x128xf32, #tpu.memory_space<vmem>> -> memref<1x80x128xf32, #tpu.memory_space<vmem>>
    %dma_start3A_72 = tpu.memref_squeeze %dma_start3A_71 : memref<1x80x128xf32, #tpu.memory_space<vmem>> -> memref<80x128xf32, #tpu.memory_space<vmem>>
    %dma_start3A_73 = arith.constant 0 : i32
    %dma_start3A_74 = tpu.memref_slice %arg6[%dma_start3A_67, %dma_start3A_73] : memref<64x80xi32, #tpu.memory_space<vmem>> -> memref<1x80xi32, #tpu.memory_space<vmem>>
    %dma_start3A_75 = tpu.memref_squeeze %dma_start3A_74 : memref<1x80xi32, #tpu.memory_space<vmem>> -> memref<80xi32, #tpu.memory_space<vmem>>
    %dma_start3A_76 = arith.constant 0 : i32
    %dma_start3A_77 = arith.constant 0 : i32
    %dma_start3A_78 = tpu.memref_slice %arg2[%dma_start3A_76, %dma_start3A_77] : memref<10240x128xf32, #tpu.memory_space<hbm>> -> memref<10240x128xf32, #tpu.memory_space<hbm>>
    tpu.enqueue_indirect_dma source(%dma_start3A_78 : memref<10240x128xf32, #tpu.memory_space<hbm>>) target(%dma_start3A_72 : memref<80x128xf32, #tpu.memory_space<vmem>>) offsets(%dma_start3A_75 : memref<80xi32, #tpu.memory_space<vmem>>) semaphore(%arg11 : memref<!tpu.dma_semaphore, #tpu.memory_space<semaphore_mem>>)
    %scan3A_79 = arith.constant 0 : i32
    %scan3A_80 = arith.constant 0 : i32
    %scan3A_81 = arith.constant 61 : i32
    %scan3A_82 = arith.addi %scan3A_80, %scan3A_81 : i32
    %scan3A_83 = arith.constant 1 : i32
    %scan3A_84 = scf.for %scan3A_106 = %scan3A_80 to %scan3A_82 step %scan3A_83 iter_args(%scan3A_107 = %scan3A_79) -> (i32)  : i32 {
      %rem3A = arith.constant 3 : i32
      %rem3A_108 = arith.remsi %scan3A_106, %rem3A : i32
      %eq3A = arith.constant 0 : i32
      %eq3A_109 = arith.cmpi eq, %rem3A_108, %eq3A : i32
      %convert_element_type3A = arith.extui %eq3A_109 : i1 to i32
      %cond3A = arith.constant 0 : i32
      %cond3A_110 = arith.cmpi ne, %convert_element_type3A, %cond3A : i32
      scf.if %cond3A_110 {
        %ge3A = arith.constant 1 : i32
        %ge3A_126 = arith.cmpi sge, %scan3A_106, %ge3A : i32
        %convert_element_type3A_127 = arith.extui %ge3A_126 : i1 to i32
        %cond3A_128 = arith.constant 0 : i32
        %cond3A_129 = arith.cmpi ne, %convert_element_type3A_127, %cond3A_128 : i32
        scf.if %cond3A_129 {
          %sub3A = arith.constant 1 : i32
          %sub3A_158 = arith.subi %scan3A_106, %sub3A : i32
          %dma_wait3A_159 = arith.constant 2 : i32
          %dma_wait3A_160 = arith.constant 0 : i32
          %dma_wait3A_161 = arith.constant 0 : i32
          %dma_wait3A_162 = tpu.memref_slice %arg8[%dma_wait3A_159, %dma_wait3A_160, %dma_wait3A_161] : memref<3x80x128xf32, #tpu.memory_space<vmem>> -> memref<1x80x128xf32, #tpu.memory_space<vmem>>
          %dma_wait3A_163 = tpu.memref_squeeze %dma_wait3A_162 : memref<1x80x128xf32, #tpu.memory_space<vmem>> -> memref<80x128xf32, #tpu.memory_space<vmem>>
          %dma_wait3A_164 = arith.constant 0 : i32
          %dma_wait3A_165 = tpu.memref_slice %arg7[%sub3A_158, %dma_wait3A_164] : memref<64x80xi32, #tpu.memory_space<vmem>> -> memref<1x80xi32, #tpu.memory_space<vmem>>
          %dma_wait3A_166 = tpu.memref_squeeze %dma_wait3A_165 : memref<1x80xi32, #tpu.memory_space<vmem>> -> memref<80xi32, #tpu.memory_space<vmem>>
          %dma_wait3A_167 = arith.constant 0 : i32
          %dma_wait3A_168 = arith.constant 0 : i32
          %dma_wait3A_169 = tpu.memref_slice %arg9[%dma_wait3A_167, %dma_wait3A_168] : memref<10240x128xf32, #tpu.memory_space<vmem_shared>> -> memref<10240x128xf32, #tpu.memory_space<vmem_shared>>
          tpu.wait_indirect_dma semaphore(%arg15 : memref<!tpu.dma_semaphore, #tpu.memory_space<semaphore_mem>>) src(%dma_wait3A_163 : memref<80x128xf32, #tpu.memory_space<vmem>>) dst(%dma_wait3A_169 : memref<10240x128xf32, #tpu.memory_space<vmem_shared>>)
        } else {
        }
        %add3A_130 = arith.constant 2 : i32
        %add3A_131 = arith.addi %scan3A_106, %add3A_130 : i32
        %lt3A = arith.constant 61 : i32
        %lt3A_132 = arith.cmpi slt, %add3A_131, %lt3A : i32
        %convert_element_type3A_133 = arith.extui %lt3A_132 : i1 to i32
        %cond3A_134 = arith.constant 0 : i32
        %cond3A_135 = arith.cmpi ne, %convert_element_type3A_133, %cond3A_134 : i32
        scf.if %cond3A_135 {
          %add3A_158 = arith.constant 2 : i32
          %add3A_159 = arith.addi %scan3A_106, %add3A_158 : i32
          %dma_start3A_160 = arith.constant 2 : i32
          %dma_start3A_161 = arith.constant 0 : i32
          %dma_start3A_162 = arith.constant 0 : i32
          %dma_start3A_163 = tpu.memref_slice %arg8[%dma_start3A_160, %dma_start3A_161, %dma_start3A_162] : memref<3x80x128xf32, #tpu.memory_space<vmem>> -> memref<1x80x128xf32, #tpu.memory_space<vmem>>
          %dma_start3A_164 = tpu.memref_squeeze %dma_start3A_163 : memref<1x80x128xf32, #tpu.memory_space<vmem>> -> memref<80x128xf32, #tpu.memory_space<vmem>>
          %dma_start3A_165 = arith.constant 0 : i32
          %dma_start3A_166 = tpu.memref_slice %arg6[%add3A_159, %dma_start3A_165] : memref<64x80xi32, #tpu.memory_space<vmem>> -> memref<1x80xi32, #tpu.memory_space<vmem>>
          %dma_start3A_167 = tpu.memref_squeeze %dma_start3A_166 : memref<1x80xi32, #tpu.memory_space<vmem>> -> memref<80xi32, #tpu.memory_space<vmem>>
          %dma_start3A_168 = arith.constant 0 : i32
          %dma_start3A_169 = arith.constant 0 : i32
          %dma_start3A_170 = tpu.memref_slice %arg2[%dma_start3A_168, %dma_start3A_169] : memref<10240x128xf32, #tpu.memory_space<hbm>> -> memref<10240x128xf32, #tpu.memory_space<hbm>>
          tpu.enqueue_indirect_dma source(%dma_start3A_170 : memref<10240x128xf32, #tpu.memory_space<hbm>>) target(%dma_start3A_164 : memref<80x128xf32, #tpu.memory_space<vmem>>) offsets(%dma_start3A_167 : memref<80xi32, #tpu.memory_space<vmem>>) semaphore(%arg12 : memref<!tpu.dma_semaphore, #tpu.memory_space<semaphore_mem>>)
        } else {
        }
        %dma_wait3A_136 = arith.constant 0 : i32
        %dma_wait3A_137 = arith.constant 0 : i32
        %dma_wait3A_138 = arith.constant 0 : i32
        %dma_wait3A_139 = tpu.memref_slice %arg8[%dma_wait3A_136, %dma_wait3A_137, %dma_wait3A_138] : memref<3x80x128xf32, #tpu.memory_space<vmem>> -> memref<1x80x128xf32, #tpu.memory_space<vmem>>
        %dma_wait3A_140 = tpu.memref_squeeze %dma_wait3A_139 : memref<1x80x128xf32, #tpu.memory_space<vmem>> -> memref<80x128xf32, #tpu.memory_space<vmem>>
        %dma_wait3A_141 = arith.constant 0 : i32
        %dma_wait3A_142 = tpu.memref_slice %arg6[%scan3A_106, %dma_wait3A_141] : memref<64x80xi32, #tpu.memory_space<vmem>> -> memref<1x80xi32, #tpu.memory_space<vmem>>
        %dma_wait3A_143 = tpu.memref_squeeze %dma_wait3A_142 : memref<1x80xi32, #tpu.memory_space<vmem>> -> memref<80xi32, #tpu.memory_space<vmem>>
        %dma_wait3A_144 = arith.constant 0 : i32
        %dma_wait3A_145 = arith.constant 0 : i32
        %dma_wait3A_146 = tpu.memref_slice %arg2[%dma_wait3A_144, %dma_wait3A_145] : memref<10240x128xf32, #tpu.memory_space<hbm>> -> memref<10240x128xf32, #tpu.memory_space<hbm>>
        tpu.wait_indirect_dma semaphore(%arg10 : memref<!tpu.dma_semaphore, #tpu.memory_space<semaphore_mem>>) src(%dma_wait3A_146 : memref<10240x128xf32, #tpu.memory_space<hbm>>) dst(%dma_wait3A_140 : memref<80x128xf32, #tpu.memory_space<vmem>>)
        %dma_start3A_147 = arith.constant 0 : i32
        %dma_start3A_148 = arith.constant 0 : i32
        %dma_start3A_149 = arith.constant 0 : i32
        %dma_start3A_150 = tpu.memref_slice %arg8[%dma_start3A_147, %dma_start3A_148, %dma_start3A_149] : memref<3x80x128xf32, #tpu.memory_space<vmem>> -> memref<1x80x128xf32, #tpu.memory_space<vmem>>
        %dma_start3A_151 = tpu.memref_squeeze %dma_start3A_150 : memref<1x80x128xf32, #tpu.memory_space<vmem>> -> memref<80x128xf32, #tpu.memory_space<vmem>>
        %dma_start3A_152 = arith.constant 0 : i32
        %dma_start3A_153 = tpu.memref_slice %arg7[%scan3A_106, %dma_start3A_152] : memref<64x80xi32, #tpu.memory_space<vmem>> -> memref<1x80xi32, #tpu.memory_space<vmem>>
        %dma_start3A_154 = tpu.memref_squeeze %dma_start3A_153 : memref<1x80xi32, #tpu.memory_space<vmem>> -> memref<80xi32, #tpu.memory_space<vmem>>
        %dma_start3A_155 = arith.constant 0 : i32
        %dma_start3A_156 = arith.constant 0 : i32
        %dma_start3A_157 = tpu.memref_slice %arg9[%dma_start3A_155, %dma_start3A_156] : memref<10240x128xf32, #tpu.memory_space<vmem_shared>> -> memref<10240x128xf32, #tpu.memory_space<vmem_shared>>
        tpu.enqueue_indirect_dma source(%dma_start3A_151 : memref<80x128xf32, #tpu.memory_space<vmem>>) target(%dma_start3A_157 : memref<10240x128xf32, #tpu.memory_space<vmem_shared>>) offsets(%dma_start3A_154 : memref<80xi32, #tpu.memory_space<vmem>>) semaphore(%arg13 : memref<!tpu.dma_semaphore, #tpu.memory_space<semaphore_mem>>) {add = true}
      } else {
      }
      %rem3A_111 = arith.constant 3 : i32
      %rem3A_112 = arith.remsi %scan3A_106, %rem3A_111 : i32
      %eq3A_113 = arith.constant 1 : i32
      %eq3A_114 = arith.cmpi eq, %rem3A_112, %eq3A_113 : i32
      %convert_element_type3A_115 = arith.extui %eq3A_114 : i1 to i32
      %cond3A_116 = arith.constant 0 : i32
      %cond3A_117 = arith.cmpi ne, %convert_element_type3A_115, %cond3A_116 : i32
      scf.if %cond3A_117 {
        %ge3A = arith.constant 1 : i32
        %ge3A_126 = arith.cmpi sge, %scan3A_106, %ge3A : i32
        %convert_element_type3A_127 = arith.extui %ge3A_126 : i1 to i32
        %cond3A_128 = arith.constant 0 : i32
        %cond3A_129 = arith.cmpi ne, %convert_element_type3A_127, %cond3A_128 : i32
        scf.if %cond3A_129 {
          %sub3A = arith.constant 1 : i32
          %sub3A_158 = arith.subi %scan3A_106, %sub3A : i32
          %dma_wait3A_159 = arith.constant 0 : i32
          %dma_wait3A_160 = arith.constant 0 : i32
          %dma_wait3A_161 = arith.constant 0 : i32
          %dma_wait3A_162 = tpu.memref_slice %arg8[%dma_wait3A_159, %dma_wait3A_160, %dma_wait3A_161] : memref<3x80x128xf32, #tpu.memory_space<vmem>> -> memref<1x80x128xf32, #tpu.memory_space<vmem>>
          %dma_wait3A_163 = tpu.memref_squeeze %dma_wait3A_162 : memref<1x80x128xf32, #tpu.memory_space<vmem>> -> memref<80x128xf32, #tpu.memory_space<vmem>>
          %dma_wait3A_164 = arith.constant 0 : i32
          %dma_wait3A_165 = tpu.memref_slice %arg7[%sub3A_158, %dma_wait3A_164] : memref<64x80xi32, #tpu.memory_space<vmem>> -> memref<1x80xi32, #tpu.memory_space<vmem>>
          %dma_wait3A_166 = tpu.memref_squeeze %dma_wait3A_165 : memref<1x80xi32, #tpu.memory_space<vmem>> -> memref<80xi32, #tpu.memory_space<vmem>>
          %dma_wait3A_167 = arith.constant 0 : i32
          %dma_wait3A_168 = arith.constant 0 : i32
          %dma_wait3A_169 = tpu.memref_slice %arg9[%dma_wait3A_167, %dma_wait3A_168] : memref<10240x128xf32, #tpu.memory_space<vmem_shared>> -> memref<10240x128xf32, #tpu.memory_space<vmem_shared>>
          tpu.wait_indirect_dma semaphore(%arg13 : memref<!tpu.dma_semaphore, #tpu.memory_space<semaphore_mem>>) src(%dma_wait3A_163 : memref<80x128xf32, #tpu.memory_space<vmem>>) dst(%dma_wait3A_169 : memref<10240x128xf32, #tpu.memory_space<vmem_shared>>)
        } else {
        }
        %add3A_130 = arith.constant 2 : i32
        %add3A_131 = arith.addi %scan3A_106, %add3A_130 : i32
        %lt3A = arith.constant 61 : i32
        %lt3A_132 = arith.cmpi slt, %add3A_131, %lt3A : i32
        %convert_element_type3A_133 = arith.extui %lt3A_132 : i1 to i32
        %cond3A_134 = arith.constant 0 : i32
        %cond3A_135 = arith.cmpi ne, %convert_element_type3A_133, %cond3A_134 : i32
        scf.if %cond3A_135 {
          %add3A_158 = arith.constant 2 : i32
          %add3A_159 = arith.addi %scan3A_106, %add3A_158 : i32
          %dma_start3A_160 = arith.constant 0 : i32
          %dma_start3A_161 = arith.constant 0 : i32
          %dma_start3A_162 = arith.constant 0 : i32
          %dma_start3A_163 = tpu.memref_slice %arg8[%dma_start3A_160, %dma_start3A_161, %dma_start3A_162] : memref<3x80x128xf32, #tpu.memory_space<vmem>> -> memref<1x80x128xf32, #tpu.memory_space<vmem>>
          %dma_start3A_164 = tpu.memref_squeeze %dma_start3A_163 : memref<1x80x128xf32, #tpu.memory_space<vmem>> -> memref<80x128xf32, #tpu.memory_space<vmem>>
          %dma_start3A_165 = arith.constant 0 : i32
          %dma_start3A_166 = tpu.memref_slice %arg6[%add3A_159, %dma_start3A_165] : memref<64x80xi32, #tpu.memory_space<vmem>> -> memref<1x80xi32, #tpu.memory_space<vmem>>
          %dma_start3A_167 = tpu.memref_squeeze %dma_start3A_166 : memref<1x80xi32, #tpu.memory_space<vmem>> -> memref<80xi32, #tpu.memory_space<vmem>>
          %dma_start3A_168 = arith.constant 0 : i32
          %dma_start3A_169 = arith.constant 0 : i32
          %dma_start3A_170 = tpu.memref_slice %arg2[%dma_start3A_168, %dma_start3A_169] : memref<10240x128xf32, #tpu.memory_space<hbm>> -> memref<10240x128xf32, #tpu.memory_space<hbm>>
          tpu.enqueue_indirect_dma source(%dma_start3A_170 : memref<10240x128xf32, #tpu.memory_space<hbm>>) target(%dma_start3A_164 : memref<80x128xf32, #tpu.memory_space<vmem>>) offsets(%dma_start3A_167 : memref<80xi32, #tpu.memory_space<vmem>>) semaphore(%arg10 : memref<!tpu.dma_semaphore, #tpu.memory_space<semaphore_mem>>)
        } else {
        }
        %dma_wait3A_136 = arith.constant 1 : i32
        %dma_wait3A_137 = arith.constant 0 : i32
        %dma_wait3A_138 = arith.constant 0 : i32
        %dma_wait3A_139 = tpu.memref_slice %arg8[%dma_wait3A_136, %dma_wait3A_137, %dma_wait3A_138] : memref<3x80x128xf32, #tpu.memory_space<vmem>> -> memref<1x80x128xf32, #tpu.memory_space<vmem>>
        %dma_wait3A_140 = tpu.memref_squeeze %dma_wait3A_139 : memref<1x80x128xf32, #tpu.memory_space<vmem>> -> memref<80x128xf32, #tpu.memory_space<vmem>>
        %dma_wait3A_141 = arith.constant 0 : i32
        %dma_wait3A_142 = tpu.memref_slice %arg6[%scan3A_106, %dma_wait3A_141] : memref<64x80xi32, #tpu.memory_space<vmem>> -> memref<1x80xi32, #tpu.memory_space<vmem>>
        %dma_wait3A_143 = tpu.memref_squeeze %dma_wait3A_142 : memref<1x80xi32, #tpu.memory_space<vmem>> -> memref<80xi32, #tpu.memory_space<vmem>>
        %dma_wait3A_144 = arith.constant 0 : i32
        %dma_wait3A_145 = arith.constant 0 : i32
        %dma_wait3A_146 = tpu.memref_slice %arg2[%dma_wait3A_144, %dma_wait3A_145] : memref<10240x128xf32, #tpu.memory_space<hbm>> -> memref<10240x128xf32, #tpu.memory_space<hbm>>
        tpu.wait_indirect_dma semaphore(%arg11 : memref<!tpu.dma_semaphore, #tpu.memory_space<semaphore_mem>>) src(%dma_wait3A_146 : memref<10240x128xf32, #tpu.memory_space<hbm>>) dst(%dma_wait3A_140 : memref<80x128xf32, #tpu.memory_space<vmem>>)
        %dma_start3A_147 = arith.constant 1 : i32
        %dma_start3A_148 = arith.constant 0 : i32
        %dma_start3A_149 = arith.constant 0 : i32
        %dma_start3A_150 = tpu.memref_slice %arg8[%dma_start3A_147, %dma_start3A_148, %dma_start3A_149] : memref<3x80x128xf32, #tpu.memory_space<vmem>> -> memref<1x80x128xf32, #tpu.memory_space<vmem>>
        %dma_start3A_151 = tpu.memref_squeeze %dma_start3A_150 : memref<1x80x128xf32, #tpu.memory_space<vmem>> -> memref<80x128xf32, #tpu.memory_space<vmem>>
        %dma_start3A_152 = arith.constant 0 : i32
        %dma_start3A_153 = tpu.memref_slice %arg7[%scan3A_106, %dma_start3A_152] : memref<64x80xi32, #tpu.memory_space<vmem>> -> memref<1x80xi32, #tpu.memory_space<vmem>>
        %dma_start3A_154 = tpu.memref_squeeze %dma_start3A_153 : memref<1x80xi32, #tpu.memory_space<vmem>> -> memref<80xi32, #tpu.memory_space<vmem>>
        %dma_start3A_155 = arith.constant 0 : i32
        %dma_start3A_156 = arith.constant 0 : i32
        %dma_start3A_157 = tpu.memref_slice %arg9[%dma_start3A_155, %dma_start3A_156] : memref<10240x128xf32, #tpu.memory_space<vmem_shared>> -> memref<10240x128xf32, #tpu.memory_space<vmem_shared>>
        tpu.enqueue_indirect_dma source(%dma_start3A_151 : memref<80x128xf32, #tpu.memory_space<vmem>>) target(%dma_start3A_157 : memref<10240x128xf32, #tpu.memory_space<vmem_shared>>) offsets(%dma_start3A_154 : memref<80xi32, #tpu.memory_space<vmem>>) semaphore(%arg14 : memref<!tpu.dma_semaphore, #tpu.memory_space<semaphore_mem>>) {add = true}
      } else {
      }
      %rem3A_118 = arith.constant 3 : i32
      %rem3A_119 = arith.remsi %scan3A_106, %rem3A_118 : i32
      %eq3A_120 = arith.constant 2 : i32
      %eq3A_121 = arith.cmpi eq, %rem3A_119, %eq3A_120 : i32
      %convert_element_type3A_122 = arith.extui %eq3A_121 : i1 to i32
      %cond3A_123 = arith.constant 0 : i32
      %cond3A_124 = arith.cmpi ne, %convert_element_type3A_122, %cond3A_123 : i32
      scf.if %cond3A_124 {
        %ge3A = arith.constant 1 : i32
        %ge3A_126 = arith.cmpi sge, %scan3A_106, %ge3A : i32
        %convert_element_type3A_127 = arith.extui %ge3A_126 : i1 to i32
        %cond3A_128 = arith.constant 0 : i32
        %cond3A_129 = arith.cmpi ne, %convert_element_type3A_127, %cond3A_128 : i32
        scf.if %cond3A_129 {
          %sub3A = arith.constant 1 : i32
          %sub3A_158 = arith.subi %scan3A_106, %sub3A : i32
          %dma_wait3A_159 = arith.constant 1 : i32
          %dma_wait3A_160 = arith.constant 0 : i32
          %dma_wait3A_161 = arith.constant 0 : i32
          %dma_wait3A_162 = tpu.memref_slice %arg8[%dma_wait3A_159, %dma_wait3A_160, %dma_wait3A_161] : memref<3x80x128xf32, #tpu.memory_space<vmem>> -> memref<1x80x128xf32, #tpu.memory_space<vmem>>
          %dma_wait3A_163 = tpu.memref_squeeze %dma_wait3A_162 : memref<1x80x128xf32, #tpu.memory_space<vmem>> -> memref<80x128xf32, #tpu.memory_space<vmem>>
          %dma_wait3A_164 = arith.constant 0 : i32
          %dma_wait3A_165 = tpu.memref_slice %arg7[%sub3A_158, %dma_wait3A_164] : memref<64x80xi32, #tpu.memory_space<vmem>> -> memref<1x80xi32, #tpu.memory_space<vmem>>
          %dma_wait3A_166 = tpu.memref_squeeze %dma_wait3A_165 : memref<1x80xi32, #tpu.memory_space<vmem>> -> memref<80xi32, #tpu.memory_space<vmem>>
          %dma_wait3A_167 = arith.constant 0 : i32
          %dma_wait3A_168 = arith.constant 0 : i32
          %dma_wait3A_169 = tpu.memref_slice %arg9[%dma_wait3A_167, %dma_wait3A_168] : memref<10240x128xf32, #tpu.memory_space<vmem_shared>> -> memref<10240x128xf32, #tpu.memory_space<vmem_shared>>
          tpu.wait_indirect_dma semaphore(%arg14 : memref<!tpu.dma_semaphore, #tpu.memory_space<semaphore_mem>>) src(%dma_wait3A_163 : memref<80x128xf32, #tpu.memory_space<vmem>>) dst(%dma_wait3A_169 : memref<10240x128xf32, #tpu.memory_space<vmem_shared>>)
        } else {
        }
        %add3A_130 = arith.constant 2 : i32
        %add3A_131 = arith.addi %scan3A_106, %add3A_130 : i32
        %lt3A = arith.constant 61 : i32
        %lt3A_132 = arith.cmpi slt, %add3A_131, %lt3A : i32
        %convert_element_type3A_133 = arith.extui %lt3A_132 : i1 to i32
        %cond3A_134 = arith.constant 0 : i32
        %cond3A_135 = arith.cmpi ne, %convert_element_type3A_133, %cond3A_134 : i32
        scf.if %cond3A_135 {
          %add3A_158 = arith.constant 2 : i32
          %add3A_159 = arith.addi %scan3A_106, %add3A_158 : i32
          %dma_start3A_160 = arith.constant 1 : i32
          %dma_start3A_161 = arith.constant 0 : i32
          %dma_start3A_162 = arith.constant 0 : i32
          %dma_start3A_163 = tpu.memref_slice %arg8[%dma_start3A_160, %dma_start3A_161, %dma_start3A_162] : memref<3x80x128xf32, #tpu.memory_space<vmem>> -> memref<1x80x128xf32, #tpu.memory_space<vmem>>
          %dma_start3A_164 = tpu.memref_squeeze %dma_start3A_163 : memref<1x80x128xf32, #tpu.memory_space<vmem>> -> memref<80x128xf32, #tpu.memory_space<vmem>>
          %dma_start3A_165 = arith.constant 0 : i32
          %dma_start3A_166 = tpu.memref_slice %arg6[%add3A_159, %dma_start3A_165] : memref<64x80xi32, #tpu.memory_space<vmem>> -> memref<1x80xi32, #tpu.memory_space<vmem>>
          %dma_start3A_167 = tpu.memref_squeeze %dma_start3A_166 : memref<1x80xi32, #tpu.memory_space<vmem>> -> memref<80xi32, #tpu.memory_space<vmem>>
          %dma_start3A_168 = arith.constant 0 : i32
          %dma_start3A_169 = arith.constant 0 : i32
          %dma_start3A_170 = tpu.memref_slice %arg2[%dma_start3A_168, %dma_start3A_169] : memref<10240x128xf32, #tpu.memory_space<hbm>> -> memref<10240x128xf32, #tpu.memory_space<hbm>>
          tpu.enqueue_indirect_dma source(%dma_start3A_170 : memref<10240x128xf32, #tpu.memory_space<hbm>>) target(%dma_start3A_164 : memref<80x128xf32, #tpu.memory_space<vmem>>) offsets(%dma_start3A_167 : memref<80xi32, #tpu.memory_space<vmem>>) semaphore(%arg11 : memref<!tpu.dma_semaphore, #tpu.memory_space<semaphore_mem>>)
        } else {
        }
        %dma_wait3A_136 = arith.constant 2 : i32
        %dma_wait3A_137 = arith.constant 0 : i32
        %dma_wait3A_138 = arith.constant 0 : i32
        %dma_wait3A_139 = tpu.memref_slice %arg8[%dma_wait3A_136, %dma_wait3A_137, %dma_wait3A_138] : memref<3x80x128xf32, #tpu.memory_space<vmem>> -> memref<1x80x128xf32, #tpu.memory_space<vmem>>
        %dma_wait3A_140 = tpu.memref_squeeze %dma_wait3A_139 : memref<1x80x128xf32, #tpu.memory_space<vmem>> -> memref<80x128xf32, #tpu.memory_space<vmem>>
        %dma_wait3A_141 = arith.constant 0 : i32
        %dma_wait3A_142 = tpu.memref_slice %arg6[%scan3A_106, %dma_wait3A_141] : memref<64x80xi32, #tpu.memory_space<vmem>> -> memref<1x80xi32, #tpu.memory_space<vmem>>
        %dma_wait3A_143 = tpu.memref_squeeze %dma_wait3A_142 : memref<1x80xi32, #tpu.memory_space<vmem>> -> memref<80xi32, #tpu.memory_space<vmem>>
        %dma_wait3A_144 = arith.constant 0 : i32
        %dma_wait3A_145 = arith.constant 0 : i32
        %dma_wait3A_146 = tpu.memref_slice %arg2[%dma_wait3A_144, %dma_wait3A_145] : memref<10240x128xf32, #tpu.memory_space<hbm>> -> memref<10240x128xf32, #tpu.memory_space<hbm>>
        tpu.wait_indirect_dma semaphore(%arg12 : memref<!tpu.dma_semaphore, #tpu.memory_space<semaphore_mem>>) src(%dma_wait3A_146 : memref<10240x128xf32, #tpu.memory_space<hbm>>) dst(%dma_wait3A_140 : memref<80x128xf32, #tpu.memory_space<vmem>>)
        %dma_start3A_147 = arith.constant 2 : i32
        %dma_start3A_148 = arith.constant 0 : i32
        %dma_start3A_149 = arith.constant 0 : i32
        %dma_start3A_150 = tpu.memref_slice %arg8[%dma_start3A_147, %dma_start3A_148, %dma_start3A_149] : memref<3x80x128xf32, #tpu.memory_space<vmem>> -> memref<1x80x128xf32, #tpu.memory_space<vmem>>
        %dma_start3A_151 = tpu.memref_squeeze %dma_start3A_150 : memref<1x80x128xf32, #tpu.memory_space<vmem>> -> memref<80x128xf32, #tpu.memory_space<vmem>>
        %dma_start3A_152 = arith.constant 0 : i32
        %dma_start3A_153 = tpu.memref_slice %arg7[%scan3A_106, %dma_start3A_152] : memref<64x80xi32, #tpu.memory_space<vmem>> -> memref<1x80xi32, #tpu.memory_space<vmem>>
        %dma_start3A_154 = tpu.memref_squeeze %dma_start3A_153 : memref<1x80xi32, #tpu.memory_space<vmem>> -> memref<80xi32, #tpu.memory_space<vmem>>
        %dma_start3A_155 = arith.constant 0 : i32
        %dma_start3A_156 = arith.constant 0 : i32
        %dma_start3A_157 = tpu.memref_slice %arg9[%dma_start3A_155, %dma_start3A_156] : memref<10240x128xf32, #tpu.memory_space<vmem_shared>> -> memref<10240x128xf32, #tpu.memory_space<vmem_shared>>
        tpu.enqueue_indirect_dma source(%dma_start3A_151 : memref<80x128xf32, #tpu.memory_space<vmem>>) target(%dma_start3A_157 : memref<10240x128xf32, #tpu.memory_space<vmem_shared>>) offsets(%dma_start3A_154 : memref<80xi32, #tpu.memory_space<vmem>>) semaphore(%arg15 : memref<!tpu.dma_semaphore, #tpu.memory_space<semaphore_mem>>) {add = true}
      } else {
      }
      %scan3A_125 = arith.constant 0 : i32
      scf.yield %scan3A_125 : i32
    }
    %scan3A_85 = arith.constant 61 : i32
    %dma_wait3A_86 = arith.constant 0 : i32
    %dma_wait3A_87 = arith.constant 60 : i32
    %dma_wait3A_88 = arith.constant 0 : i32
    %dma_wait3A_89 = arith.constant 0 : i32
    %dma_wait3A_90 = tpu.memref_slice %arg8[%dma_wait3A_86, %dma_wait3A_88, %dma_wait3A_89] : memref<3x80x128xf32, #tpu.memory_space<vmem>> -> memref<1x80x128xf32, #tpu.memory_space<vmem>>
    %dma_wait3A_91 = tpu.memref_squeeze %dma_wait3A_90 : memref<1x80x128xf32, #tpu.memory_space<vmem>> -> memref<80x128xf32, #tpu.memory_space<vmem>>
    %dma_wait3A_92 = arith.constant 0 : i32
    %dma_wait3A_93 = tpu.memref_slice %arg7[%dma_wait3A_87, %dma_wait3A_92] : memref<64x80xi32, #tpu.memory_space<vmem>> -> memref<1x80xi32, #tpu.memory_space<vmem>>
    %dma_wait3A_94 = tpu.memref_squeeze %dma_wait3A_93 : memref<1x80xi32, #tpu.memory_space<vmem>> -> memref<80xi32, #tpu.memory_space<vmem>>
    %dma_wait3A_95 = arith.constant 0 : i32
    %dma_wait3A_96 = arith.constant 0 : i32
    %dma_wait3A_97 = tpu.memref_slice %arg9[%dma_wait3A_95, %dma_wait3A_96] : memref<10240x128xf32, #tpu.memory_space<vmem_shared>> -> memref<10240x128xf32, #tpu.memory_space<vmem_shared>>
    tpu.wait_indirect_dma semaphore(%arg13 : memref<!tpu.dma_semaphore, #tpu.memory_space<semaphore_mem>>) src(%dma_wait3A_91 : memref<80x128xf32, #tpu.memory_space<vmem>>) dst(%dma_wait3A_97 : memref<10240x128xf32, #tpu.memory_space<vmem_shared>>)
    %barrier3A_98 = arith.constant 0 : index
    tpu.barrier barrier_id(%barrier3A_98)
    %scan3A_99 = arith.constant 0 : i32
    %scan3A_100 = arith.constant 0 : i32
    %scan3A_101 = arith.constant 8 : i32
    %scan3A_102 = arith.addi %scan3A_100, %scan3A_101 : i32
    %scan3A_103 = arith.constant 1 : i32
    %scan3A_104 = scf.for %scan3A_106 = %scan3A_100 to %scan3A_102 step %scan3A_103 iter_args(%scan3A_107 = %scan3A_99) -> (i32)  : i32 {
      %mul3A_108 = arith.constant 640 : i32
      %mul3A_109 = arith.muli %arg1, %mul3A_108 : i32
      %mul3A_110 = arith.constant 80 : i32
      %mul3A_111 = arith.muli %scan3A_106, %mul3A_110 : i32
      %add3A_112 = arith.addi %mul3A_109, %mul3A_111 : i32
      %run_scoped3A = arith.constant 0 : i32
      "tpu.region"() ({
        %run_scoped3A_120 = tpu.sem_alloc : memref<!tpu.dma_semaphore, #tpu.memory_space<semaphore_mem>>
        %dma_start3A_121 = arith.constant 0 : i32
        %dma_start3A_122 = arith.constant 0 : i32
        %dma_start3A_123 = tpu.memref_slice %arg8[%run_scoped3A, %dma_start3A_121, %dma_start3A_122] : memref<3x80x128xf32, #tpu.memory_space<vmem>> -> memref<1x80x128xf32, #tpu.memory_space<vmem>>
        %dma_start3A_124 = tpu.memref_squeeze %dma_start3A_123 : memref<1x80x128xf32, #tpu.memory_space<vmem>> -> memref<80x128xf32, #tpu.memory_space<vmem>>
        %dma_start3A_125 = arith.constant 0 : i32
        %dma_start3A_126 = tpu.memref_slice %arg9[%add3A_112, %dma_start3A_125] : memref<10240x128xf32, #tpu.memory_space<vmem_shared>> -> memref<80x128xf32, #tpu.memory_space<vmem_shared>>
        %dma_start3A_127 = arith.constant 0 : i32
        %dma_start3A_128 = arith.constant 0 : i32
        %dma_start3A_129 = tpu.memref_slice %arg8[%run_scoped3A, %dma_start3A_127, %dma_start3A_128] : memref<3x80x128xf32, #tpu.memory_space<vmem>> -> memref<1x80x128xf32, #tpu.memory_space<vmem>>
        %dma_start3A_130 = tpu.memref_squeeze %dma_start3A_129 : memref<1x80x128xf32, #tpu.memory_space<vmem>> -> memref<80x128xf32, #tpu.memory_space<vmem>>
        %dma_start3A_131 = arith.constant 0 : i32
        %dma_start3A_132 = tpu.memref_slice %arg9[%add3A_112, %dma_start3A_131] : memref<10240x128xf32, #tpu.memory_space<vmem_shared>> -> memref<80x128xf32, #tpu.memory_space<vmem_shared>>
        tpu.enqueue_dma source(%dma_start3A_132 : memref<80x128xf32, #tpu.memory_space<vmem_shared>>) target(%dma_start3A_130 : memref<80x128xf32, #tpu.memory_space<vmem>>) target_semaphore(%run_scoped3A_120 : memref<!tpu.dma_semaphore, #tpu.memory_space<semaphore_mem>>)
        %dma_wait3A_133 = arith.constant 0 : i32
        %dma_wait3A_134 = arith.constant 0 : i32
        %dma_wait3A_135 = tpu.memref_slice %arg8[%run_scoped3A, %dma_wait3A_133, %dma_wait3A_134] : memref<3x80x128xf32, #tpu.memory_space<vmem>> -> memref<1x80x128xf32, #tpu.memory_space<vmem>>
        %dma_wait3A_136 = tpu.memref_squeeze %dma_wait3A_135 : memref<1x80x128xf32, #tpu.memory_space<vmem>> -> memref<80x128xf32, #tpu.memory_space<vmem>>
        %dma_wait3A_137 = arith.constant 0 : i32
        %dma_wait3A_138 = tpu.memref_slice %arg9[%add3A_112, %dma_wait3A_137] : memref<10240x128xf32, #tpu.memory_space<vmem_shared>> -> memref<80x128xf32, #tpu.memory_space<vmem_shared>>
        %dma_wait3A_139 = arith.constant 0 : i32
        %dma_wait3A_140 = arith.constant 0 : i32
        %dma_wait3A_141 = tpu.memref_slice %arg8[%run_scoped3A, %dma_wait3A_139, %dma_wait3A_140] : memref<3x80x128xf32, #tpu.memory_space<vmem>> -> memref<1x80x128xf32, #tpu.memory_space<vmem>>
        %dma_wait3A_142 = tpu.memref_squeeze %dma_wait3A_141 : memref<1x80x128xf32, #tpu.memory_space<vmem>> -> memref<80x128xf32, #tpu.memory_space<vmem>>
        %dma_wait3A_143 = arith.constant 0 : i32
        %dma_wait3A_144 = tpu.memref_slice %arg9[%add3A_112, %dma_wait3A_143] : memref<10240x128xf32, #tpu.memory_space<vmem_shared>> -> memref<80x128xf32, #tpu.memory_space<vmem_shared>>
        tpu.wait_dma2 semaphore(%run_scoped3A_120 : memref<!tpu.dma_semaphore, #tpu.memory_space<semaphore_mem>>) src(%dma_wait3A_144 : memref<80x128xf32, #tpu.memory_space<vmem_shared>>) dst(%dma_wait3A_142 : memref<80x128xf32, #tpu.memory_space<vmem>>)
        tpu.yield
      }) : () -> ()
      %mul3A_113 = arith.constant 640 : i32
      %mul3A_114 = arith.muli %arg1, %mul3A_113 : i32
      %mul3A_115 = arith.constant 80 : i32
      %mul3A_116 = arith.muli %scan3A_106, %mul3A_115 : i32
      %add3A_117 = arith.addi %mul3A_114, %mul3A_116 : i32
      %run_scoped3A_118 = arith.constant 0 : i32
      "tpu.region"() ({
        %run_scoped3A_120 = tpu.sem_alloc : memref<!tpu.dma_semaphore, #tpu.memory_space<semaphore_mem>>
        %dma_start3A_121 = arith.constant 0 : i32
        %dma_start3A_122 = arith.constant 0 : i32
        %dma_start3A_123 = tpu.memref_slice %arg8[%run_scoped3A_118, %dma_start3A_121, %dma_start3A_122] : memref<3x80x128xf32, #tpu.memory_space<vmem>> -> memref<1x80x128xf32, #tpu.memory_space<vmem>>
        %dma_start3A_124 = tpu.memref_squeeze %dma_start3A_123 : memref<1x80x128xf32, #tpu.memory_space<vmem>> -> memref<80x128xf32, #tpu.memory_space<vmem>>
        %dma_start3A_125 = arith.constant 0 : i32
        %dma_start3A_126 = tpu.memref_slice %arg5[%arg0, %add3A_117, %dma_start3A_125] : memref<2x10240x128xf32, #tpu.memory_space<hbm>> -> memref<1x80x128xf32, #tpu.memory_space<hbm>>
        %dma_start3A_127 = tpu.memref_squeeze %dma_start3A_126 : memref<1x80x128xf32, #tpu.memory_space<hbm>> -> memref<80x128xf32, #tpu.memory_space<hbm>>
        %dma_start3A_128 = arith.constant 0 : i32
        %dma_start3A_129 = tpu.memref_slice %arg5[%arg0, %add3A_117, %dma_start3A_128] : memref<2x10240x128xf32, #tpu.memory_space<hbm>> -> memref<1x80x128xf32, #tpu.memory_space<hbm>>
        %dma_start3A_130 = tpu.memref_squeeze %dma_start3A_129 : memref<1x80x128xf32, #tpu.memory_space<hbm>> -> memref<80x128xf32, #tpu.memory_space<hbm>>
        %dma_start3A_131 = arith.constant 0 : i32
        %dma_start3A_132 = arith.constant 0 : i32
        %dma_start3A_133 = tpu.memref_slice %arg8[%run_scoped3A_118, %dma_start3A_131, %dma_start3A_132] : memref<3x80x128xf32, #tpu.memory_space<vmem>> -> memref<1x80x128xf32, #tpu.memory_space<vmem>>
        %dma_start3A_134 = tpu.memref_squeeze %dma_start3A_133 : memref<1x80x128xf32, #tpu.memory_space<vmem>> -> memref<80x128xf32, #tpu.memory_space<vmem>>
        tpu.enqueue_dma source(%dma_start3A_134 : memref<80x128xf32, #tpu.memory_space<vmem>>) target(%dma_start3A_130 : memref<80x128xf32, #tpu.memory_space<hbm>>) target_semaphore(%run_scoped3A_120 : memref<!tpu.dma_semaphore, #tpu.memory_space<semaphore_mem>>)
        %dma_wait3A_135 = arith.constant 0 : i32
        %dma_wait3A_136 = arith.constant 0 : i32
        %dma_wait3A_137 = tpu.memref_slice %arg8[%run_scoped3A_118, %dma_wait3A_135, %dma_wait3A_136] : memref<3x80x128xf32, #tpu.memory_space<vmem>> -> memref<1x80x128xf32, #tpu.memory_space<vmem>>
        %dma_wait3A_138 = tpu.memref_squeeze %dma_wait3A_137 : memref<1x80x128xf32, #tpu.memory_space<vmem>> -> memref<80x128xf32, #tpu.memory_space<vmem>>
        %dma_wait3A_139 = arith.constant 0 : i32
        %dma_wait3A_140 = tpu.memref_slice %arg5[%arg0, %add3A_117, %dma_wait3A_139] : memref<2x10240x128xf32, #tpu.memory_space<hbm>> -> memref<1x80x128xf32, #tpu.memory_space<hbm>>
        %dma_wait3A_141 = tpu.memref_squeeze %dma_wait3A_140 : memref<1x80x128xf32, #tpu.memory_space<hbm>> -> memref<80x128xf32, #tpu.memory_space<hbm>>
        %dma_wait3A_142 = arith.constant 0 : i32
        %dma_wait3A_143 = tpu.memref_slice %arg5[%arg0, %add3A_117, %dma_wait3A_142] : memref<2x10240x128xf32, #tpu.memory_space<hbm>> -> memref<1x80x128xf32, #tpu.memory_space<hbm>>
        %dma_wait3A_144 = tpu.memref_squeeze %dma_wait3A_143 : memref<1x80x128xf32, #tpu.memory_space<hbm>> -> memref<80x128xf32, #tpu.memory_space<hbm>>
        %dma_wait3A_145 = arith.constant 0 : i32
        %dma_wait3A_146 = arith.constant 0 : i32
        %dma_wait3A_147 = tpu.memref_slice %arg8[%run_scoped3A_118, %dma_wait3A_145, %dma_wait3A_146] : memref<3x80x128xf32, #tpu.memory_space<vmem>> -> memref<1x80x128xf32, #tpu.memory_space<vmem>>
        %dma_wait3A_148 = tpu.memref_squeeze %dma_wait3A_147 : memref<1x80x128xf32, #tpu.memory_space<vmem>> -> memref<80x128xf32, #tpu.memory_space<vmem>>
        tpu.wait_dma2 semaphore(%run_scoped3A_120 : memref<!tpu.dma_semaphore, #tpu.memory_space<semaphore_mem>>) src(%dma_wait3A_148 : memref<80x128xf32, #tpu.memory_space<vmem>>) dst(%dma_wait3A_144 : memref<80x128xf32, #tpu.memory_space<hbm>>)
        tpu.yield
      }) : () -> ()
      %scan3A_119 = arith.constant 0 : i32
      scf.yield %scan3A_119 : i32
    }
    %scan3A_105 = arith.constant 8 : i32
    return
  }
}

#map = affine_map<(d0, d1) -> (0, 0)>
#map1 = affine_map<(d0, d1) -> (0, 0, 0)>
module attributes {stable_mosaic.version = 14 : i64} {
  func.func @_prop_kernel(%arg0: i32, %arg1: i32, %arg2: memref<10240x128xf32, #tpu.memory_space<hbm>>, %arg3: memref<32x125x80xi32, #tpu.memory_space<hbm>>, %arg4: memref<32x125x80xi32, #tpu.memory_space<hbm>>, %arg5: memref<2x10240x128xf32, #tpu.memory_space<hbm>>, %arg6: memref<64x80xi32, #tpu.memory_space<vmem>>, %arg7: memref<64x80xi32, #tpu.memory_space<vmem>>, %arg8: memref<3x80x128xf32, #tpu.memory_space<vmem>>, %arg9: memref<10240x128xf32, #tpu.memory_space<vmem_shared>>, %arg10: memref<!tpu.dma_semaphore, #tpu.memory_space<semaphore_mem>>, %arg11: memref<!tpu.dma_semaphore, #tpu.memory_space<semaphore_mem>>, %arg12: memref<!tpu.dma_semaphore, #tpu.memory_space<semaphore_mem>>, %arg13: memref<!tpu.dma_semaphore, #tpu.memory_space<semaphore_mem>>, %arg14: memref<!tpu.dma_semaphore, #tpu.memory_space<semaphore_mem>>, %arg15: memref<!tpu.dma_semaphore, #tpu.memory_space<semaphore_mem>>) attributes {dimension_semantics = [#tpu.dimension_semantics<core_parallel>, #tpu.dimension_semantics<subcore_parallel>], iteration_bounds = array<i64: 2, 16>, scalar_prefetch = 0 : i64, scratch_operands = 10 : i64, tpu.core_type = #tpu.core_type<sc_vector_subcore>, window_params = [{transform_indices = #map}, {transform_indices = #map1}, {transform_indices = #map1}, {transform_indices = #map1}]} {
    %mul3A = arith.constant 16 : i32
    %mul3A_0 = arith.muli %arg0, %mul3A : i32
    %add3A = arith.addi %mul3A_0, %arg1 : i32
    %scan3A = arith.constant 0 : i32
    %scan3A_1 = arith.constant 0 : i32
    %scan3A_2 = arith.constant 80 : i32
    %scan3A_3 = arith.addi %scan3A_1, %scan3A_2 : i32
    %scan3A_4 = arith.constant 1 : i32
    %scan3A_5 = scf.for %scan3A_106 = %scan3A_1 to %scan3A_3 step %scan3A_4 iter_args(%scan3A_107 = %scan3A) -> (i32)  : i32 {
      %scan3A_108 = arith.constant 0 : i32
      %scan3A_109 = arith.constant 0 : i32
      %scan3A_110 = arith.constant 8 : i32
      %scan3A_111 = arith.addi %scan3A_109, %scan3A_110 : i32
      %scan3A_112 = arith.constant 1 : i32
      %scan3A_113 = scf.for %scan3A_116 = %scan3A_109 to %scan3A_111 step %scan3A_112 iter_args(%scan3A_117 = %scan3A_108) -> (i32)  : i32 {
        %broadcast_in_dim3A = arith.constant 0.000000e+00 : f32
        %broadcast_in_dim3A_118 = vector.broadcast %broadcast_in_dim3A : f32 to vector<16xf32>
        %mul3A_119 = arith.constant 16 : i32
        %mul3A_120 = arith.muli %scan3A_116, %mul3A_119 : i32
        %swap3A = arith.constant 0 : i32
        %swap3A_121 = arith.index_cast %swap3A : i32 to index
        %swap3A_122 = arith.index_cast %scan3A_106 : i32 to index
        %swap3A_123 = arith.index_cast %mul3A_120 : i32 to index
        %swap3A_124 = tpu.vector_load %arg8[%swap3A_121, %swap3A_122, %swap3A_123] {strides = array<i32>} : memref<3x80x128xf32, #tpu.memory_space<vmem>>, vector<1x1x16xf32>,
        %swap3A_125 = vector.shape_cast %swap3A_124 : vector<1x1x16xf32> to vector<16xf32>
        %swap3A_126 = vector.shape_cast %broadcast_in_dim3A_118 : vector<16xf32> to vector<1x1x16xf32>
        tpu.vector_store %arg8[%swap3A_121, %swap3A_122, %swap3A_123], %swap3A_126 {strides = array<i32>} : memref<3x80x128xf32, #tpu.memory_space<vmem>>, vector<1x1x16xf32>,
        %scan3A_127 = arith.constant 0 : i32
        scf.yield %scan3A_127 : i32
      }
      %scan3A_114 = arith.constant 8 : i32
      %scan3A_115 = arith.constant 0 : i32
      scf.yield %scan3A_115 : i32
    }
    %scan3A_6 = arith.constant 80 : i32
    %scan3A_7 = arith.constant 0 : i32
    %scan3A_8 = arith.constant 0 : i32
    %scan3A_9 = arith.constant 8 : i32
    %scan3A_10 = arith.addi %scan3A_8, %scan3A_9 : i32
    %scan3A_11 = arith.constant 1 : i32
    %scan3A_12 = scf.for %scan3A_106 = %scan3A_8 to %scan3A_10 step %scan3A_11 iter_args(%scan3A_107 = %scan3A_7) -> (i32)  : i32 {
      %mul3A_108 = arith.constant 640 : i32
      %mul3A_109 = arith.muli %arg1, %mul3A_108 : i32
      %mul3A_110 = arith.constant 80 : i32
      %mul3A_111 = arith.muli %scan3A_106, %mul3A_110 : i32
      %add3A_112 = arith.addi %mul3A_109, %mul3A_111 : i32
      %run_scoped3A = arith.constant 0 : i32
      "tpu.region"() ({
        %run_scoped3A_114 = tpu.sem_alloc : memref<!tpu.dma_semaphore, #tpu.memory_space<semaphore_mem>>
        %dma_start3A_115 = arith.constant 0 : i32
        %dma_start3A_116 = arith.constant 0 : i32
        %dma_start3A_117 = tpu.memref_slice %arg8[%run_scoped3A, %dma_start3A_115, %dma_start3A_116] : memref<3x80x128xf32, #tpu.memory_space<vmem>> -> memref<1x80x128xf32, #tpu.memory_space<vmem>>
        %dma_start3A_118 = tpu.memref_squeeze %dma_start3A_117 : memref<1x80x128xf32, #tpu.memory_space<vmem>> -> memref<80x128xf32, #tpu.memory_space<vmem>>
        %dma_start3A_119 = arith.constant 0 : i32
        %dma_start3A_120 = tpu.memref_slice %arg9[%add3A_112, %dma_start3A_119] : memref<10240x128xf32, #tpu.memory_space<vmem_shared>> -> memref<80x128xf32, #tpu.memory_space<vmem_shared>>
        %dma_start3A_121 = arith.constant 0 : i32
        %dma_start3A_122 = tpu.memref_slice %arg9[%add3A_112, %dma_start3A_121] : memref<10240x128xf32, #tpu.memory_space<vmem_shared>> -> memref<80x128xf32, #tpu.memory_space<vmem_shared>>
        %dma_start3A_123 = arith.constant 0 : i32
        %dma_start3A_124 = arith.constant 0 : i32
        %dma_start3A_125 = tpu.memref_slice %arg8[%run_scoped3A, %dma_start3A_123, %dma_start3A_124] : memref<3x80x128xf32, #tpu.memory_space<vmem>> -> memref<1x80x128xf32, #tpu.memory_space<vmem>>
        %dma_start3A_126 = tpu.memref_squeeze %dma_start3A_125 : memref<1x80x128xf32, #tpu.memory_space<vmem>> -> memref<80x128xf32, #tpu.memory_space<vmem>>
        tpu.enqueue_dma source(%dma_start3A_126 : memref<80x128xf32, #tpu.memory_space<vmem>>) target(%dma_start3A_122 : memref<80x128xf32, #tpu.memory_space<vmem_shared>>) target_semaphore(%run_scoped3A_114 : memref<!tpu.dma_semaphore, #tpu.memory_space<semaphore_mem>>)
        %dma_wait3A_127 = arith.constant 0 : i32
        %dma_wait3A_128 = arith.constant 0 : i32
        %dma_wait3A_129 = tpu.memref_slice %arg8[%run_scoped3A, %dma_wait3A_127, %dma_wait3A_128] : memref<3x80x128xf32, #tpu.memory_space<vmem>> -> memref<1x80x128xf32, #tpu.memory_space<vmem>>
        %dma_wait3A_130 = tpu.memref_squeeze %dma_wait3A_129 : memref<1x80x128xf32, #tpu.memory_space<vmem>> -> memref<80x128xf32, #tpu.memory_space<vmem>>
        %dma_wait3A_131 = arith.constant 0 : i32
        %dma_wait3A_132 = tpu.memref_slice %arg9[%add3A_112, %dma_wait3A_131] : memref<10240x128xf32, #tpu.memory_space<vmem_shared>> -> memref<80x128xf32, #tpu.memory_space<vmem_shared>>
        %dma_wait3A_133 = arith.constant 0 : i32
        %dma_wait3A_134 = tpu.memref_slice %arg9[%add3A_112, %dma_wait3A_133] : memref<10240x128xf32, #tpu.memory_space<vmem_shared>> -> memref<80x128xf32, #tpu.memory_space<vmem_shared>>
        %dma_wait3A_135 = arith.constant 0 : i32
        %dma_wait3A_136 = arith.constant 0 : i32
        %dma_wait3A_137 = tpu.memref_slice %arg8[%run_scoped3A, %dma_wait3A_135, %dma_wait3A_136] : memref<3x80x128xf32, #tpu.memory_space<vmem>> -> memref<1x80x128xf32, #tpu.memory_space<vmem>>
        %dma_wait3A_138 = tpu.memref_squeeze %dma_wait3A_137 : memref<1x80x128xf32, #tpu.memory_space<vmem>> -> memref<80x128xf32, #tpu.memory_space<vmem>>
        tpu.wait_dma2 semaphore(%run_scoped3A_114 : memref<!tpu.dma_semaphore, #tpu.memory_space<semaphore_mem>>) src(%dma_wait3A_138 : memref<80x128xf32, #tpu.memory_space<vmem>>) dst(%dma_wait3A_134 : memref<80x128xf32, #tpu.memory_space<vmem_shared>>)
        tpu.yield
      }) : () -> ()
      %scan3A_113 = arith.constant 0 : i32
      scf.yield %scan3A_113 : i32
    }
    %scan3A_13 = arith.constant 8 : i32
    %barrier3A = arith.constant 0 : index
    tpu.barrier barrier_id(%barrier3A)
    "tpu.region"() ({
      %run_scoped3A = tpu.sem_alloc : memref<!tpu.dma_semaphore, #tpu.memory_space<semaphore_mem>>
      %dma_start3A_106 = arith.constant 0 : i32
      %dma_start3A_107 = arith.constant 0 : i32
      %dma_start3A_108 = tpu.memref_slice %arg6[%dma_start3A_106, %dma_start3A_107] : memref<64x80xi32, #tpu.memory_space<vmem>> -> memref<64x80xi32, #tpu.memory_space<vmem>>
      %dma_start3A_109 = arith.constant 0 : i32
      %dma_start3A_110 = arith.constant 0 : i32
      %dma_start3A_111 = tpu.memref_slice %arg3[%add3A, %dma_start3A_109, %dma_start3A_110] : memref<32x125x80xi32, #tpu.memory_space<hbm>> -> memref<1x64x80xi32, #tpu.memory_space<hbm>>
      %dma_start3A_112 = tpu.memref_squeeze %dma_start3A_111 : memref<1x64x80xi32, #tpu.memory_space<hbm>> -> memref<64x80xi32, #tpu.memory_space<hbm>>
      %dma_start3A_113 = arith.constant 0 : i32
      %dma_start3A_114 = arith.constant 0 : i32
      %dma_start3A_115 = tpu.memref_slice %arg6[%dma_start3A_113, %dma_start3A_114] : memref<64x80xi32, #tpu.memory_space<vmem>> -> memref<64x80xi32, #tpu.memory_space<vmem>>
      %dma_start3A_116 = arith.constant 0 : i32
      %dma_start3A_117 = arith.constant 0 : i32
      %dma_start3A_118 = tpu.memref_slice %arg3[%add3A, %dma_start3A_116, %dma_start3A_117] : memref<32x125x80xi32, #tpu.memory_space<hbm>> -> memref<1x64x80xi32, #tpu.memory_space<hbm>>
      %dma_start3A_119 = tpu.memref_squeeze %dma_start3A_118 : memref<1x64x80xi32, #tpu.memory_space<hbm>> -> memref<64x80xi32, #tpu.memory_space<hbm>>
      tpu.enqueue_dma source(%dma_start3A_119 : memref<64x80xi32, #tpu.memory_space<hbm>>) target(%dma_start3A_115 : memref<64x80xi32, #tpu.memory_space<vmem>>) target_semaphore(%run_scoped3A : memref<!tpu.dma_semaphore, #tpu.memory_space<semaphore_mem>>)
      %dma_wait3A_120 = arith.constant 0 : i32
      %dma_wait3A_121 = arith.constant 0 : i32
      %dma_wait3A_122 = tpu.memref_slice %arg6[%dma_wait3A_120, %dma_wait3A_121] : memref<64x80xi32, #tpu.memory_space<vmem>> -> memref<64x80xi32, #tpu.memory_space<vmem>>
      %dma_wait3A_123 = arith.constant 0 : i32
      %dma_wait3A_124 = arith.constant 0 : i32
      %dma_wait3A_125 = tpu.memref_slice %arg3[%add3A, %dma_wait3A_123, %dma_wait3A_124] : memref<32x125x80xi32, #tpu.memory_space<hbm>> -> memref<1x64x80xi32, #tpu.memory_space<hbm>>
      %dma_wait3A_126 = tpu.memref_squeeze %dma_wait3A_125 : memref<1x64x80xi32, #tpu.memory_space<hbm>> -> memref<64x80xi32, #tpu.memory_space<hbm>>
      %dma_wait3A_127 = arith.constant 0 : i32
      %dma_wait3A_128 = arith.constant 0 : i32
      %dma_wait3A_129 = tpu.memref_slice %arg6[%dma_wait3A_127, %dma_wait3A_128] : memref<64x80xi32, #tpu.memory_space<vmem>> -> memref<64x80xi32, #tpu.memory_space<vmem>>
      %dma_wait3A_130 = arith.constant 0 : i32
      %dma_wait3A_131 = arith.constant 0 : i32
      %dma_wait3A_132 = tpu.memref_slice %arg3[%add3A, %dma_wait3A_130, %dma_wait3A_131] : memref<32x125x80xi32, #tpu.memory_space<hbm>> -> memref<1x64x80xi32, #tpu.memory_space<hbm>>
      %dma_wait3A_133 = tpu.memref_squeeze %dma_wait3A_132 : memref<1x64x80xi32, #tpu.memory_space<hbm>> -> memref<64x80xi32, #tpu.memory_space<hbm>>
      tpu.wait_dma2 semaphore(%run_scoped3A : memref<!tpu.dma_semaphore, #tpu.memory_space<semaphore_mem>>) src(%dma_wait3A_133 : memref<64x80xi32, #tpu.memory_space<hbm>>) dst(%dma_wait3A_129 : memref<64x80xi32, #tpu.memory_space<vmem>>)
      tpu.yield
    }) : () -> ()
    "tpu.region"() ({
      %run_scoped3A = tpu.sem_alloc : memref<!tpu.dma_semaphore, #tpu.memory_space<semaphore_mem>>
      %dma_start3A_106 = arith.constant 0 : i32
      %dma_start3A_107 = arith.constant 0 : i32
      %dma_start3A_108 = tpu.memref_slice %arg7[%dma_start3A_106, %dma_start3A_107] : memref<64x80xi32, #tpu.memory_space<vmem>> -> memref<64x80xi32, #tpu.memory_space<vmem>>
      %dma_start3A_109 = arith.constant 0 : i32
      %dma_start3A_110 = arith.constant 0 : i32
      %dma_start3A_111 = tpu.memref_slice %arg4[%add3A, %dma_start3A_109, %dma_start3A_110] : memref<32x125x80xi32, #tpu.memory_space<hbm>> -> memref<1x64x80xi32, #tpu.memory_space<hbm>>
      %dma_start3A_112 = tpu.memref_squeeze %dma_start3A_111 : memref<1x64x80xi32, #tpu.memory_space<hbm>> -> memref<64x80xi32, #tpu.memory_space<hbm>>
      %dma_start3A_113 = arith.constant 0 : i32
      %dma_start3A_114 = arith.constant 0 : i32
      %dma_start3A_115 = tpu.memref_slice %arg7[%dma_start3A_113, %dma_start3A_114] : memref<64x80xi32, #tpu.memory_space<vmem>> -> memref<64x80xi32, #tpu.memory_space<vmem>>
      %dma_start3A_116 = arith.constant 0 : i32
      %dma_start3A_117 = arith.constant 0 : i32
      %dma_start3A_118 = tpu.memref_slice %arg4[%add3A, %dma_start3A_116, %dma_start3A_117] : memref<32x125x80xi32, #tpu.memory_space<hbm>> -> memref<1x64x80xi32, #tpu.memory_space<hbm>>
      %dma_start3A_119 = tpu.memref_squeeze %dma_start3A_118 : memref<1x64x80xi32, #tpu.memory_space<hbm>> -> memref<64x80xi32, #tpu.memory_space<hbm>>
      tpu.enqueue_dma source(%dma_start3A_119 : memref<64x80xi32, #tpu.memory_space<hbm>>) target(%dma_start3A_115 : memref<64x80xi32, #tpu.memory_space<vmem>>) target_semaphore(%run_scoped3A : memref<!tpu.dma_semaphore, #tpu.memory_space<semaphore_mem>>)
      %dma_wait3A_120 = arith.constant 0 : i32
      %dma_wait3A_121 = arith.constant 0 : i32
      %dma_wait3A_122 = tpu.memref_slice %arg7[%dma_wait3A_120, %dma_wait3A_121] : memref<64x80xi32, #tpu.memory_space<vmem>> -> memref<64x80xi32, #tpu.memory_space<vmem>>
      %dma_wait3A_123 = arith.constant 0 : i32
      %dma_wait3A_124 = arith.constant 0 : i32
      %dma_wait3A_125 = tpu.memref_slice %arg4[%add3A, %dma_wait3A_123, %dma_wait3A_124] : memref<32x125x80xi32, #tpu.memory_space<hbm>> -> memref<1x64x80xi32, #tpu.memory_space<hbm>>
      %dma_wait3A_126 = tpu.memref_squeeze %dma_wait3A_125 : memref<1x64x80xi32, #tpu.memory_space<hbm>> -> memref<64x80xi32, #tpu.memory_space<hbm>>
      %dma_wait3A_127 = arith.constant 0 : i32
      %dma_wait3A_128 = arith.constant 0 : i32
      %dma_wait3A_129 = tpu.memref_slice %arg7[%dma_wait3A_127, %dma_wait3A_128] : memref<64x80xi32, #tpu.memory_space<vmem>> -> memref<64x80xi32, #tpu.memory_space<vmem>>
      %dma_wait3A_130 = arith.constant 0 : i32
      %dma_wait3A_131 = arith.constant 0 : i32
      %dma_wait3A_132 = tpu.memref_slice %arg4[%add3A, %dma_wait3A_130, %dma_wait3A_131] : memref<32x125x80xi32, #tpu.memory_space<hbm>> -> memref<1x64x80xi32, #tpu.memory_space<hbm>>
      %dma_wait3A_133 = tpu.memref_squeeze %dma_wait3A_132 : memref<1x64x80xi32, #tpu.memory_space<hbm>> -> memref<64x80xi32, #tpu.memory_space<hbm>>
      tpu.wait_dma2 semaphore(%run_scoped3A : memref<!tpu.dma_semaphore, #tpu.memory_space<semaphore_mem>>) src(%dma_wait3A_133 : memref<64x80xi32, #tpu.memory_space<hbm>>) dst(%dma_wait3A_129 : memref<64x80xi32, #tpu.memory_space<vmem>>)
      tpu.yield
    }) : () -> ()
    %dma_start3A = arith.constant 0 : i32
    %dma_start3A_14 = arith.constant 0 : i32
    %dma_start3A_15 = arith.constant 0 : i32
    %dma_start3A_16 = arith.constant 0 : i32
    %dma_start3A_17 = tpu.memref_slice %arg8[%dma_start3A_14, %dma_start3A_15, %dma_start3A_16] : memref<3x80x128xf32, #tpu.memory_space<vmem>> -> memref<1x80x128xf32, #tpu.memory_space<vmem>>
    %dma_start3A_18 = tpu.memref_squeeze %dma_start3A_17 : memref<1x80x128xf32, #tpu.memory_space<vmem>> -> memref<80x128xf32, #tpu.memory_space<vmem>>
    %dma_start3A_19 = arith.constant 0 : i32
    %dma_start3A_20 = tpu.memref_slice %arg6[%dma_start3A, %dma_start3A_19] : memref<64x80xi32, #tpu.memory_space<vmem>> -> memref<1x80xi32, #tpu.memory_space<vmem>>
    %dma_start3A_21 = tpu.memref_squeeze %dma_start3A_20 : memref<1x80xi32, #tpu.memory_space<vmem>> -> memref<80xi32, #tpu.memory_space<vmem>>
    %dma_start3A_22 = arith.constant 0 : i32
    %dma_start3A_23 = arith.constant 0 : i32
    %dma_start3A_24 = tpu.memref_slice %arg2[%dma_start3A_22, %dma_start3A_23] : memref<10240x128xf32, #tpu.memory_space<hbm>> -> memref<10240x128xf32, #tpu.memory_space<hbm>>
    tpu.enqueue_indirect_dma source(%dma_start3A_24 : memref<10240x128xf32, #tpu.memory_space<hbm>>) target(%dma_start3A_18 : memref<80x128xf32, #tpu.memory_space<vmem>>) offsets(%dma_start3A_21 : memref<80xi32, #tpu.memory_space<vmem>>) semaphore(%arg10 : memref<!tpu.dma_semaphore, #tpu.memory_space<semaphore_mem>>)
    %dma_start3A_25 = arith.constant 1 : i32
    %dma_start3A_26 = arith.constant 1 : i32
    %dma_start3A_27 = arith.constant 0 : i32
    %dma_start3A_28 = arith.constant 0 : i32
    %dma_start3A_29 = tpu.memref_slice %arg8[%dma_start3A_26, %dma_start3A_27, %dma_start3A_28] : memref<3x80x128xf32, #tpu.memory_space<vmem>> -> memref<1x80x128xf32, #tpu.memory_space<vmem>>
    %dma_start3A_30 = tpu.memref_squeeze %dma_start3A_29 : memref<1x80x128xf32, #tpu.memory_space<vmem>> -> memref<80x128xf32, #tpu.memory_space<vmem>>
    %dma_start3A_31 = arith.constant 0 : i32
    %dma_start3A_32 = tpu.memref_slice %arg6[%dma_start3A_25, %dma_start3A_31] : memref<64x80xi32, #tpu.memory_space<vmem>> -> memref<1x80xi32, #tpu.memory_space<vmem>>
    %dma_start3A_33 = tpu.memref_squeeze %dma_start3A_32 : memref<1x80xi32, #tpu.memory_space<vmem>> -> memref<80xi32, #tpu.memory_space<vmem>>
    %dma_start3A_34 = arith.constant 0 : i32
    %dma_start3A_35 = arith.constant 0 : i32
    %dma_start3A_36 = tpu.memref_slice %arg2[%dma_start3A_34, %dma_start3A_35] : memref<10240x128xf32, #tpu.memory_space<hbm>> -> memref<10240x128xf32, #tpu.memory_space<hbm>>
    tpu.enqueue_indirect_dma source(%dma_start3A_36 : memref<10240x128xf32, #tpu.memory_space<hbm>>) target(%dma_start3A_30 : memref<80x128xf32, #tpu.memory_space<vmem>>) offsets(%dma_start3A_33 : memref<80xi32, #tpu.memory_space<vmem>>) semaphore(%arg11 : memref<!tpu.dma_semaphore, #tpu.memory_space<semaphore_mem>>)
    %scan3A_37 = arith.constant 0 : i32
    %scan3A_38 = arith.constant 0 : i32
    %scan3A_39 = arith.constant 64 : i32
    %scan3A_40 = arith.addi %scan3A_38, %scan3A_39 : i32
    %scan3A_41 = arith.constant 1 : i32
    %scan3A_42 = scf.for %scan3A_106 = %scan3A_38 to %scan3A_40 step %scan3A_41 iter_args(%scan3A_107 = %scan3A_37) -> (i32)  : i32 {
      %rem3A = arith.constant 3 : i32
      %rem3A_108 = arith.remsi %scan3A_106, %rem3A : i32
      %eq3A = arith.constant 0 : i32
      %eq3A_109 = arith.cmpi eq, %rem3A_108, %eq3A : i32
      %convert_element_type3A = arith.extui %eq3A_109 : i1 to i32
      %cond3A = arith.constant 0 : i32
      %cond3A_110 = arith.cmpi ne, %convert_element_type3A, %cond3A : i32
      scf.if %cond3A_110 {
        %ge3A = arith.constant 1 : i32
        %ge3A_126 = arith.cmpi sge, %scan3A_106, %ge3A : i32
        %convert_element_type3A_127 = arith.extui %ge3A_126 : i1 to i32
        %cond3A_128 = arith.constant 0 : i32
        %cond3A_129 = arith.cmpi ne, %convert_element_type3A_127, %cond3A_128 : i32
        scf.if %cond3A_129 {
          %sub3A = arith.constant 1 : i32
          %sub3A_158 = arith.subi %scan3A_106, %sub3A : i32
          %dma_wait3A_159 = arith.constant 2 : i32
          %dma_wait3A_160 = arith.constant 0 : i32
          %dma_wait3A_161 = arith.constant 0 : i32
          %dma_wait3A_162 = tpu.memref_slice %arg8[%dma_wait3A_159, %dma_wait3A_160, %dma_wait3A_161] : memref<3x80x128xf32, #tpu.memory_space<vmem>> -> memref<1x80x128xf32, #tpu.memory_space<vmem>>
          %dma_wait3A_163 = tpu.memref_squeeze %dma_wait3A_162 : memref<1x80x128xf32, #tpu.memory_space<vmem>> -> memref<80x128xf32, #tpu.memory_space<vmem>>
          %dma_wait3A_164 = arith.constant 0 : i32
          %dma_wait3A_165 = tpu.memref_slice %arg7[%sub3A_158, %dma_wait3A_164] : memref<64x80xi32, #tpu.memory_space<vmem>> -> memref<1x80xi32, #tpu.memory_space<vmem>>
          %dma_wait3A_166 = tpu.memref_squeeze %dma_wait3A_165 : memref<1x80xi32, #tpu.memory_space<vmem>> -> memref<80xi32, #tpu.memory_space<vmem>>
          %dma_wait3A_167 = arith.constant 0 : i32
          %dma_wait3A_168 = arith.constant 0 : i32
          %dma_wait3A_169 = tpu.memref_slice %arg9[%dma_wait3A_167, %dma_wait3A_168] : memref<10240x128xf32, #tpu.memory_space<vmem_shared>> -> memref<10240x128xf32, #tpu.memory_space<vmem_shared>>
          tpu.wait_indirect_dma semaphore(%arg15 : memref<!tpu.dma_semaphore, #tpu.memory_space<semaphore_mem>>) src(%dma_wait3A_163 : memref<80x128xf32, #tpu.memory_space<vmem>>) dst(%dma_wait3A_169 : memref<10240x128xf32, #tpu.memory_space<vmem_shared>>)
        } else {
        }
        %add3A_130 = arith.constant 2 : i32
        %add3A_131 = arith.addi %scan3A_106, %add3A_130 : i32
        %lt3A = arith.constant 64 : i32
        %lt3A_132 = arith.cmpi slt, %add3A_131, %lt3A : i32
        %convert_element_type3A_133 = arith.extui %lt3A_132 : i1 to i32
        %cond3A_134 = arith.constant 0 : i32
        %cond3A_135 = arith.cmpi ne, %convert_element_type3A_133, %cond3A_134 : i32
        scf.if %cond3A_135 {
          %add3A_158 = arith.constant 2 : i32
          %add3A_159 = arith.addi %scan3A_106, %add3A_158 : i32
          %dma_start3A_160 = arith.constant 2 : i32
          %dma_start3A_161 = arith.constant 0 : i32
          %dma_start3A_162 = arith.constant 0 : i32
          %dma_start3A_163 = tpu.memref_slice %arg8[%dma_start3A_160, %dma_start3A_161, %dma_start3A_162] : memref<3x80x128xf32, #tpu.memory_space<vmem>> -> memref<1x80x128xf32, #tpu.memory_space<vmem>>
          %dma_start3A_164 = tpu.memref_squeeze %dma_start3A_163 : memref<1x80x128xf32, #tpu.memory_space<vmem>> -> memref<80x128xf32, #tpu.memory_space<vmem>>
          %dma_start3A_165 = arith.constant 0 : i32
          %dma_start3A_166 = tpu.memref_slice %arg6[%add3A_159, %dma_start3A_165] : memref<64x80xi32, #tpu.memory_space<vmem>> -> memref<1x80xi32, #tpu.memory_space<vmem>>
          %dma_start3A_167 = tpu.memref_squeeze %dma_start3A_166 : memref<1x80xi32, #tpu.memory_space<vmem>> -> memref<80xi32, #tpu.memory_space<vmem>>
          %dma_start3A_168 = arith.constant 0 : i32
          %dma_start3A_169 = arith.constant 0 : i32
          %dma_start3A_170 = tpu.memref_slice %arg2[%dma_start3A_168, %dma_start3A_169] : memref<10240x128xf32, #tpu.memory_space<hbm>> -> memref<10240x128xf32, #tpu.memory_space<hbm>>
          tpu.enqueue_indirect_dma source(%dma_start3A_170 : memref<10240x128xf32, #tpu.memory_space<hbm>>) target(%dma_start3A_164 : memref<80x128xf32, #tpu.memory_space<vmem>>) offsets(%dma_start3A_167 : memref<80xi32, #tpu.memory_space<vmem>>) semaphore(%arg12 : memref<!tpu.dma_semaphore, #tpu.memory_space<semaphore_mem>>)
        } else {
        }
        %dma_wait3A_136 = arith.constant 0 : i32
        %dma_wait3A_137 = arith.constant 0 : i32
        %dma_wait3A_138 = arith.constant 0 : i32
        %dma_wait3A_139 = tpu.memref_slice %arg8[%dma_wait3A_136, %dma_wait3A_137, %dma_wait3A_138] : memref<3x80x128xf32, #tpu.memory_space<vmem>> -> memref<1x80x128xf32, #tpu.memory_space<vmem>>
        %dma_wait3A_140 = tpu.memref_squeeze %dma_wait3A_139 : memref<1x80x128xf32, #tpu.memory_space<vmem>> -> memref<80x128xf32, #tpu.memory_space<vmem>>
        %dma_wait3A_141 = arith.constant 0 : i32
        %dma_wait3A_142 = tpu.memref_slice %arg6[%scan3A_106, %dma_wait3A_141] : memref<64x80xi32, #tpu.memory_space<vmem>> -> memref<1x80xi32, #tpu.memory_space<vmem>>
        %dma_wait3A_143 = tpu.memref_squeeze %dma_wait3A_142 : memref<1x80xi32, #tpu.memory_space<vmem>> -> memref<80xi32, #tpu.memory_space<vmem>>
        %dma_wait3A_144 = arith.constant 0 : i32
        %dma_wait3A_145 = arith.constant 0 : i32
        %dma_wait3A_146 = tpu.memref_slice %arg2[%dma_wait3A_144, %dma_wait3A_145] : memref<10240x128xf32, #tpu.memory_space<hbm>> -> memref<10240x128xf32, #tpu.memory_space<hbm>>
        tpu.wait_indirect_dma semaphore(%arg10 : memref<!tpu.dma_semaphore, #tpu.memory_space<semaphore_mem>>) src(%dma_wait3A_146 : memref<10240x128xf32, #tpu.memory_space<hbm>>) dst(%dma_wait3A_140 : memref<80x128xf32, #tpu.memory_space<vmem>>)
        %dma_start3A_147 = arith.constant 0 : i32
        %dma_start3A_148 = arith.constant 0 : i32
        %dma_start3A_149 = arith.constant 0 : i32
        %dma_start3A_150 = tpu.memref_slice %arg8[%dma_start3A_147, %dma_start3A_148, %dma_start3A_149] : memref<3x80x128xf32, #tpu.memory_space<vmem>> -> memref<1x80x128xf32, #tpu.memory_space<vmem>>
        %dma_start3A_151 = tpu.memref_squeeze %dma_start3A_150 : memref<1x80x128xf32, #tpu.memory_space<vmem>> -> memref<80x128xf32, #tpu.memory_space<vmem>>
        %dma_start3A_152 = arith.constant 0 : i32
        %dma_start3A_153 = tpu.memref_slice %arg7[%scan3A_106, %dma_start3A_152] : memref<64x80xi32, #tpu.memory_space<vmem>> -> memref<1x80xi32, #tpu.memory_space<vmem>>
        %dma_start3A_154 = tpu.memref_squeeze %dma_start3A_153 : memref<1x80xi32, #tpu.memory_space<vmem>> -> memref<80xi32, #tpu.memory_space<vmem>>
        %dma_start3A_155 = arith.constant 0 : i32
        %dma_start3A_156 = arith.constant 0 : i32
        %dma_start3A_157 = tpu.memref_slice %arg9[%dma_start3A_155, %dma_start3A_156] : memref<10240x128xf32, #tpu.memory_space<vmem_shared>> -> memref<10240x128xf32, #tpu.memory_space<vmem_shared>>
        tpu.enqueue_indirect_dma source(%dma_start3A_151 : memref<80x128xf32, #tpu.memory_space<vmem>>) target(%dma_start3A_157 : memref<10240x128xf32, #tpu.memory_space<vmem_shared>>) offsets(%dma_start3A_154 : memref<80xi32, #tpu.memory_space<vmem>>) semaphore(%arg13 : memref<!tpu.dma_semaphore, #tpu.memory_space<semaphore_mem>>) {add = true}
      } else {
      }
      %rem3A_111 = arith.constant 3 : i32
      %rem3A_112 = arith.remsi %scan3A_106, %rem3A_111 : i32
      %eq3A_113 = arith.constant 1 : i32
      %eq3A_114 = arith.cmpi eq, %rem3A_112, %eq3A_113 : i32
      %convert_element_type3A_115 = arith.extui %eq3A_114 : i1 to i32
      %cond3A_116 = arith.constant 0 : i32
      %cond3A_117 = arith.cmpi ne, %convert_element_type3A_115, %cond3A_116 : i32
      scf.if %cond3A_117 {
        %ge3A = arith.constant 1 : i32
        %ge3A_126 = arith.cmpi sge, %scan3A_106, %ge3A : i32
        %convert_element_type3A_127 = arith.extui %ge3A_126 : i1 to i32
        %cond3A_128 = arith.constant 0 : i32
        %cond3A_129 = arith.cmpi ne, %convert_element_type3A_127, %cond3A_128 : i32
        scf.if %cond3A_129 {
          %sub3A = arith.constant 1 : i32
          %sub3A_158 = arith.subi %scan3A_106, %sub3A : i32
          %dma_wait3A_159 = arith.constant 0 : i32
          %dma_wait3A_160 = arith.constant 0 : i32
          %dma_wait3A_161 = arith.constant 0 : i32
          %dma_wait3A_162 = tpu.memref_slice %arg8[%dma_wait3A_159, %dma_wait3A_160, %dma_wait3A_161] : memref<3x80x128xf32, #tpu.memory_space<vmem>> -> memref<1x80x128xf32, #tpu.memory_space<vmem>>
          %dma_wait3A_163 = tpu.memref_squeeze %dma_wait3A_162 : memref<1x80x128xf32, #tpu.memory_space<vmem>> -> memref<80x128xf32, #tpu.memory_space<vmem>>
          %dma_wait3A_164 = arith.constant 0 : i32
          %dma_wait3A_165 = tpu.memref_slice %arg7[%sub3A_158, %dma_wait3A_164] : memref<64x80xi32, #tpu.memory_space<vmem>> -> memref<1x80xi32, #tpu.memory_space<vmem>>
          %dma_wait3A_166 = tpu.memref_squeeze %dma_wait3A_165 : memref<1x80xi32, #tpu.memory_space<vmem>> -> memref<80xi32, #tpu.memory_space<vmem>>
          %dma_wait3A_167 = arith.constant 0 : i32
          %dma_wait3A_168 = arith.constant 0 : i32
          %dma_wait3A_169 = tpu.memref_slice %arg9[%dma_wait3A_167, %dma_wait3A_168] : memref<10240x128xf32, #tpu.memory_space<vmem_shared>> -> memref<10240x128xf32, #tpu.memory_space<vmem_shared>>
          tpu.wait_indirect_dma semaphore(%arg13 : memref<!tpu.dma_semaphore, #tpu.memory_space<semaphore_mem>>) src(%dma_wait3A_163 : memref<80x128xf32, #tpu.memory_space<vmem>>) dst(%dma_wait3A_169 : memref<10240x128xf32, #tpu.memory_space<vmem_shared>>)
        } else {
        }
        %add3A_130 = arith.constant 2 : i32
        %add3A_131 = arith.addi %scan3A_106, %add3A_130 : i32
        %lt3A = arith.constant 64 : i32
        %lt3A_132 = arith.cmpi slt, %add3A_131, %lt3A : i32
        %convert_element_type3A_133 = arith.extui %lt3A_132 : i1 to i32
        %cond3A_134 = arith.constant 0 : i32
        %cond3A_135 = arith.cmpi ne, %convert_element_type3A_133, %cond3A_134 : i32
        scf.if %cond3A_135 {
          %add3A_158 = arith.constant 2 : i32
          %add3A_159 = arith.addi %scan3A_106, %add3A_158 : i32
          %dma_start3A_160 = arith.constant 0 : i32
          %dma_start3A_161 = arith.constant 0 : i32
          %dma_start3A_162 = arith.constant 0 : i32
          %dma_start3A_163 = tpu.memref_slice %arg8[%dma_start3A_160, %dma_start3A_161, %dma_start3A_162] : memref<3x80x128xf32, #tpu.memory_space<vmem>> -> memref<1x80x128xf32, #tpu.memory_space<vmem>>
          %dma_start3A_164 = tpu.memref_squeeze %dma_start3A_163 : memref<1x80x128xf32, #tpu.memory_space<vmem>> -> memref<80x128xf32, #tpu.memory_space<vmem>>
          %dma_start3A_165 = arith.constant 0 : i32
          %dma_start3A_166 = tpu.memref_slice %arg6[%add3A_159, %dma_start3A_165] : memref<64x80xi32, #tpu.memory_space<vmem>> -> memref<1x80xi32, #tpu.memory_space<vmem>>
          %dma_start3A_167 = tpu.memref_squeeze %dma_start3A_166 : memref<1x80xi32, #tpu.memory_space<vmem>> -> memref<80xi32, #tpu.memory_space<vmem>>
          %dma_start3A_168 = arith.constant 0 : i32
          %dma_start3A_169 = arith.constant 0 : i32
          %dma_start3A_170 = tpu.memref_slice %arg2[%dma_start3A_168, %dma_start3A_169] : memref<10240x128xf32, #tpu.memory_space<hbm>> -> memref<10240x128xf32, #tpu.memory_space<hbm>>
          tpu.enqueue_indirect_dma source(%dma_start3A_170 : memref<10240x128xf32, #tpu.memory_space<hbm>>) target(%dma_start3A_164 : memref<80x128xf32, #tpu.memory_space<vmem>>) offsets(%dma_start3A_167 : memref<80xi32, #tpu.memory_space<vmem>>) semaphore(%arg10 : memref<!tpu.dma_semaphore, #tpu.memory_space<semaphore_mem>>)
        } else {
        }
        %dma_wait3A_136 = arith.constant 1 : i32
        %dma_wait3A_137 = arith.constant 0 : i32
        %dma_wait3A_138 = arith.constant 0 : i32
        %dma_wait3A_139 = tpu.memref_slice %arg8[%dma_wait3A_136, %dma_wait3A_137, %dma_wait3A_138] : memref<3x80x128xf32, #tpu.memory_space<vmem>> -> memref<1x80x128xf32, #tpu.memory_space<vmem>>
        %dma_wait3A_140 = tpu.memref_squeeze %dma_wait3A_139 : memref<1x80x128xf32, #tpu.memory_space<vmem>> -> memref<80x128xf32, #tpu.memory_space<vmem>>
        %dma_wait3A_141 = arith.constant 0 : i32
        %dma_wait3A_142 = tpu.memref_slice %arg6[%scan3A_106, %dma_wait3A_141] : memref<64x80xi32, #tpu.memory_space<vmem>> -> memref<1x80xi32, #tpu.memory_space<vmem>>
        %dma_wait3A_143 = tpu.memref_squeeze %dma_wait3A_142 : memref<1x80xi32, #tpu.memory_space<vmem>> -> memref<80xi32, #tpu.memory_space<vmem>>
        %dma_wait3A_144 = arith.constant 0 : i32
        %dma_wait3A_145 = arith.constant 0 : i32
        %dma_wait3A_146 = tpu.memref_slice %arg2[%dma_wait3A_144, %dma_wait3A_145] : memref<10240x128xf32, #tpu.memory_space<hbm>> -> memref<10240x128xf32, #tpu.memory_space<hbm>>
        tpu.wait_indirect_dma semaphore(%arg11 : memref<!tpu.dma_semaphore, #tpu.memory_space<semaphore_mem>>) src(%dma_wait3A_146 : memref<10240x128xf32, #tpu.memory_space<hbm>>) dst(%dma_wait3A_140 : memref<80x128xf32, #tpu.memory_space<vmem>>)
        %dma_start3A_147 = arith.constant 1 : i32
        %dma_start3A_148 = arith.constant 0 : i32
        %dma_start3A_149 = arith.constant 0 : i32
        %dma_start3A_150 = tpu.memref_slice %arg8[%dma_start3A_147, %dma_start3A_148, %dma_start3A_149] : memref<3x80x128xf32, #tpu.memory_space<vmem>> -> memref<1x80x128xf32, #tpu.memory_space<vmem>>
        %dma_start3A_151 = tpu.memref_squeeze %dma_start3A_150 : memref<1x80x128xf32, #tpu.memory_space<vmem>> -> memref<80x128xf32, #tpu.memory_space<vmem>>
        %dma_start3A_152 = arith.constant 0 : i32
        %dma_start3A_153 = tpu.memref_slice %arg7[%scan3A_106, %dma_start3A_152] : memref<64x80xi32, #tpu.memory_space<vmem>> -> memref<1x80xi32, #tpu.memory_space<vmem>>
        %dma_start3A_154 = tpu.memref_squeeze %dma_start3A_153 : memref<1x80xi32, #tpu.memory_space<vmem>> -> memref<80xi32, #tpu.memory_space<vmem>>
        %dma_start3A_155 = arith.constant 0 : i32
        %dma_start3A_156 = arith.constant 0 : i32
        %dma_start3A_157 = tpu.memref_slice %arg9[%dma_start3A_155, %dma_start3A_156] : memref<10240x128xf32, #tpu.memory_space<vmem_shared>> -> memref<10240x128xf32, #tpu.memory_space<vmem_shared>>
        tpu.enqueue_indirect_dma source(%dma_start3A_151 : memref<80x128xf32, #tpu.memory_space<vmem>>) target(%dma_start3A_157 : memref<10240x128xf32, #tpu.memory_space<vmem_shared>>) offsets(%dma_start3A_154 : memref<80xi32, #tpu.memory_space<vmem>>) semaphore(%arg14 : memref<!tpu.dma_semaphore, #tpu.memory_space<semaphore_mem>>) {add = true}
      } else {
      }
      %rem3A_118 = arith.constant 3 : i32
      %rem3A_119 = arith.remsi %scan3A_106, %rem3A_118 : i32
      %eq3A_120 = arith.constant 2 : i32
      %eq3A_121 = arith.cmpi eq, %rem3A_119, %eq3A_120 : i32
      %convert_element_type3A_122 = arith.extui %eq3A_121 : i1 to i32
      %cond3A_123 = arith.constant 0 : i32
      %cond3A_124 = arith.cmpi ne, %convert_element_type3A_122, %cond3A_123 : i32
      scf.if %cond3A_124 {
        %ge3A = arith.constant 1 : i32
        %ge3A_126 = arith.cmpi sge, %scan3A_106, %ge3A : i32
        %convert_element_type3A_127 = arith.extui %ge3A_126 : i1 to i32
        %cond3A_128 = arith.constant 0 : i32
        %cond3A_129 = arith.cmpi ne, %convert_element_type3A_127, %cond3A_128 : i32
        scf.if %cond3A_129 {
          %sub3A = arith.constant 1 : i32
          %sub3A_158 = arith.subi %scan3A_106, %sub3A : i32
          %dma_wait3A_159 = arith.constant 1 : i32
          %dma_wait3A_160 = arith.constant 0 : i32
          %dma_wait3A_161 = arith.constant 0 : i32
          %dma_wait3A_162 = tpu.memref_slice %arg8[%dma_wait3A_159, %dma_wait3A_160, %dma_wait3A_161] : memref<3x80x128xf32, #tpu.memory_space<vmem>> -> memref<1x80x128xf32, #tpu.memory_space<vmem>>
          %dma_wait3A_163 = tpu.memref_squeeze %dma_wait3A_162 : memref<1x80x128xf32, #tpu.memory_space<vmem>> -> memref<80x128xf32, #tpu.memory_space<vmem>>
          %dma_wait3A_164 = arith.constant 0 : i32
          %dma_wait3A_165 = tpu.memref_slice %arg7[%sub3A_158, %dma_wait3A_164] : memref<64x80xi32, #tpu.memory_space<vmem>> -> memref<1x80xi32, #tpu.memory_space<vmem>>
          %dma_wait3A_166 = tpu.memref_squeeze %dma_wait3A_165 : memref<1x80xi32, #tpu.memory_space<vmem>> -> memref<80xi32, #tpu.memory_space<vmem>>
          %dma_wait3A_167 = arith.constant 0 : i32
          %dma_wait3A_168 = arith.constant 0 : i32
          %dma_wait3A_169 = tpu.memref_slice %arg9[%dma_wait3A_167, %dma_wait3A_168] : memref<10240x128xf32, #tpu.memory_space<vmem_shared>> -> memref<10240x128xf32, #tpu.memory_space<vmem_shared>>
          tpu.wait_indirect_dma semaphore(%arg14 : memref<!tpu.dma_semaphore, #tpu.memory_space<semaphore_mem>>) src(%dma_wait3A_163 : memref<80x128xf32, #tpu.memory_space<vmem>>) dst(%dma_wait3A_169 : memref<10240x128xf32, #tpu.memory_space<vmem_shared>>)
        } else {
        }
        %add3A_130 = arith.constant 2 : i32
        %add3A_131 = arith.addi %scan3A_106, %add3A_130 : i32
        %lt3A = arith.constant 64 : i32
        %lt3A_132 = arith.cmpi slt, %add3A_131, %lt3A : i32
        %convert_element_type3A_133 = arith.extui %lt3A_132 : i1 to i32
        %cond3A_134 = arith.constant 0 : i32
        %cond3A_135 = arith.cmpi ne, %convert_element_type3A_133, %cond3A_134 : i32
        scf.if %cond3A_135 {
          %add3A_158 = arith.constant 2 : i32
          %add3A_159 = arith.addi %scan3A_106, %add3A_158 : i32
          %dma_start3A_160 = arith.constant 1 : i32
          %dma_start3A_161 = arith.constant 0 : i32
          %dma_start3A_162 = arith.constant 0 : i32
          %dma_start3A_163 = tpu.memref_slice %arg8[%dma_start3A_160, %dma_start3A_161, %dma_start3A_162] : memref<3x80x128xf32, #tpu.memory_space<vmem>> -> memref<1x80x128xf32, #tpu.memory_space<vmem>>
          %dma_start3A_164 = tpu.memref_squeeze %dma_start3A_163 : memref<1x80x128xf32, #tpu.memory_space<vmem>> -> memref<80x128xf32, #tpu.memory_space<vmem>>
          %dma_start3A_165 = arith.constant 0 : i32
          %dma_start3A_166 = tpu.memref_slice %arg6[%add3A_159, %dma_start3A_165] : memref<64x80xi32, #tpu.memory_space<vmem>> -> memref<1x80xi32, #tpu.memory_space<vmem>>
          %dma_start3A_167 = tpu.memref_squeeze %dma_start3A_166 : memref<1x80xi32, #tpu.memory_space<vmem>> -> memref<80xi32, #tpu.memory_space<vmem>>
          %dma_start3A_168 = arith.constant 0 : i32
          %dma_start3A_169 = arith.constant 0 : i32
          %dma_start3A_170 = tpu.memref_slice %arg2[%dma_start3A_168, %dma_start3A_169] : memref<10240x128xf32, #tpu.memory_space<hbm>> -> memref<10240x128xf32, #tpu.memory_space<hbm>>
          tpu.enqueue_indirect_dma source(%dma_start3A_170 : memref<10240x128xf32, #tpu.memory_space<hbm>>) target(%dma_start3A_164 : memref<80x128xf32, #tpu.memory_space<vmem>>) offsets(%dma_start3A_167 : memref<80xi32, #tpu.memory_space<vmem>>) semaphore(%arg11 : memref<!tpu.dma_semaphore, #tpu.memory_space<semaphore_mem>>)
        } else {
        }
        %dma_wait3A_136 = arith.constant 2 : i32
        %dma_wait3A_137 = arith.constant 0 : i32
        %dma_wait3A_138 = arith.constant 0 : i32
        %dma_wait3A_139 = tpu.memref_slice %arg8[%dma_wait3A_136, %dma_wait3A_137, %dma_wait3A_138] : memref<3x80x128xf32, #tpu.memory_space<vmem>> -> memref<1x80x128xf32, #tpu.memory_space<vmem>>
        %dma_wait3A_140 = tpu.memref_squeeze %dma_wait3A_139 : memref<1x80x128xf32, #tpu.memory_space<vmem>> -> memref<80x128xf32, #tpu.memory_space<vmem>>
        %dma_wait3A_141 = arith.constant 0 : i32
        %dma_wait3A_142 = tpu.memref_slice %arg6[%scan3A_106, %dma_wait3A_141] : memref<64x80xi32, #tpu.memory_space<vmem>> -> memref<1x80xi32, #tpu.memory_space<vmem>>
        %dma_wait3A_143 = tpu.memref_squeeze %dma_wait3A_142 : memref<1x80xi32, #tpu.memory_space<vmem>> -> memref<80xi32, #tpu.memory_space<vmem>>
        %dma_wait3A_144 = arith.constant 0 : i32
        %dma_wait3A_145 = arith.constant 0 : i32
        %dma_wait3A_146 = tpu.memref_slice %arg2[%dma_wait3A_144, %dma_wait3A_145] : memref<10240x128xf32, #tpu.memory_space<hbm>> -> memref<10240x128xf32, #tpu.memory_space<hbm>>
        tpu.wait_indirect_dma semaphore(%arg12 : memref<!tpu.dma_semaphore, #tpu.memory_space<semaphore_mem>>) src(%dma_wait3A_146 : memref<10240x128xf32, #tpu.memory_space<hbm>>) dst(%dma_wait3A_140 : memref<80x128xf32, #tpu.memory_space<vmem>>)
        %dma_start3A_147 = arith.constant 2 : i32
        %dma_start3A_148 = arith.constant 0 : i32
        %dma_start3A_149 = arith.constant 0 : i32
        %dma_start3A_150 = tpu.memref_slice %arg8[%dma_start3A_147, %dma_start3A_148, %dma_start3A_149] : memref<3x80x128xf32, #tpu.memory_space<vmem>> -> memref<1x80x128xf32, #tpu.memory_space<vmem>>
        %dma_start3A_151 = tpu.memref_squeeze %dma_start3A_150 : memref<1x80x128xf32, #tpu.memory_space<vmem>> -> memref<80x128xf32, #tpu.memory_space<vmem>>
        %dma_start3A_152 = arith.constant 0 : i32
        %dma_start3A_153 = tpu.memref_slice %arg7[%scan3A_106, %dma_start3A_152] : memref<64x80xi32, #tpu.memory_space<vmem>> -> memref<1x80xi32, #tpu.memory_space<vmem>>
        %dma_start3A_154 = tpu.memref_squeeze %dma_start3A_153 : memref<1x80xi32, #tpu.memory_space<vmem>> -> memref<80xi32, #tpu.memory_space<vmem>>
        %dma_start3A_155 = arith.constant 0 : i32
        %dma_start3A_156 = arith.constant 0 : i32
        %dma_start3A_157 = tpu.memref_slice %arg9[%dma_start3A_155, %dma_start3A_156] : memref<10240x128xf32, #tpu.memory_space<vmem_shared>> -> memref<10240x128xf32, #tpu.memory_space<vmem_shared>>
        tpu.enqueue_indirect_dma source(%dma_start3A_151 : memref<80x128xf32, #tpu.memory_space<vmem>>) target(%dma_start3A_157 : memref<10240x128xf32, #tpu.memory_space<vmem_shared>>) offsets(%dma_start3A_154 : memref<80xi32, #tpu.memory_space<vmem>>) semaphore(%arg15 : memref<!tpu.dma_semaphore, #tpu.memory_space<semaphore_mem>>) {add = true}
      } else {
      }
      %scan3A_125 = arith.constant 0 : i32
      scf.yield %scan3A_125 : i32
    }
    %scan3A_43 = arith.constant 64 : i32
    %dma_wait3A = arith.constant 0 : i32
    %dma_wait3A_44 = arith.constant 63 : i32
    %dma_wait3A_45 = arith.constant 0 : i32
    %dma_wait3A_46 = arith.constant 0 : i32
    %dma_wait3A_47 = tpu.memref_slice %arg8[%dma_wait3A, %dma_wait3A_45, %dma_wait3A_46] : memref<3x80x128xf32, #tpu.memory_space<vmem>> -> memref<1x80x128xf32, #tpu.memory_space<vmem>>
    %dma_wait3A_48 = tpu.memref_squeeze %dma_wait3A_47 : memref<1x80x128xf32, #tpu.memory_space<vmem>> -> memref<80x128xf32, #tpu.memory_space<vmem>>
    %dma_wait3A_49 = arith.constant 0 : i32
    %dma_wait3A_50 = tpu.memref_slice %arg7[%dma_wait3A_44, %dma_wait3A_49] : memref<64x80xi32, #tpu.memory_space<vmem>> -> memref<1x80xi32, #tpu.memory_space<vmem>>
    %dma_wait3A_51 = tpu.memref_squeeze %dma_wait3A_50 : memref<1x80xi32, #tpu.memory_space<vmem>> -> memref<80xi32, #tpu.memory_space<vmem>>
    %dma_wait3A_52 = arith.constant 0 : i32
    %dma_wait3A_53 = arith.constant 0 : i32
    %dma_wait3A_54 = tpu.memref_slice %arg9[%dma_wait3A_52, %dma_wait3A_53] : memref<10240x128xf32, #tpu.memory_space<vmem_shared>> -> memref<10240x128xf32, #tpu.memory_space<vmem_shared>>
    tpu.wait_indirect_dma semaphore(%arg13 : memref<!tpu.dma_semaphore, #tpu.memory_space<semaphore_mem>>) src(%dma_wait3A_48 : memref<80x128xf32, #tpu.memory_space<vmem>>) dst(%dma_wait3A_54 : memref<10240x128xf32, #tpu.memory_space<vmem_shared>>)
    "tpu.region"() ({
      %run_scoped3A = tpu.sem_alloc : memref<!tpu.dma_semaphore, #tpu.memory_space<semaphore_mem>>
      %dma_start3A_106 = arith.constant 0 : i32
      %dma_start3A_107 = arith.constant 0 : i32
      %dma_start3A_108 = tpu.memref_slice %arg6[%dma_start3A_106, %dma_start3A_107] : memref<64x80xi32, #tpu.memory_space<vmem>> -> memref<61x80xi32, #tpu.memory_space<vmem>>
      %dma_start3A_109 = arith.constant 64 : i32
      %dma_start3A_110 = arith.constant 0 : i32
      %dma_start3A_111 = tpu.memref_slice %arg3[%add3A, %dma_start3A_109, %dma_start3A_110] : memref<32x125x80xi32, #tpu.memory_space<hbm>> -> memref<1x61x80xi32, #tpu.memory_space<hbm>>
      %dma_start3A_112 = tpu.memref_squeeze %dma_start3A_111 : memref<1x61x80xi32, #tpu.memory_space<hbm>> -> memref<61x80xi32, #tpu.memory_space<hbm>>
      %dma_start3A_113 = arith.constant 0 : i32
      %dma_start3A_114 = arith.constant 0 : i32
      %dma_start3A_115 = tpu.memref_slice %arg6[%dma_start3A_113, %dma_start3A_114] : memref<64x80xi32, #tpu.memory_space<vmem>> -> memref<61x80xi32, #tpu.memory_space<vmem>>
      %dma_start3A_116 = arith.constant 64 : i32
      %dma_start3A_117 = arith.constant 0 : i32
      %dma_start3A_118 = tpu.memref_slice %arg3[%add3A, %dma_start3A_116, %dma_start3A_117] : memref<32x125x80xi32, #tpu.memory_space<hbm>> -> memref<1x61x80xi32, #tpu.memory_space<hbm>>
      %dma_start3A_119 = tpu.memref_squeeze %dma_start3A_118 : memref<1x61x80xi32, #tpu.memory_space<hbm>> -> memref<61x80xi32, #tpu.memory_space<hbm>>
      tpu.enqueue_dma source(%dma_start3A_119 : memref<61x80xi32, #tpu.memory_space<hbm>>) target(%dma_start3A_115 : memref<61x80xi32, #tpu.memory_space<vmem>>) target_semaphore(%run_scoped3A : memref<!tpu.dma_semaphore, #tpu.memory_space<semaphore_mem>>)
      %dma_wait3A_120 = arith.constant 0 : i32
      %dma_wait3A_121 = arith.constant 0 : i32
      %dma_wait3A_122 = tpu.memref_slice %arg6[%dma_wait3A_120, %dma_wait3A_121] : memref<64x80xi32, #tpu.memory_space<vmem>> -> memref<61x80xi32, #tpu.memory_space<vmem>>
      %dma_wait3A_123 = arith.constant 64 : i32
      %dma_wait3A_124 = arith.constant 0 : i32
      %dma_wait3A_125 = tpu.memref_slice %arg3[%add3A, %dma_wait3A_123, %dma_wait3A_124] : memref<32x125x80xi32, #tpu.memory_space<hbm>> -> memref<1x61x80xi32, #tpu.memory_space<hbm>>
      %dma_wait3A_126 = tpu.memref_squeeze %dma_wait3A_125 : memref<1x61x80xi32, #tpu.memory_space<hbm>> -> memref<61x80xi32, #tpu.memory_space<hbm>>
      %dma_wait3A_127 = arith.constant 0 : i32
      %dma_wait3A_128 = arith.constant 0 : i32
      %dma_wait3A_129 = tpu.memref_slice %arg6[%dma_wait3A_127, %dma_wait3A_128] : memref<64x80xi32, #tpu.memory_space<vmem>> -> memref<61x80xi32, #tpu.memory_space<vmem>>
      %dma_wait3A_130 = arith.constant 64 : i32
      %dma_wait3A_131 = arith.constant 0 : i32
      %dma_wait3A_132 = tpu.memref_slice %arg3[%add3A, %dma_wait3A_130, %dma_wait3A_131] : memref<32x125x80xi32, #tpu.memory_space<hbm>> -> memref<1x61x80xi32, #tpu.memory_space<hbm>>
      %dma_wait3A_133 = tpu.memref_squeeze %dma_wait3A_132 : memref<1x61x80xi32, #tpu.memory_space<hbm>> -> memref<61x80xi32, #tpu.memory_space<hbm>>
      tpu.wait_dma2 semaphore(%run_scoped3A : memref<!tpu.dma_semaphore, #tpu.memory_space<semaphore_mem>>) src(%dma_wait3A_133 : memref<61x80xi32, #tpu.memory_space<hbm>>) dst(%dma_wait3A_129 : memref<61x80xi32, #tpu.memory_space<vmem>>)
      tpu.yield
    }) : () -> ()
    "tpu.region"() ({
      %run_scoped3A = tpu.sem_alloc : memref<!tpu.dma_semaphore, #tpu.memory_space<semaphore_mem>>
      %dma_start3A_106 = arith.constant 0 : i32
      %dma_start3A_107 = arith.constant 0 : i32
      %dma_start3A_108 = tpu.memref_slice %arg7[%dma_start3A_106, %dma_start3A_107] : memref<64x80xi32, #tpu.memory_space<vmem>> -> memref<61x80xi32, #tpu.memory_space<vmem>>
      %dma_start3A_109 = arith.constant 64 : i32
      %dma_start3A_110 = arith.constant 0 : i32
      %dma_start3A_111 = tpu.memref_slice %arg4[%add3A, %dma_start3A_109, %dma_start3A_110] : memref<32x125x80xi32, #tpu.memory_space<hbm>> -> memref<1x61x80xi32, #tpu.memory_space<hbm>>
      %dma_start3A_112 = tpu.memref_squeeze %dma_start3A_111 : memref<1x61x80xi32, #tpu.memory_space<hbm>> -> memref<61x80xi32, #tpu.memory_space<hbm>>
      %dma_start3A_113 = arith.constant 0 : i32
      %dma_start3A_114 = arith.constant 0 : i32
      %dma_start3A_115 = tpu.memref_slice %arg7[%dma_start3A_113, %dma_start3A_114] : memref<64x80xi32, #tpu.memory_space<vmem>> -> memref<61x80xi32, #tpu.memory_space<vmem>>
      %dma_start3A_116 = arith.constant 64 : i32
      %dma_start3A_117 = arith.constant 0 : i32
      %dma_start3A_118 = tpu.memref_slice %arg4[%add3A, %dma_start3A_116, %dma_start3A_117] : memref<32x125x80xi32, #tpu.memory_space<hbm>> -> memref<1x61x80xi32, #tpu.memory_space<hbm>>
      %dma_start3A_119 = tpu.memref_squeeze %dma_start3A_118 : memref<1x61x80xi32, #tpu.memory_space<hbm>> -> memref<61x80xi32, #tpu.memory_space<hbm>>
      tpu.enqueue_dma source(%dma_start3A_119 : memref<61x80xi32, #tpu.memory_space<hbm>>) target(%dma_start3A_115 : memref<61x80xi32, #tpu.memory_space<vmem>>) target_semaphore(%run_scoped3A : memref<!tpu.dma_semaphore, #tpu.memory_space<semaphore_mem>>)
      %dma_wait3A_120 = arith.constant 0 : i32
      %dma_wait3A_121 = arith.constant 0 : i32
      %dma_wait3A_122 = tpu.memref_slice %arg7[%dma_wait3A_120, %dma_wait3A_121] : memref<64x80xi32, #tpu.memory_space<vmem>> -> memref<61x80xi32, #tpu.memory_space<vmem>>
      %dma_wait3A_123 = arith.constant 64 : i32
      %dma_wait3A_124 = arith.constant 0 : i32
      %dma_wait3A_125 = tpu.memref_slice %arg4[%add3A, %dma_wait3A_123, %dma_wait3A_124] : memref<32x125x80xi32, #tpu.memory_space<hbm>> -> memref<1x61x80xi32, #tpu.memory_space<hbm>>
      %dma_wait3A_126 = tpu.memref_squeeze %dma_wait3A_125 : memref<1x61x80xi32, #tpu.memory_space<hbm>> -> memref<61x80xi32, #tpu.memory_space<hbm>>
      %dma_wait3A_127 = arith.constant 0 : i32
      %dma_wait3A_128 = arith.constant 0 : i32
      %dma_wait3A_129 = tpu.memref_slice %arg7[%dma_wait3A_127, %dma_wait3A_128] : memref<64x80xi32, #tpu.memory_space<vmem>> -> memref<61x80xi32, #tpu.memory_space<vmem>>
      %dma_wait3A_130 = arith.constant 64 : i32
      %dma_wait3A_131 = arith.constant 0 : i32
      %dma_wait3A_132 = tpu.memref_slice %arg4[%add3A, %dma_wait3A_130, %dma_wait3A_131] : memref<32x125x80xi32, #tpu.memory_space<hbm>> -> memref<1x61x80xi32, #tpu.memory_space<hbm>>
      %dma_wait3A_133 = tpu.memref_squeeze %dma_wait3A_132 : memref<1x61x80xi32, #tpu.memory_space<hbm>> -> memref<61x80xi32, #tpu.memory_space<hbm>>
      tpu.wait_dma2 semaphore(%run_scoped3A : memref<!tpu.dma_semaphore, #tpu.memory_space<semaphore_mem>>) src(%dma_wait3A_133 : memref<61x80xi32, #tpu.memory_space<hbm>>) dst(%dma_wait3A_129 : memref<61x80xi32, #tpu.memory_space<vmem>>)
      tpu.yield
    }) : () -> ()
    %dma_start3A_55 = arith.constant 0 : i32
    %dma_start3A_56 = arith.constant 0 : i32
    %dma_start3A_57 = arith.constant 0 : i32
    %dma_start3A_58 = arith.constant 0 : i32
    %dma_start3A_59 = tpu.memref_slice %arg8[%dma_start3A_56, %dma_start3A_57, %dma_start3A_58] : memref<3x80x128xf32, #tpu.memory_space<vmem>> -> memref<1x80x128xf32, #tpu.memory_space<vmem>>
    %dma_start3A_60 = tpu.memref_squeeze %dma_start3A_59 : memref<1x80x128xf32, #tpu.memory_space<vmem>> -> memref<80x128xf32, #tpu.memory_space<vmem>>
    %dma_start3A_61 = arith.constant 0 : i32
    %dma_start3A_62 = tpu.memref_slice %arg6[%dma_start3A_55, %dma_start3A_61] : memref<64x80xi32, #tpu.memory_space<vmem>> -> memref<1x80xi32, #tpu.memory_space<vmem>>
    %dma_start3A_63 = tpu.memref_squeeze %dma_start3A_62 : memref<1x80xi32, #tpu.memory_space<vmem>> -> memref<80xi32, #tpu.memory_space<vmem>>
    %dma_start3A_64 = arith.constant 0 : i32
    %dma_start3A_65 = arith.constant 0 : i32
    %dma_start3A_66 = tpu.memref_slice %arg2[%dma_start3A_64, %dma_start3A_65] : memref<10240x128xf32, #tpu.memory_space<hbm>> -> memref<10240x128xf32, #tpu.memory_space<hbm>>
    tpu.enqueue_indirect_dma source(%dma_start3A_66 : memref<10240x128xf32, #tpu.memory_space<hbm>>) target(%dma_start3A_60 : memref<80x128xf32, #tpu.memory_space<vmem>>) offsets(%dma_start3A_63 : memref<80xi32, #tpu.memory_space<vmem>>) semaphore(%arg10 : memref<!tpu.dma_semaphore, #tpu.memory_space<semaphore_mem>>)
    %dma_start3A_67 = arith.constant 1 : i32
    %dma_start3A_68 = arith.constant 1 : i32
    %dma_start3A_69 = arith.constant 0 : i32
    %dma_start3A_70 = arith.constant 0 : i32
    %dma_start3A_71 = tpu.memref_slice %arg8[%dma_start3A_68, %dma_start3A_69, %dma_start3A_70] : memref<3x80x128xf32, #tpu.memory_space<vmem>> -> memref<1x80x128xf32, #tpu.memory_space<vmem>>
    %dma_start3A_72 = tpu.memref_squeeze %dma_start3A_71 : memref<1x80x128xf32, #tpu.memory_space<vmem>> -> memref<80x128xf32, #tpu.memory_space<vmem>>
    %dma_start3A_73 = arith.constant 0 : i32
    %dma_start3A_74 = tpu.memref_slice %arg6[%dma_start3A_67, %dma_start3A_73] : memref<64x80xi32, #tpu.memory_space<vmem>> -> memref<1x80xi32, #tpu.memory_space<vmem>>
    %dma_start3A_75 = tpu.memref_squeeze %dma_start3A_74 : memref<1x80xi32, #tpu.memory_space<vmem>> -> memref<80xi32, #tpu.memory_space<vmem>>
    %dma_start3A_76 = arith.constant 0 : i32
    %dma_start3A_77 = arith.constant 0 : i32
    %dma_start3A_78 = tpu.memref_slice %arg2[%dma_start3A_76, %dma_start3A_77] : memref<10240x128xf32, #tpu.memory_space<hbm>> -> memref<10240x128xf32, #tpu.memory_space<hbm>>
    tpu.enqueue_indirect_dma source(%dma_start3A_78 : memref<10240x128xf32, #tpu.memory_space<hbm>>) target(%dma_start3A_72 : memref<80x128xf32, #tpu.memory_space<vmem>>) offsets(%dma_start3A_75 : memref<80xi32, #tpu.memory_space<vmem>>) semaphore(%arg11 : memref<!tpu.dma_semaphore, #tpu.memory_space<semaphore_mem>>)
    %scan3A_79 = arith.constant 0 : i32
    %scan3A_80 = arith.constant 0 : i32
    %scan3A_81 = arith.constant 61 : i32
    %scan3A_82 = arith.addi %scan3A_80, %scan3A_81 : i32
    %scan3A_83 = arith.constant 1 : i32
    %scan3A_84 = scf.for %scan3A_106 = %scan3A_80 to %scan3A_82 step %scan3A_83 iter_args(%scan3A_107 = %scan3A_79) -> (i32)  : i32 {
      %rem3A = arith.constant 3 : i32
      %rem3A_108 = arith.remsi %scan3A_106, %rem3A : i32
      %eq3A = arith.constant 0 : i32
      %eq3A_109 = arith.cmpi eq, %rem3A_108, %eq3A : i32
      %convert_element_type3A = arith.extui %eq3A_109 : i1 to i32
      %cond3A = arith.constant 0 : i32
      %cond3A_110 = arith.cmpi ne, %convert_element_type3A, %cond3A : i32
      scf.if %cond3A_110 {
        %ge3A = arith.constant 1 : i32
        %ge3A_126 = arith.cmpi sge, %scan3A_106, %ge3A : i32
        %convert_element_type3A_127 = arith.extui %ge3A_126 : i1 to i32
        %cond3A_128 = arith.constant 0 : i32
        %cond3A_129 = arith.cmpi ne, %convert_element_type3A_127, %cond3A_128 : i32
        scf.if %cond3A_129 {
          %sub3A = arith.constant 1 : i32
          %sub3A_158 = arith.subi %scan3A_106, %sub3A : i32
          %dma_wait3A_159 = arith.constant 2 : i32
          %dma_wait3A_160 = arith.constant 0 : i32
          %dma_wait3A_161 = arith.constant 0 : i32
          %dma_wait3A_162 = tpu.memref_slice %arg8[%dma_wait3A_159, %dma_wait3A_160, %dma_wait3A_161] : memref<3x80x128xf32, #tpu.memory_space<vmem>> -> memref<1x80x128xf32, #tpu.memory_space<vmem>>
          %dma_wait3A_163 = tpu.memref_squeeze %dma_wait3A_162 : memref<1x80x128xf32, #tpu.memory_space<vmem>> -> memref<80x128xf32, #tpu.memory_space<vmem>>
          %dma_wait3A_164 = arith.constant 0 : i32
          %dma_wait3A_165 = tpu.memref_slice %arg7[%sub3A_158, %dma_wait3A_164] : memref<64x80xi32, #tpu.memory_space<vmem>> -> memref<1x80xi32, #tpu.memory_space<vmem>>
          %dma_wait3A_166 = tpu.memref_squeeze %dma_wait3A_165 : memref<1x80xi32, #tpu.memory_space<vmem>> -> memref<80xi32, #tpu.memory_space<vmem>>
          %dma_wait3A_167 = arith.constant 0 : i32
          %dma_wait3A_168 = arith.constant 0 : i32
          %dma_wait3A_169 = tpu.memref_slice %arg9[%dma_wait3A_167, %dma_wait3A_168] : memref<10240x128xf32, #tpu.memory_space<vmem_shared>> -> memref<10240x128xf32, #tpu.memory_space<vmem_shared>>
          tpu.wait_indirect_dma semaphore(%arg15 : memref<!tpu.dma_semaphore, #tpu.memory_space<semaphore_mem>>) src(%dma_wait3A_163 : memref<80x128xf32, #tpu.memory_space<vmem>>) dst(%dma_wait3A_169 : memref<10240x128xf32, #tpu.memory_space<vmem_shared>>)
        } else {
        }
        %add3A_130 = arith.constant 2 : i32
        %add3A_131 = arith.addi %scan3A_106, %add3A_130 : i32
        %lt3A = arith.constant 61 : i32
        %lt3A_132 = arith.cmpi slt, %add3A_131, %lt3A : i32
        %convert_element_type3A_133 = arith.extui %lt3A_132 : i1 to i32
        %cond3A_134 = arith.constant 0 : i32
        %cond3A_135 = arith.cmpi ne, %convert_element_type3A_133, %cond3A_134 : i32
        scf.if %cond3A_135 {
          %add3A_158 = arith.constant 2 : i32
          %add3A_159 = arith.addi %scan3A_106, %add3A_158 : i32
          %dma_start3A_160 = arith.constant 2 : i32
          %dma_start3A_161 = arith.constant 0 : i32
          %dma_start3A_162 = arith.constant 0 : i32
          %dma_start3A_163 = tpu.memref_slice %arg8[%dma_start3A_160, %dma_start3A_161, %dma_start3A_162] : memref<3x80x128xf32, #tpu.memory_space<vmem>> -> memref<1x80x128xf32, #tpu.memory_space<vmem>>
          %dma_start3A_164 = tpu.memref_squeeze %dma_start3A_163 : memref<1x80x128xf32, #tpu.memory_space<vmem>> -> memref<80x128xf32, #tpu.memory_space<vmem>>
          %dma_start3A_165 = arith.constant 0 : i32
          %dma_start3A_166 = tpu.memref_slice %arg6[%add3A_159, %dma_start3A_165] : memref<64x80xi32, #tpu.memory_space<vmem>> -> memref<1x80xi32, #tpu.memory_space<vmem>>
          %dma_start3A_167 = tpu.memref_squeeze %dma_start3A_166 : memref<1x80xi32, #tpu.memory_space<vmem>> -> memref<80xi32, #tpu.memory_space<vmem>>
          %dma_start3A_168 = arith.constant 0 : i32
          %dma_start3A_169 = arith.constant 0 : i32
          %dma_start3A_170 = tpu.memref_slice %arg2[%dma_start3A_168, %dma_start3A_169] : memref<10240x128xf32, #tpu.memory_space<hbm>> -> memref<10240x128xf32, #tpu.memory_space<hbm>>
          tpu.enqueue_indirect_dma source(%dma_start3A_170 : memref<10240x128xf32, #tpu.memory_space<hbm>>) target(%dma_start3A_164 : memref<80x128xf32, #tpu.memory_space<vmem>>) offsets(%dma_start3A_167 : memref<80xi32, #tpu.memory_space<vmem>>) semaphore(%arg12 : memref<!tpu.dma_semaphore, #tpu.memory_space<semaphore_mem>>)
        } else {
        }
        %dma_wait3A_136 = arith.constant 0 : i32
        %dma_wait3A_137 = arith.constant 0 : i32
        %dma_wait3A_138 = arith.constant 0 : i32
        %dma_wait3A_139 = tpu.memref_slice %arg8[%dma_wait3A_136, %dma_wait3A_137, %dma_wait3A_138] : memref<3x80x128xf32, #tpu.memory_space<vmem>> -> memref<1x80x128xf32, #tpu.memory_space<vmem>>
        %dma_wait3A_140 = tpu.memref_squeeze %dma_wait3A_139 : memref<1x80x128xf32, #tpu.memory_space<vmem>> -> memref<80x128xf32, #tpu.memory_space<vmem>>
        %dma_wait3A_141 = arith.constant 0 : i32
        %dma_wait3A_142 = tpu.memref_slice %arg6[%scan3A_106, %dma_wait3A_141] : memref<64x80xi32, #tpu.memory_space<vmem>> -> memref<1x80xi32, #tpu.memory_space<vmem>>
        %dma_wait3A_143 = tpu.memref_squeeze %dma_wait3A_142 : memref<1x80xi32, #tpu.memory_space<vmem>> -> memref<80xi32, #tpu.memory_space<vmem>>
        %dma_wait3A_144 = arith.constant 0 : i32
        %dma_wait3A_145 = arith.constant 0 : i32
        %dma_wait3A_146 = tpu.memref_slice %arg2[%dma_wait3A_144, %dma_wait3A_145] : memref<10240x128xf32, #tpu.memory_space<hbm>> -> memref<10240x128xf32, #tpu.memory_space<hbm>>
        tpu.wait_indirect_dma semaphore(%arg10 : memref<!tpu.dma_semaphore, #tpu.memory_space<semaphore_mem>>) src(%dma_wait3A_146 : memref<10240x128xf32, #tpu.memory_space<hbm>>) dst(%dma_wait3A_140 : memref<80x128xf32, #tpu.memory_space<vmem>>)
        %dma_start3A_147 = arith.constant 0 : i32
        %dma_start3A_148 = arith.constant 0 : i32
        %dma_start3A_149 = arith.constant 0 : i32
        %dma_start3A_150 = tpu.memref_slice %arg8[%dma_start3A_147, %dma_start3A_148, %dma_start3A_149] : memref<3x80x128xf32, #tpu.memory_space<vmem>> -> memref<1x80x128xf32, #tpu.memory_space<vmem>>
        %dma_start3A_151 = tpu.memref_squeeze %dma_start3A_150 : memref<1x80x128xf32, #tpu.memory_space<vmem>> -> memref<80x128xf32, #tpu.memory_space<vmem>>
        %dma_start3A_152 = arith.constant 0 : i32
        %dma_start3A_153 = tpu.memref_slice %arg7[%scan3A_106, %dma_start3A_152] : memref<64x80xi32, #tpu.memory_space<vmem>> -> memref<1x80xi32, #tpu.memory_space<vmem>>
        %dma_start3A_154 = tpu.memref_squeeze %dma_start3A_153 : memref<1x80xi32, #tpu.memory_space<vmem>> -> memref<80xi32, #tpu.memory_space<vmem>>
        %dma_start3A_155 = arith.constant 0 : i32
        %dma_start3A_156 = arith.constant 0 : i32
        %dma_start3A_157 = tpu.memref_slice %arg9[%dma_start3A_155, %dma_start3A_156] : memref<10240x128xf32, #tpu.memory_space<vmem_shared>> -> memref<10240x128xf32, #tpu.memory_space<vmem_shared>>
        tpu.enqueue_indirect_dma source(%dma_start3A_151 : memref<80x128xf32, #tpu.memory_space<vmem>>) target(%dma_start3A_157 : memref<10240x128xf32, #tpu.memory_space<vmem_shared>>) offsets(%dma_start3A_154 : memref<80xi32, #tpu.memory_space<vmem>>) semaphore(%arg13 : memref<!tpu.dma_semaphore, #tpu.memory_space<semaphore_mem>>) {add = true}
      } else {
      }
      %rem3A_111 = arith.constant 3 : i32
      %rem3A_112 = arith.remsi %scan3A_106, %rem3A_111 : i32
      %eq3A_113 = arith.constant 1 : i32
      %eq3A_114 = arith.cmpi eq, %rem3A_112, %eq3A_113 : i32
      %convert_element_type3A_115 = arith.extui %eq3A_114 : i1 to i32
      %cond3A_116 = arith.constant 0 : i32
      %cond3A_117 = arith.cmpi ne, %convert_element_type3A_115, %cond3A_116 : i32
      scf.if %cond3A_117 {
        %ge3A = arith.constant 1 : i32
        %ge3A_126 = arith.cmpi sge, %scan3A_106, %ge3A : i32
        %convert_element_type3A_127 = arith.extui %ge3A_126 : i1 to i32
        %cond3A_128 = arith.constant 0 : i32
        %cond3A_129 = arith.cmpi ne, %convert_element_type3A_127, %cond3A_128 : i32
        scf.if %cond3A_129 {
          %sub3A = arith.constant 1 : i32
          %sub3A_158 = arith.subi %scan3A_106, %sub3A : i32
          %dma_wait3A_159 = arith.constant 0 : i32
          %dma_wait3A_160 = arith.constant 0 : i32
          %dma_wait3A_161 = arith.constant 0 : i32
          %dma_wait3A_162 = tpu.memref_slice %arg8[%dma_wait3A_159, %dma_wait3A_160, %dma_wait3A_161] : memref<3x80x128xf32, #tpu.memory_space<vmem>> -> memref<1x80x128xf32, #tpu.memory_space<vmem>>
          %dma_wait3A_163 = tpu.memref_squeeze %dma_wait3A_162 : memref<1x80x128xf32, #tpu.memory_space<vmem>> -> memref<80x128xf32, #tpu.memory_space<vmem>>
          %dma_wait3A_164 = arith.constant 0 : i32
          %dma_wait3A_165 = tpu.memref_slice %arg7[%sub3A_158, %dma_wait3A_164] : memref<64x80xi32, #tpu.memory_space<vmem>> -> memref<1x80xi32, #tpu.memory_space<vmem>>
          %dma_wait3A_166 = tpu.memref_squeeze %dma_wait3A_165 : memref<1x80xi32, #tpu.memory_space<vmem>> -> memref<80xi32, #tpu.memory_space<vmem>>
          %dma_wait3A_167 = arith.constant 0 : i32
          %dma_wait3A_168 = arith.constant 0 : i32
          %dma_wait3A_169 = tpu.memref_slice %arg9[%dma_wait3A_167, %dma_wait3A_168] : memref<10240x128xf32, #tpu.memory_space<vmem_shared>> -> memref<10240x128xf32, #tpu.memory_space<vmem_shared>>
          tpu.wait_indirect_dma semaphore(%arg13 : memref<!tpu.dma_semaphore, #tpu.memory_space<semaphore_mem>>) src(%dma_wait3A_163 : memref<80x128xf32, #tpu.memory_space<vmem>>) dst(%dma_wait3A_169 : memref<10240x128xf32, #tpu.memory_space<vmem_shared>>)
        } else {
        }
        %add3A_130 = arith.constant 2 : i32
        %add3A_131 = arith.addi %scan3A_106, %add3A_130 : i32
        %lt3A = arith.constant 61 : i32
        %lt3A_132 = arith.cmpi slt, %add3A_131, %lt3A : i32
        %convert_element_type3A_133 = arith.extui %lt3A_132 : i1 to i32
        %cond3A_134 = arith.constant 0 : i32
        %cond3A_135 = arith.cmpi ne, %convert_element_type3A_133, %cond3A_134 : i32
        scf.if %cond3A_135 {
          %add3A_158 = arith.constant 2 : i32
          %add3A_159 = arith.addi %scan3A_106, %add3A_158 : i32
          %dma_start3A_160 = arith.constant 0 : i32
          %dma_start3A_161 = arith.constant 0 : i32
          %dma_start3A_162 = arith.constant 0 : i32
          %dma_start3A_163 = tpu.memref_slice %arg8[%dma_start3A_160, %dma_start3A_161, %dma_start3A_162] : memref<3x80x128xf32, #tpu.memory_space<vmem>> -> memref<1x80x128xf32, #tpu.memory_space<vmem>>
          %dma_start3A_164 = tpu.memref_squeeze %dma_start3A_163 : memref<1x80x128xf32, #tpu.memory_space<vmem>> -> memref<80x128xf32, #tpu.memory_space<vmem>>
          %dma_start3A_165 = arith.constant 0 : i32
          %dma_start3A_166 = tpu.memref_slice %arg6[%add3A_159, %dma_start3A_165] : memref<64x80xi32, #tpu.memory_space<vmem>> -> memref<1x80xi32, #tpu.memory_space<vmem>>
          %dma_start3A_167 = tpu.memref_squeeze %dma_start3A_166 : memref<1x80xi32, #tpu.memory_space<vmem>> -> memref<80xi32, #tpu.memory_space<vmem>>
          %dma_start3A_168 = arith.constant 0 : i32
          %dma_start3A_169 = arith.constant 0 : i32
          %dma_start3A_170 = tpu.memref_slice %arg2[%dma_start3A_168, %dma_start3A_169] : memref<10240x128xf32, #tpu.memory_space<hbm>> -> memref<10240x128xf32, #tpu.memory_space<hbm>>
          tpu.enqueue_indirect_dma source(%dma_start3A_170 : memref<10240x128xf32, #tpu.memory_space<hbm>>) target(%dma_start3A_164 : memref<80x128xf32, #tpu.memory_space<vmem>>) offsets(%dma_start3A_167 : memref<80xi32, #tpu.memory_space<vmem>>) semaphore(%arg10 : memref<!tpu.dma_semaphore, #tpu.memory_space<semaphore_mem>>)
        } else {
        }
        %dma_wait3A_136 = arith.constant 1 : i32
        %dma_wait3A_137 = arith.constant 0 : i32
        %dma_wait3A_138 = arith.constant 0 : i32
        %dma_wait3A_139 = tpu.memref_slice %arg8[%dma_wait3A_136, %dma_wait3A_137, %dma_wait3A_138] : memref<3x80x128xf32, #tpu.memory_space<vmem>> -> memref<1x80x128xf32, #tpu.memory_space<vmem>>
        %dma_wait3A_140 = tpu.memref_squeeze %dma_wait3A_139 : memref<1x80x128xf32, #tpu.memory_space<vmem>> -> memref<80x128xf32, #tpu.memory_space<vmem>>
        %dma_wait3A_141 = arith.constant 0 : i32
        %dma_wait3A_142 = tpu.memref_slice %arg6[%scan3A_106, %dma_wait3A_141] : memref<64x80xi32, #tpu.memory_space<vmem>> -> memref<1x80xi32, #tpu.memory_space<vmem>>
        %dma_wait3A_143 = tpu.memref_squeeze %dma_wait3A_142 : memref<1x80xi32, #tpu.memory_space<vmem>> -> memref<80xi32, #tpu.memory_space<vmem>>
        %dma_wait3A_144 = arith.constant 0 : i32
        %dma_wait3A_145 = arith.constant 0 : i32
        %dma_wait3A_146 = tpu.memref_slice %arg2[%dma_wait3A_144, %dma_wait3A_145] : memref<10240x128xf32, #tpu.memory_space<hbm>> -> memref<10240x128xf32, #tpu.memory_space<hbm>>
        tpu.wait_indirect_dma semaphore(%arg11 : memref<!tpu.dma_semaphore, #tpu.memory_space<semaphore_mem>>) src(%dma_wait3A_146 : memref<10240x128xf32, #tpu.memory_space<hbm>>) dst(%dma_wait3A_140 : memref<80x128xf32, #tpu.memory_space<vmem>>)
        %dma_start3A_147 = arith.constant 1 : i32
        %dma_start3A_148 = arith.constant 0 : i32
        %dma_start3A_149 = arith.constant 0 : i32
        %dma_start3A_150 = tpu.memref_slice %arg8[%dma_start3A_147, %dma_start3A_148, %dma_start3A_149] : memref<3x80x128xf32, #tpu.memory_space<vmem>> -> memref<1x80x128xf32, #tpu.memory_space<vmem>>
        %dma_start3A_151 = tpu.memref_squeeze %dma_start3A_150 : memref<1x80x128xf32, #tpu.memory_space<vmem>> -> memref<80x128xf32, #tpu.memory_space<vmem>>
        %dma_start3A_152 = arith.constant 0 : i32
        %dma_start3A_153 = tpu.memref_slice %arg7[%scan3A_106, %dma_start3A_152] : memref<64x80xi32, #tpu.memory_space<vmem>> -> memref<1x80xi32, #tpu.memory_space<vmem>>
        %dma_start3A_154 = tpu.memref_squeeze %dma_start3A_153 : memref<1x80xi32, #tpu.memory_space<vmem>> -> memref<80xi32, #tpu.memory_space<vmem>>
        %dma_start3A_155 = arith.constant 0 : i32
        %dma_start3A_156 = arith.constant 0 : i32
        %dma_start3A_157 = tpu.memref_slice %arg9[%dma_start3A_155, %dma_start3A_156] : memref<10240x128xf32, #tpu.memory_space<vmem_shared>> -> memref<10240x128xf32, #tpu.memory_space<vmem_shared>>
        tpu.enqueue_indirect_dma source(%dma_start3A_151 : memref<80x128xf32, #tpu.memory_space<vmem>>) target(%dma_start3A_157 : memref<10240x128xf32, #tpu.memory_space<vmem_shared>>) offsets(%dma_start3A_154 : memref<80xi32, #tpu.memory_space<vmem>>) semaphore(%arg14 : memref<!tpu.dma_semaphore, #tpu.memory_space<semaphore_mem>>) {add = true}
      } else {
      }
      %rem3A_118 = arith.constant 3 : i32
      %rem3A_119 = arith.remsi %scan3A_106, %rem3A_118 : i32
      %eq3A_120 = arith.constant 2 : i32
      %eq3A_121 = arith.cmpi eq, %rem3A_119, %eq3A_120 : i32
      %convert_element_type3A_122 = arith.extui %eq3A_121 : i1 to i32
      %cond3A_123 = arith.constant 0 : i32
      %cond3A_124 = arith.cmpi ne, %convert_element_type3A_122, %cond3A_123 : i32
      scf.if %cond3A_124 {
        %ge3A = arith.constant 1 : i32
        %ge3A_126 = arith.cmpi sge, %scan3A_106, %ge3A : i32
        %convert_element_type3A_127 = arith.extui %ge3A_126 : i1 to i32
        %cond3A_128 = arith.constant 0 : i32
        %cond3A_129 = arith.cmpi ne, %convert_element_type3A_127, %cond3A_128 : i32
        scf.if %cond3A_129 {
          %sub3A = arith.constant 1 : i32
          %sub3A_158 = arith.subi %scan3A_106, %sub3A : i32
          %dma_wait3A_159 = arith.constant 1 : i32
          %dma_wait3A_160 = arith.constant 0 : i32
          %dma_wait3A_161 = arith.constant 0 : i32
          %dma_wait3A_162 = tpu.memref_slice %arg8[%dma_wait3A_159, %dma_wait3A_160, %dma_wait3A_161] : memref<3x80x128xf32, #tpu.memory_space<vmem>> -> memref<1x80x128xf32, #tpu.memory_space<vmem>>
          %dma_wait3A_163 = tpu.memref_squeeze %dma_wait3A_162 : memref<1x80x128xf32, #tpu.memory_space<vmem>> -> memref<80x128xf32, #tpu.memory_space<vmem>>
          %dma_wait3A_164 = arith.constant 0 : i32
          %dma_wait3A_165 = tpu.memref_slice %arg7[%sub3A_158, %dma_wait3A_164] : memref<64x80xi32, #tpu.memory_space<vmem>> -> memref<1x80xi32, #tpu.memory_space<vmem>>
          %dma_wait3A_166 = tpu.memref_squeeze %dma_wait3A_165 : memref<1x80xi32, #tpu.memory_space<vmem>> -> memref<80xi32, #tpu.memory_space<vmem>>
          %dma_wait3A_167 = arith.constant 0 : i32
          %dma_wait3A_168 = arith.constant 0 : i32
          %dma_wait3A_169 = tpu.memref_slice %arg9[%dma_wait3A_167, %dma_wait3A_168] : memref<10240x128xf32, #tpu.memory_space<vmem_shared>> -> memref<10240x128xf32, #tpu.memory_space<vmem_shared>>
          tpu.wait_indirect_dma semaphore(%arg14 : memref<!tpu.dma_semaphore, #tpu.memory_space<semaphore_mem>>) src(%dma_wait3A_163 : memref<80x128xf32, #tpu.memory_space<vmem>>) dst(%dma_wait3A_169 : memref<10240x128xf32, #tpu.memory_space<vmem_shared>>)
        } else {
        }
        %add3A_130 = arith.constant 2 : i32
        %add3A_131 = arith.addi %scan3A_106, %add3A_130 : i32
        %lt3A = arith.constant 61 : i32
        %lt3A_132 = arith.cmpi slt, %add3A_131, %lt3A : i32
        %convert_element_type3A_133 = arith.extui %lt3A_132 : i1 to i32
        %cond3A_134 = arith.constant 0 : i32
        %cond3A_135 = arith.cmpi ne, %convert_element_type3A_133, %cond3A_134 : i32
        scf.if %cond3A_135 {
          %add3A_158 = arith.constant 2 : i32
          %add3A_159 = arith.addi %scan3A_106, %add3A_158 : i32
          %dma_start3A_160 = arith.constant 1 : i32
          %dma_start3A_161 = arith.constant 0 : i32
          %dma_start3A_162 = arith.constant 0 : i32
          %dma_start3A_163 = tpu.memref_slice %arg8[%dma_start3A_160, %dma_start3A_161, %dma_start3A_162] : memref<3x80x128xf32, #tpu.memory_space<vmem>> -> memref<1x80x128xf32, #tpu.memory_space<vmem>>
          %dma_start3A_164 = tpu.memref_squeeze %dma_start3A_163 : memref<1x80x128xf32, #tpu.memory_space<vmem>> -> memref<80x128xf32, #tpu.memory_space<vmem>>
          %dma_start3A_165 = arith.constant 0 : i32
          %dma_start3A_166 = tpu.memref_slice %arg6[%add3A_159, %dma_start3A_165] : memref<64x80xi32, #tpu.memory_space<vmem>> -> memref<1x80xi32, #tpu.memory_space<vmem>>
          %dma_start3A_167 = tpu.memref_squeeze %dma_start3A_166 : memref<1x80xi32, #tpu.memory_space<vmem>> -> memref<80xi32, #tpu.memory_space<vmem>>
          %dma_start3A_168 = arith.constant 0 : i32
          %dma_start3A_169 = arith.constant 0 : i32
          %dma_start3A_170 = tpu.memref_slice %arg2[%dma_start3A_168, %dma_start3A_169] : memref<10240x128xf32, #tpu.memory_space<hbm>> -> memref<10240x128xf32, #tpu.memory_space<hbm>>
          tpu.enqueue_indirect_dma source(%dma_start3A_170 : memref<10240x128xf32, #tpu.memory_space<hbm>>) target(%dma_start3A_164 : memref<80x128xf32, #tpu.memory_space<vmem>>) offsets(%dma_start3A_167 : memref<80xi32, #tpu.memory_space<vmem>>) semaphore(%arg11 : memref<!tpu.dma_semaphore, #tpu.memory_space<semaphore_mem>>)
        } else {
        }
        %dma_wait3A_136 = arith.constant 2 : i32
        %dma_wait3A_137 = arith.constant 0 : i32
        %dma_wait3A_138 = arith.constant 0 : i32
        %dma_wait3A_139 = tpu.memref_slice %arg8[%dma_wait3A_136, %dma_wait3A_137, %dma_wait3A_138] : memref<3x80x128xf32, #tpu.memory_space<vmem>> -> memref<1x80x128xf32, #tpu.memory_space<vmem>>
        %dma_wait3A_140 = tpu.memref_squeeze %dma_wait3A_139 : memref<1x80x128xf32, #tpu.memory_space<vmem>> -> memref<80x128xf32, #tpu.memory_space<vmem>>
        %dma_wait3A_141 = arith.constant 0 : i32
        %dma_wait3A_142 = tpu.memref_slice %arg6[%scan3A_106, %dma_wait3A_141] : memref<64x80xi32, #tpu.memory_space<vmem>> -> memref<1x80xi32, #tpu.memory_space<vmem>>
        %dma_wait3A_143 = tpu.memref_squeeze %dma_wait3A_142 : memref<1x80xi32, #tpu.memory_space<vmem>> -> memref<80xi32, #tpu.memory_space<vmem>>
        %dma_wait3A_144 = arith.constant 0 : i32
        %dma_wait3A_145 = arith.constant 0 : i32
        %dma_wait3A_146 = tpu.memref_slice %arg2[%dma_wait3A_144, %dma_wait3A_145] : memref<10240x128xf32, #tpu.memory_space<hbm>> -> memref<10240x128xf32, #tpu.memory_space<hbm>>
        tpu.wait_indirect_dma semaphore(%arg12 : memref<!tpu.dma_semaphore, #tpu.memory_space<semaphore_mem>>) src(%dma_wait3A_146 : memref<10240x128xf32, #tpu.memory_space<hbm>>) dst(%dma_wait3A_140 : memref<80x128xf32, #tpu.memory_space<vmem>>)
        %dma_start3A_147 = arith.constant 2 : i32
        %dma_start3A_148 = arith.constant 0 : i32
        %dma_start3A_149 = arith.constant 0 : i32
        %dma_start3A_150 = tpu.memref_slice %arg8[%dma_start3A_147, %dma_start3A_148, %dma_start3A_149] : memref<3x80x128xf32, #tpu.memory_space<vmem>> -> memref<1x80x128xf32, #tpu.memory_space<vmem>>
        %dma_start3A_151 = tpu.memref_squeeze %dma_start3A_150 : memref<1x80x128xf32, #tpu.memory_space<vmem>> -> memref<80x128xf32, #tpu.memory_space<vmem>>
        %dma_start3A_152 = arith.constant 0 : i32
        %dma_start3A_153 = tpu.memref_slice %arg7[%scan3A_106, %dma_start3A_152] : memref<64x80xi32, #tpu.memory_space<vmem>> -> memref<1x80xi32, #tpu.memory_space<vmem>>
        %dma_start3A_154 = tpu.memref_squeeze %dma_start3A_153 : memref<1x80xi32, #tpu.memory_space<vmem>> -> memref<80xi32, #tpu.memory_space<vmem>>
        %dma_start3A_155 = arith.constant 0 : i32
        %dma_start3A_156 = arith.constant 0 : i32
        %dma_start3A_157 = tpu.memref_slice %arg9[%dma_start3A_155, %dma_start3A_156] : memref<10240x128xf32, #tpu.memory_space<vmem_shared>> -> memref<10240x128xf32, #tpu.memory_space<vmem_shared>>
        tpu.enqueue_indirect_dma source(%dma_start3A_151 : memref<80x128xf32, #tpu.memory_space<vmem>>) target(%dma_start3A_157 : memref<10240x128xf32, #tpu.memory_space<vmem_shared>>) offsets(%dma_start3A_154 : memref<80xi32, #tpu.memory_space<vmem>>) semaphore(%arg15 : memref<!tpu.dma_semaphore, #tpu.memory_space<semaphore_mem>>) {add = true}
      } else {
      }
      %scan3A_125 = arith.constant 0 : i32
      scf.yield %scan3A_125 : i32
    }
    %scan3A_85 = arith.constant 61 : i32
    %dma_wait3A_86 = arith.constant 0 : i32
    %dma_wait3A_87 = arith.constant 60 : i32
    %dma_wait3A_88 = arith.constant 0 : i32
    %dma_wait3A_89 = arith.constant 0 : i32
    %dma_wait3A_90 = tpu.memref_slice %arg8[%dma_wait3A_86, %dma_wait3A_88, %dma_wait3A_89] : memref<3x80x128xf32, #tpu.memory_space<vmem>> -> memref<1x80x128xf32, #tpu.memory_space<vmem>>
    %dma_wait3A_91 = tpu.memref_squeeze %dma_wait3A_90 : memref<1x80x128xf32, #tpu.memory_space<vmem>> -> memref<80x128xf32, #tpu.memory_space<vmem>>
    %dma_wait3A_92 = arith.constant 0 : i32
    %dma_wait3A_93 = tpu.memref_slice %arg7[%dma_wait3A_87, %dma_wait3A_92] : memref<64x80xi32, #tpu.memory_space<vmem>> -> memref<1x80xi32, #tpu.memory_space<vmem>>
    %dma_wait3A_94 = tpu.memref_squeeze %dma_wait3A_93 : memref<1x80xi32, #tpu.memory_space<vmem>> -> memref<80xi32, #tpu.memory_space<vmem>>
    %dma_wait3A_95 = arith.constant 0 : i32
    %dma_wait3A_96 = arith.constant 0 : i32
    %dma_wait3A_97 = tpu.memref_slice %arg9[%dma_wait3A_95, %dma_wait3A_96] : memref<10240x128xf32, #tpu.memory_space<vmem_shared>> -> memref<10240x128xf32, #tpu.memory_space<vmem_shared>>
    tpu.wait_indirect_dma semaphore(%arg13 : memref<!tpu.dma_semaphore, #tpu.memory_space<semaphore_mem>>) src(%dma_wait3A_91 : memref<80x128xf32, #tpu.memory_space<vmem>>) dst(%dma_wait3A_97 : memref<10240x128xf32, #tpu.memory_space<vmem_shared>>)
    %barrier3A_98 = arith.constant 0 : index
    tpu.barrier barrier_id(%barrier3A_98)
    %scan3A_99 = arith.constant 0 : i32
    %scan3A_100 = arith.constant 0 : i32
    %scan3A_101 = arith.constant 8 : i32
    %scan3A_102 = arith.addi %scan3A_100, %scan3A_101 : i32
    %scan3A_103 = arith.constant 1 : i32
    %scan3A_104 = scf.for %scan3A_106 = %scan3A_100 to %scan3A_102 step %scan3A_103 iter_args(%scan3A_107 = %scan3A_99) -> (i32)  : i32 {
      %mul3A_108 = arith.constant 640 : i32
      %mul3A_109 = arith.muli %arg1, %mul3A_108 : i32
      %mul3A_110 = arith.constant 80 : i32
      %mul3A_111 = arith.muli %scan3A_106, %mul3A_110 : i32
      %add3A_112 = arith.addi %mul3A_109, %mul3A_111 : i32
      %run_scoped3A = arith.constant 0 : i32
      "tpu.region"() ({
        %run_scoped3A_120 = tpu.sem_alloc : memref<!tpu.dma_semaphore, #tpu.memory_space<semaphore_mem>>
        %dma_start3A_121 = arith.constant 0 : i32
        %dma_start3A_122 = arith.constant 0 : i32
        %dma_start3A_123 = tpu.memref_slice %arg8[%run_scoped3A, %dma_start3A_121, %dma_start3A_122] : memref<3x80x128xf32, #tpu.memory_space<vmem>> -> memref<1x80x128xf32, #tpu.memory_space<vmem>>
        %dma_start3A_124 = tpu.memref_squeeze %dma_start3A_123 : memref<1x80x128xf32, #tpu.memory_space<vmem>> -> memref<80x128xf32, #tpu.memory_space<vmem>>
        %dma_start3A_125 = arith.constant 0 : i32
        %dma_start3A_126 = tpu.memref_slice %arg9[%add3A_112, %dma_start3A_125] : memref<10240x128xf32, #tpu.memory_space<vmem_shared>> -> memref<80x128xf32, #tpu.memory_space<vmem_shared>>
        %dma_start3A_127 = arith.constant 0 : i32
        %dma_start3A_128 = arith.constant 0 : i32
        %dma_start3A_129 = tpu.memref_slice %arg8[%run_scoped3A, %dma_start3A_127, %dma_start3A_128] : memref<3x80x128xf32, #tpu.memory_space<vmem>> -> memref<1x80x128xf32, #tpu.memory_space<vmem>>
        %dma_start3A_130 = tpu.memref_squeeze %dma_start3A_129 : memref<1x80x128xf32, #tpu.memory_space<vmem>> -> memref<80x128xf32, #tpu.memory_space<vmem>>
        %dma_start3A_131 = arith.constant 0 : i32
        %dma_start3A_132 = tpu.memref_slice %arg9[%add3A_112, %dma_start3A_131] : memref<10240x128xf32, #tpu.memory_space<vmem_shared>> -> memref<80x128xf32, #tpu.memory_space<vmem_shared>>
        tpu.enqueue_dma source(%dma_start3A_132 : memref<80x128xf32, #tpu.memory_space<vmem_shared>>) target(%dma_start3A_130 : memref<80x128xf32, #tpu.memory_space<vmem>>) target_semaphore(%run_scoped3A_120 : memref<!tpu.dma_semaphore, #tpu.memory_space<semaphore_mem>>)
        %dma_wait3A_133 = arith.constant 0 : i32
        %dma_wait3A_134 = arith.constant 0 : i32
        %dma_wait3A_135 = tpu.memref_slice %arg8[%run_scoped3A, %dma_wait3A_133, %dma_wait3A_134] : memref<3x80x128xf32, #tpu.memory_space<vmem>> -> memref<1x80x128xf32, #tpu.memory_space<vmem>>
        %dma_wait3A_136 = tpu.memref_squeeze %dma_wait3A_135 : memref<1x80x128xf32, #tpu.memory_space<vmem>> -> memref<80x128xf32, #tpu.memory_space<vmem>>
        %dma_wait3A_137 = arith.constant 0 : i32
        %dma_wait3A_138 = tpu.memref_slice %arg9[%add3A_112, %dma_wait3A_137] : memref<10240x128xf32, #tpu.memory_space<vmem_shared>> -> memref<80x128xf32, #tpu.memory_space<vmem_shared>>
        %dma_wait3A_139 = arith.constant 0 : i32
        %dma_wait3A_140 = arith.constant 0 : i32
        %dma_wait3A_141 = tpu.memref_slice %arg8[%run_scoped3A, %dma_wait3A_139, %dma_wait3A_140] : memref<3x80x128xf32, #tpu.memory_space<vmem>> -> memref<1x80x128xf32, #tpu.memory_space<vmem>>
        %dma_wait3A_142 = tpu.memref_squeeze %dma_wait3A_141 : memref<1x80x128xf32, #tpu.memory_space<vmem>> -> memref<80x128xf32, #tpu.memory_space<vmem>>
        %dma_wait3A_143 = arith.constant 0 : i32
        %dma_wait3A_144 = tpu.memref_slice %arg9[%add3A_112, %dma_wait3A_143] : memref<10240x128xf32, #tpu.memory_space<vmem_shared>> -> memref<80x128xf32, #tpu.memory_space<vmem_shared>>
        tpu.wait_dma2 semaphore(%run_scoped3A_120 : memref<!tpu.dma_semaphore, #tpu.memory_space<semaphore_mem>>) src(%dma_wait3A_144 : memref<80x128xf32, #tpu.memory_space<vmem_shared>>) dst(%dma_wait3A_142 : memref<80x128xf32, #tpu.memory_space<vmem>>)
        tpu.yield
      }) : () -> ()
      %mul3A_113 = arith.constant 640 : i32
      %mul3A_114 = arith.muli %arg1, %mul3A_113 : i32
      %mul3A_115 = arith.constant 80 : i32
      %mul3A_116 = arith.muli %scan3A_106, %mul3A_115 : i32
      %add3A_117 = arith.addi %mul3A_114, %mul3A_116 : i32
      %run_scoped3A_118 = arith.constant 0 : i32
      "tpu.region"() ({
        %run_scoped3A_120 = tpu.sem_alloc : memref<!tpu.dma_semaphore, #tpu.memory_space<semaphore_mem>>
        %dma_start3A_121 = arith.constant 0 : i32
        %dma_start3A_122 = arith.constant 0 : i32
        %dma_start3A_123 = tpu.memref_slice %arg8[%run_scoped3A_118, %dma_start3A_121, %dma_start3A_122] : memref<3x80x128xf32, #tpu.memory_space<vmem>> -> memref<1x80x128xf32, #tpu.memory_space<vmem>>
        %dma_start3A_124 = tpu.memref_squeeze %dma_start3A_123 : memref<1x80x128xf32, #tpu.memory_space<vmem>> -> memref<80x128xf32, #tpu.memory_space<vmem>>
        %dma_start3A_125 = arith.constant 0 : i32
        %dma_start3A_126 = tpu.memref_slice %arg5[%arg0, %add3A_117, %dma_start3A_125] : memref<2x10240x128xf32, #tpu.memory_space<hbm>> -> memref<1x80x128xf32, #tpu.memory_space<hbm>>
        %dma_start3A_127 = tpu.memref_squeeze %dma_start3A_126 : memref<1x80x128xf32, #tpu.memory_space<hbm>> -> memref<80x128xf32, #tpu.memory_space<hbm>>
        %dma_start3A_128 = arith.constant 0 : i32
        %dma_start3A_129 = tpu.memref_slice %arg5[%arg0, %add3A_117, %dma_start3A_128] : memref<2x10240x128xf32, #tpu.memory_space<hbm>> -> memref<1x80x128xf32, #tpu.memory_space<hbm>>
        %dma_start3A_130 = tpu.memref_squeeze %dma_start3A_129 : memref<1x80x128xf32, #tpu.memory_space<hbm>> -> memref<80x128xf32, #tpu.memory_space<hbm>>
        %dma_start3A_131 = arith.constant 0 : i32
        %dma_start3A_132 = arith.constant 0 : i32
        %dma_start3A_133 = tpu.memref_slice %arg8[%run_scoped3A_118, %dma_start3A_131, %dma_start3A_132] : memref<3x80x128xf32, #tpu.memory_space<vmem>> -> memref<1x80x128xf32, #tpu.memory_space<vmem>>
        %dma_start3A_134 = tpu.memref_squeeze %dma_start3A_133 : memref<1x80x128xf32, #tpu.memory_space<vmem>> -> memref<80x128xf32, #tpu.memory_space<vmem>>
        tpu.enqueue_dma source(%dma_start3A_134 : memref<80x128xf32, #tpu.memory_space<vmem>>) target(%dma_start3A_130 : memref<80x128xf32, #tpu.memory_space<hbm>>) target_semaphore(%run_scoped3A_120 : memref<!tpu.dma_semaphore, #tpu.memory_space<semaphore_mem>>)
        %dma_wait3A_135 = arith.constant 0 : i32
        %dma_wait3A_136 = arith.constant 0 : i32
        %dma_wait3A_137 = tpu.memref_slice %arg8[%run_scoped3A_118, %dma_wait3A_135, %dma_wait3A_136] : memref<3x80x128xf32, #tpu.memory_space<vmem>> -> memref<1x80x128xf32, #tpu.memory_space<vmem>>
        %dma_wait3A_138 = tpu.memref_squeeze %dma_wait3A_137 : memref<1x80x128xf32, #tpu.memory_space<vmem>> -> memref<80x128xf32, #tpu.memory_space<vmem>>
        %dma_wait3A_139 = arith.constant 0 : i32
        %dma_wait3A_140 = tpu.memref_slice %arg5[%arg0, %add3A_117, %dma_wait3A_139] : memref<2x10240x128xf32, #tpu.memory_space<hbm>> -> memref<1x80x128xf32, #tpu.memory_space<hbm>>
        %dma_wait3A_141 = tpu.memref_squeeze %dma_wait3A_140 : memref<1x80x128xf32, #tpu.memory_space<hbm>> -> memref<80x128xf32, #tpu.memory_space<hbm>>
        %dma_wait3A_142 = arith.constant 0 : i32
        %dma_wait3A_143 = tpu.memref_slice %arg5[%arg0, %add3A_117, %dma_wait3A_142] : memref<2x10240x128xf32, #tpu.memory_space<hbm>> -> memref<1x80x128xf32, #tpu.memory_space<hbm>>
        %dma_wait3A_144 = tpu.memref_squeeze %dma_wait3A_143 : memref<1x80x128xf32, #tpu.memory_space<hbm>> -> memref<80x128xf32, #tpu.memory_space<hbm>>
        %dma_wait3A_145 = arith.constant 0 : i32
        %dma_wait3A_146 = arith.constant 0 : i32
        %dma_wait3A_147 = tpu.memref_slice %arg8[%run_scoped3A_118, %dma_wait3A_145, %dma_wait3A_146] : memref<3x80x128xf32, #tpu.memory_space<vmem>> -> memref<1x80x128xf32, #tpu.memory_space<vmem>>
        %dma_wait3A_148 = tpu.memref_squeeze %dma_wait3A_147 : memref<1x80x128xf32, #tpu.memory_space<vmem>> -> memref<80x128xf32, #tpu.memory_space<vmem>>
        tpu.wait_dma2 semaphore(%run_scoped3A_120 : memref<!tpu.dma_semaphore, #tpu.memory_space<semaphore_mem>>) src(%dma_wait3A_148 : memref<80x128xf32, #tpu.memory_space<vmem>>) dst(%dma_wait3A_144 : memref<80x128xf32, #tpu.memory_space<hbm>>)
        tpu.yield
      }) : () -> ()
      %scan3A_119 = arith.constant 0 : i32
      scf.yield %scan3A_119 : i32
    }
    %scan3A_105 = arith.constant 8 : i32
    return
  }
}

#map = affine_map<(d0, d1) -> (0, 0, 0)>
#map1 = affine_map<(d0, d1) -> (0, 0)>
module attributes {stable_mosaic.version = 14 : i64} {
  func.func @_deg_kernel(%arg0: i32, %arg1: i32, %arg2: memref<32x125x80xi32, #tpu.memory_space<hbm>>, %arg3: memref<2x10240xf32, #tpu.memory_space<hbm>>, %arg4: memref<125x80xi32, #tpu.memory_space<vmem>>, %arg5: memref<80xf32, #tpu.memory_space<vmem>>, %arg6: memref<640xf32, #tpu.memory_space<vmem>>, %arg7: memref<10240xf32, #tpu.memory_space<vmem_shared>>, %arg8: memref<!tpu.dma_semaphore, #tpu.memory_space<semaphore_mem>>) attributes {dimension_semantics = [#tpu.dimension_semantics<core_parallel>, #tpu.dimension_semantics<subcore_parallel>], iteration_bounds = array<i64: 2, 16>, scalar_prefetch = 0 : i64, scratch_operands = 5 : i64, tpu.core_type = #tpu.core_type<sc_vector_subcore>, window_params = [{transform_indices = #map}, {transform_indices = #map1}]} {
    %mul3A = arith.constant 16 : i32
    %mul3A_0 = arith.muli %arg0, %mul3A : i32
    %add3A = arith.addi %mul3A_0, %arg1 : i32
    %scan3A = arith.constant 0 : i32
    %scan3A_1 = arith.constant 0 : i32
    %scan3A_2 = arith.constant 40 : i32
    %scan3A_3 = arith.addi %scan3A_1, %scan3A_2 : i32
    %scan3A_4 = arith.constant 1 : i32
    %scan3A_5 = scf.for %scan3A_28 = %scan3A_1 to %scan3A_3 step %scan3A_4 iter_args(%scan3A_29 = %scan3A) -> (i32)  : i32 {
      %broadcast_in_dim3A = arith.constant 0.000000e+00 : f32
      %broadcast_in_dim3A_30 = vector.broadcast %broadcast_in_dim3A : f32 to vector<16xf32>
      %mul3A_31 = arith.constant 16 : i32
      %mul3A_32 = arith.muli %scan3A_28, %mul3A_31 : i32
      %swap3A = arith.index_cast %mul3A_32 : i32 to index
      %swap3A_33 = tpu.vector_load %arg6[%swap3A] {strides = array<i32>} : memref<640xf32, #tpu.memory_space<vmem>>, vector<16xf32>,
      %swap3A_34 = vector.shape_cast %swap3A_33 : vector<16xf32> to vector<16xf32>
      %swap3A_35 = vector.shape_cast %broadcast_in_dim3A_30 : vector<16xf32> to vector<16xf32>
      tpu.vector_store %arg6[%swap3A], %swap3A_35 {strides = array<i32>} : memref<640xf32, #tpu.memory_space<vmem>>, vector<16xf32>,
      %scan3A_36 = arith.constant 0 : i32
      scf.yield %scan3A_36 : i32
    }
    %scan3A_6 = arith.constant 40 : i32
    %scan3A_7 = arith.constant 0 : i32
    %scan3A_8 = arith.constant 0 : i32
    %scan3A_9 = arith.constant 5 : i32
    %scan3A_10 = arith.addi %scan3A_8, %scan3A_9 : i32
    %scan3A_11 = arith.constant 1 : i32
    %scan3A_12 = scf.for %scan3A_28 = %scan3A_8 to %scan3A_10 step %scan3A_11 iter_args(%scan3A_29 = %scan3A_7) -> (i32)  : i32 {
      %broadcast_in_dim3A = arith.constant 1.000000e+00 : f32
      %broadcast_in_dim3A_30 = vector.broadcast %broadcast_in_dim3A : f32 to vector<16xf32>
      %mul3A_31 = arith.constant 16 : i32
      %mul3A_32 = arith.muli %scan3A_28, %mul3A_31 : i32
      %swap3A = arith.index_cast %mul3A_32 : i32 to index
      %swap3A_33 = tpu.vector_load %arg5[%swap3A] {strides = array<i32>} : memref<80xf32, #tpu.memory_space<vmem>>, vector<16xf32>,
      %swap3A_34 = vector.shape_cast %swap3A_33 : vector<16xf32> to vector<16xf32>
      %swap3A_35 = vector.shape_cast %broadcast_in_dim3A_30 : vector<16xf32> to vector<16xf32>
      tpu.vector_store %arg5[%swap3A], %swap3A_35 {strides = array<i32>} : memref<80xf32, #tpu.memory_space<vmem>>, vector<16xf32>,
      %scan3A_36 = arith.constant 0 : i32
      scf.yield %scan3A_36 : i32
    }
    %scan3A_13 = arith.constant 5 : i32
    %mul3A_14 = arith.constant 640 : i32
    %mul3A_15 = arith.muli %arg1, %mul3A_14 : i32
    "tpu.region"() ({
      %run_scoped3A = tpu.sem_alloc : memref<!tpu.dma_semaphore, #tpu.memory_space<semaphore_mem>>
      %dma_start3A = tpu.memref_slice %arg7[%mul3A_15] : memref<10240xf32, #tpu.memory_space<vmem_shared>> -> memref<640xf32, #tpu.memory_space<vmem_shared>>
      %dma_start3A_28 = tpu.memref_slice %arg7[%mul3A_15] : memref<10240xf32, #tpu.memory_space<vmem_shared>> -> memref<640xf32, #tpu.memory_space<vmem_shared>>
      tpu.enqueue_dma source(%arg6 : memref<640xf32, #tpu.memory_space<vmem>>) target(%dma_start3A_28 : memref<640xf32, #tpu.memory_space<vmem_shared>>) target_semaphore(%run_scoped3A : memref<!tpu.dma_semaphore, #tpu.memory_space<semaphore_mem>>)
      %dma_wait3A = tpu.memref_slice %arg7[%mul3A_15] : memref<10240xf32, #tpu.memory_space<vmem_shared>> -> memref<640xf32, #tpu.memory_space<vmem_shared>>
      %dma_wait3A_29 = tpu.memref_slice %arg7[%mul3A_15] : memref<10240xf32, #tpu.memory_space<vmem_shared>> -> memref<640xf32, #tpu.memory_space<vmem_shared>>
      tpu.wait_dma2 semaphore(%run_scoped3A : memref<!tpu.dma_semaphore, #tpu.memory_space<semaphore_mem>>) src(%arg6 : memref<640xf32, #tpu.memory_space<vmem>>) dst(%dma_wait3A_29 : memref<640xf32, #tpu.memory_space<vmem_shared>>)
      tpu.yield
    }) : () -> ()
    %barrier3A = arith.constant 0 : index
    tpu.barrier barrier_id(%barrier3A)
    "tpu.region"() ({
      %run_scoped3A = tpu.sem_alloc : memref<!tpu.dma_semaphore, #tpu.memory_space<semaphore_mem>>
      %dma_start3A = arith.constant 0 : i32
      %dma_start3A_28 = arith.constant 0 : i32
      %dma_start3A_29 = tpu.memref_slice %arg2[%add3A, %dma_start3A, %dma_start3A_28] : memref<32x125x80xi32, #tpu.memory_space<hbm>> -> memref<1x125x80xi32, #tpu.memory_space<hbm>>
      %dma_start3A_30 = tpu.memref_squeeze %dma_start3A_29 : memref<1x125x80xi32, #tpu.memory_space<hbm>> -> memref<125x80xi32, #tpu.memory_space<hbm>>
      %dma_start3A_31 = arith.constant 0 : i32
      %dma_start3A_32 = arith.constant 0 : i32
      %dma_start3A_33 = tpu.memref_slice %arg2[%add3A, %dma_start3A_31, %dma_start3A_32] : memref<32x125x80xi32, #tpu.memory_space<hbm>> -> memref<1x125x80xi32, #tpu.memory_space<hbm>>
      %dma_start3A_34 = tpu.memref_squeeze %dma_start3A_33 : memref<1x125x80xi32, #tpu.memory_space<hbm>> -> memref<125x80xi32, #tpu.memory_space<hbm>>
      tpu.enqueue_dma source(%dma_start3A_34 : memref<125x80xi32, #tpu.memory_space<hbm>>) target(%arg4 : memref<125x80xi32, #tpu.memory_space<vmem>>) target_semaphore(%run_scoped3A : memref<!tpu.dma_semaphore, #tpu.memory_space<semaphore_mem>>)
      %dma_wait3A = arith.constant 0 : i32
      %dma_wait3A_35 = arith.constant 0 : i32
      %dma_wait3A_36 = tpu.memref_slice %arg2[%add3A, %dma_wait3A, %dma_wait3A_35] : memref<32x125x80xi32, #tpu.memory_space<hbm>> -> memref<1x125x80xi32, #tpu.memory_space<hbm>>
      %dma_wait3A_37 = tpu.memref_squeeze %dma_wait3A_36 : memref<1x125x80xi32, #tpu.memory_space<hbm>> -> memref<125x80xi32, #tpu.memory_space<hbm>>
      %dma_wait3A_38 = arith.constant 0 : i32
      %dma_wait3A_39 = arith.constant 0 : i32
      %dma_wait3A_40 = tpu.memref_slice %arg2[%add3A, %dma_wait3A_38, %dma_wait3A_39] : memref<32x125x80xi32, #tpu.memory_space<hbm>> -> memref<1x125x80xi32, #tpu.memory_space<hbm>>
      %dma_wait3A_41 = tpu.memref_squeeze %dma_wait3A_40 : memref<1x125x80xi32, #tpu.memory_space<hbm>> -> memref<125x80xi32, #tpu.memory_space<hbm>>
      tpu.wait_dma2 semaphore(%run_scoped3A : memref<!tpu.dma_semaphore, #tpu.memory_space<semaphore_mem>>) src(%dma_wait3A_41 : memref<125x80xi32, #tpu.memory_space<hbm>>) dst(%arg4 : memref<125x80xi32, #tpu.memory_space<vmem>>)
      tpu.yield
    }) : () -> ()
    %scan3A_16 = arith.constant 0 : i32
    %scan3A_17 = arith.constant 0 : i32
    %scan3A_18 = arith.constant 125 : i32
    %scan3A_19 = arith.addi %scan3A_17, %scan3A_18 : i32
    %scan3A_20 = arith.constant 1 : i32
    %scan3A_21 = scf.for %scan3A_28 = %scan3A_17 to %scan3A_19 step %scan3A_20 iter_args(%scan3A_29 = %scan3A_16) -> (i32)  : i32 {
      %dma_start3A = arith.constant 0 : i32
      %dma_start3A_30 = tpu.memref_slice %arg4[%scan3A_28, %dma_start3A] : memref<125x80xi32, #tpu.memory_space<vmem>> -> memref<1x80xi32, #tpu.memory_space<vmem>>
      %dma_start3A_31 = tpu.memref_squeeze %dma_start3A_30 : memref<1x80xi32, #tpu.memory_space<vmem>> -> memref<80xi32, #tpu.memory_space<vmem>>
      %dma_start3A_32 = arith.constant 0 : i32
      %dma_start3A_33 = tpu.memref_slice %arg7[%dma_start3A_32] : memref<10240xf32, #tpu.memory_space<vmem_shared>> -> memref<10240xf32, #tpu.memory_space<vmem_shared>>
      tpu.enqueue_indirect_dma source(%arg5 : memref<80xf32, #tpu.memory_space<vmem>>) target(%dma_start3A_33 : memref<10240xf32, #tpu.memory_space<vmem_shared>>) offsets(%dma_start3A_31 : memref<80xi32, #tpu.memory_space<vmem>>) semaphore(%arg8 : memref<!tpu.dma_semaphore, #tpu.memory_space<semaphore_mem>>) {add = true}
      %dma_wait3A = arith.constant 0 : i32
      %dma_wait3A_34 = tpu.memref_slice %arg4[%scan3A_28, %dma_wait3A] : memref<125x80xi32, #tpu.memory_space<vmem>> -> memref<1x80xi32, #tpu.memory_space<vmem>>
      %dma_wait3A_35 = tpu.memref_squeeze %dma_wait3A_34 : memref<1x80xi32, #tpu.memory_space<vmem>> -> memref<80xi32, #tpu.memory_space<vmem>>
      %dma_wait3A_36 = arith.constant 0 : i32
      %dma_wait3A_37 = tpu.memref_slice %arg7[%dma_wait3A_36] : memref<10240xf32, #tpu.memory_space<vmem_shared>> -> memref<10240xf32, #tpu.memory_space<vmem_shared>>
      tpu.wait_indirect_dma semaphore(%arg8 : memref<!tpu.dma_semaphore, #tpu.memory_space<semaphore_mem>>) src(%arg5 : memref<80xf32, #tpu.memory_space<vmem>>) dst(%dma_wait3A_37 : memref<10240xf32, #tpu.memory_space<vmem_shared>>)
      %scan3A_38 = arith.constant 0 : i32
      scf.yield %scan3A_38 : i32
    }
    %scan3A_22 = arith.constant 125 : i32
    %barrier3A_23 = arith.constant 0 : index
    tpu.barrier barrier_id(%barrier3A_23)
    %mul3A_24 = arith.constant 640 : i32
    %mul3A_25 = arith.muli %arg1, %mul3A_24 : i32
    "tpu.region"() ({
      %run_scoped3A = tpu.sem_alloc : memref<!tpu.dma_semaphore, #tpu.memory_space<semaphore_mem>>
      %dma_start3A = tpu.memref_slice %arg7[%mul3A_25] : memref<10240xf32, #tpu.memory_space<vmem_shared>> -> memref<640xf32, #tpu.memory_space<vmem_shared>>
      %dma_start3A_28 = tpu.memref_slice %arg7[%mul3A_25] : memref<10240xf32, #tpu.memory_space<vmem_shared>> -> memref<640xf32, #tpu.memory_space<vmem_shared>>
      tpu.enqueue_dma source(%dma_start3A_28 : memref<640xf32, #tpu.memory_space<vmem_shared>>) target(%arg6 : memref<640xf32, #tpu.memory_space<vmem>>) target_semaphore(%run_scoped3A : memref<!tpu.dma_semaphore, #tpu.memory_space<semaphore_mem>>)
      %dma_wait3A = tpu.memref_slice %arg7[%mul3A_25] : memref<10240xf32, #tpu.memory_space<vmem_shared>> -> memref<640xf32, #tpu.memory_space<vmem_shared>>
      %dma_wait3A_29 = tpu.memref_slice %arg7[%mul3A_25] : memref<10240xf32, #tpu.memory_space<vmem_shared>> -> memref<640xf32, #tpu.memory_space<vmem_shared>>
      tpu.wait_dma2 semaphore(%run_scoped3A : memref<!tpu.dma_semaphore, #tpu.memory_space<semaphore_mem>>) src(%dma_wait3A_29 : memref<640xf32, #tpu.memory_space<vmem_shared>>) dst(%arg6 : memref<640xf32, #tpu.memory_space<vmem>>)
      tpu.yield
    }) : () -> ()
    %mul3A_26 = arith.constant 640 : i32
    %mul3A_27 = arith.muli %arg1, %mul3A_26 : i32
    "tpu.region"() ({
      %run_scoped3A = tpu.sem_alloc : memref<!tpu.dma_semaphore, #tpu.memory_space<semaphore_mem>>
      %dma_start3A = tpu.memref_slice %arg3[%arg0, %mul3A_27] : memref<2x10240xf32, #tpu.memory_space<hbm>> -> memref<1x640xf32, #tpu.memory_space<hbm>>
      %dma_start3A_28 = tpu.memref_squeeze %dma_start3A : memref<1x640xf32, #tpu.memory_space<hbm>> -> memref<640xf32, #tpu.memory_space<hbm>>
      %dma_start3A_29 = tpu.memref_slice %arg3[%arg0, %mul3A_27] : memref<2x10240xf32, #tpu.memory_space<hbm>> -> memref<1x640xf32, #tpu.memory_space<hbm>>
      %dma_start3A_30 = tpu.memref_squeeze %dma_start3A_29 : memref<1x640xf32, #tpu.memory_space<hbm>> -> memref<640xf32, #tpu.memory_space<hbm>>
      tpu.enqueue_dma source(%arg6 : memref<640xf32, #tpu.memory_space<vmem>>) target(%dma_start3A_30 : memref<640xf32, #tpu.memory_space<hbm>>) target_semaphore(%run_scoped3A : memref<!tpu.dma_semaphore, #tpu.memory_space<semaphore_mem>>)
      %dma_wait3A = tpu.memref_slice %arg3[%arg0, %mul3A_27] : memref<2x10240xf32, #tpu.memory_space<hbm>> -> memref<1x640xf32, #tpu.memory_space<hbm>>
      %dma_wait3A_31 = tpu.memref_squeeze %dma_wait3A : memref<1x640xf32, #tpu.memory_space<hbm>> -> memref<640xf32, #tpu.memory_space<hbm>>
      %dma_wait3A_32 = tpu.memref_slice %arg3[%arg0, %mul3A_27] : memref<2x10240xf32, #tpu.memory_space<hbm>> -> memref<1x640xf32, #tpu.memory_space<hbm>>
      %dma_wait3A_33 = tpu.memref_squeeze %dma_wait3A_32 : memref<1x640xf32, #tpu.memory_space<hbm>> -> memref<640xf32, #tpu.memory_space<hbm>>
      tpu.wait_dma2 semaphore(%run_scoped3A : memref<!tpu.dma_semaphore, #tpu.memory_space<semaphore_mem>>) src(%arg6 : memref<640xf32, #tpu.memory_space<vmem>>) dst(%dma_wait3A_33 : memref<640xf32, #tpu.memory_space<hbm>>)
      tpu.yield
    }) : () -> ()
    return
  }
}

module attributes {stable_mosaic.version = 14 : i64} {
  func.func @_mm1_body(%arg0: i32, %arg1: memref<2x10240x1xf32, #tpu.memory_space<vmem>>, %arg2: memref<10240x128xf32, #tpu.memory_space<vmem>>, %arg3: memref<128x128xf32, #tpu.memory_space<vmem>>, %arg4: memref<10240x128xf32, #tpu.memory_space<vmem>>, %arg5: memref<10240x1xf32, #tpu.memory_space<vmem>>) attributes {dimension_semantics = [#tpu.dimension_semantics<arbitrary>], iteration_bounds = array<i64: 1>, scalar_prefetch = 0 : i64, scratch_operands = 0 : i64, tpu.core_type = #tpu.core_type<tc>, window_params = [{transform_indices = @transform_0, window_bounds = array<i64: 2, 10240, 1>}, {transform_indices = @transform_1, window_bounds = array<i64: 10240, 128>}, {pipeline_mode = #tpu.pipeline_mode<synchronous>, transform_indices = @transform_2, window_bounds = array<i64: 128, 128>}, {transform_indices = @transform_3, window_bounds = array<i64: 10240, 128>}, {transform_indices = @transform_4, window_bounds = array<i64: 10240, 1>}]} {
    %get3A = arith.constant 0 : index
    %get3A_0 = arith.constant 0 : index
    %get3A_1 = arith.constant 0 : index
    %get3A_2 = vector.load %arg1[%get3A, %get3A_0, %get3A_1] : memref<2x10240x1xf32, #tpu.memory_space<vmem>>, vector<1x10240x1xf32>
    %get3A_3 = vector.shape_cast %get3A_2 : vector<1x10240x1xf32> to vector<10240x1xf32>
    %get3A_4 = arith.constant 1 : index
    %get3A_5 = arith.constant 0 : index
    %get3A_6 = arith.constant 0 : index
    %get3A_7 = vector.load %arg1[%get3A_4, %get3A_5, %get3A_6] : memref<2x10240x1xf32, #tpu.memory_space<vmem>>, vector<1x10240x1xf32>
    %get3A_8 = vector.shape_cast %get3A_7 : vector<1x10240x1xf32> to vector<10240x1xf32>
    %add3A = arith.addf %get3A_3, %get3A_8 : vector<10240x1xf32>
    %add3A_9 = arith.constant 1.000000e+00 : f32
    %add3A_10 = vector.broadcast %add3A_9 : f32 to vector<10240x1xf32>
    %add3A_11 = arith.addf %add3A, %add3A_10 : vector<10240x1xf32>
    %rsqrt3A = math.rsqrt %add3A_11 : vector<10240x1xf32>
    %get3A_12 = arith.constant 0 : index
    %get3A_13 = arith.constant 0 : index
    %get3A_14 = vector.load %arg2[%get3A_12, %get3A_13] : memref<10240x128xf32, #tpu.memory_space<vmem>>, vector<10240x128xf32>
    %get3A_15 = arith.constant 0 : index
    %get3A_16 = arith.constant 0 : index
    %get3A_17 = vector.load %arg3[%get3A_15, %get3A_16] : memref<128x128xf32, #tpu.memory_space<vmem>>, vector<128x128xf32>
    %dot_general3A = arith.constant dense<0.000000e+00> : vector<10240x128xf32>
    %dot_general3A_18 = tpu.matmul %get3A_14, %get3A_17, %dot_general3A {dimension_numbers = #tpu.dot_dimension_numbers<[1], [0], [0], [1], [0, 0, 1, 1], [], []>, transpose_lhs_hint = false} : vector<10240x128xf32>, vector<128x128xf32>, vector<10240x128xf32> -> vector<10240x128xf32>
    %mul3A = vector.broadcast %rsqrt3A : vector<10240x1xf32> to vector<10240x128xf32>
    %mul3A_19 = arith.mulf %mul3A, %dot_general3A_18 : vector<10240x128xf32>
    %swap3A = arith.constant 0 : index
    %swap3A_20 = arith.constant 0 : index
    %swap3A_21 = vector.load %arg4[%swap3A, %swap3A_20] : memref<10240x128xf32, #tpu.memory_space<vmem>>, vector<10240x128xf32>
    tpu.vector_store %arg4[%swap3A, %swap3A_20], %mul3A_19 {strides = array<i32>} : memref<10240x128xf32, #tpu.memory_space<vmem>>, vector<10240x128xf32>,
    %swap3A_22 = arith.constant 0 : index
    %swap3A_23 = arith.constant 0 : index
    %swap3A_24 = vector.load %arg5[%swap3A_22, %swap3A_23] : memref<10240x1xf32, #tpu.memory_space<vmem>>, vector<10240x1xf32>
    tpu.vector_store %arg5[%swap3A_22, %swap3A_23], %rsqrt3A {strides = array<i32>} : memref<10240x1xf32, #tpu.memory_space<vmem>>, vector<10240x1xf32>,
    return
  }
  func.func @transform_0(%arg0: i32) -> (i32, i32, i32) {
    %c0_i32 = arith.constant 0 : i32
    %c0_i32_0 = arith.constant 0 : i32
    %c0_i32_1 = arith.constant 0 : i32
    return %c0_i32, %arg0, %c0_i32_0 : i32, i32, i32
  }
  func.func @transform_1(%arg0: i32) -> (i32, i32) {
    %c0_i32 = arith.constant 0 : i32
    %c0_i32_0 = arith.constant 0 : i32
    return %arg0, %c0_i32 : i32, i32
  }
  func.func @transform_2(%arg0: i32) -> (i32, i32) {
    %c0_i32 = arith.constant 0 : i32
    %c0_i32_0 = arith.constant 0 : i32
    %c0_i32_1 = arith.constant 0 : i32
    return %c0_i32, %c0_i32_0 : i32, i32
  }
  func.func @transform_3(%arg0: i32) -> (i32, i32) {
    %c0_i32 = arith.constant 0 : i32
    %c0_i32_0 = arith.constant 0 : i32
    return %arg0, %c0_i32 : i32, i32
  }
  func.func @transform_4(%arg0: i32) -> (i32, i32) {
    %c0_i32 = arith.constant 0 : i32
    %c0_i32_0 = arith.constant 0 : i32
    return %arg0, %c0_i32 : i32, i32
  }
}

module attributes {stable_mosaic.version = 14 : i64} {
  func.func @_mid_body(%arg0: i32, %arg1: memref<2x10240x128xf32, #tpu.memory_space<vmem>>, %arg2: memref<10240x128xf32, #tpu.memory_space<vmem>>, %arg3: memref<10240x1xf32, #tpu.memory_space<vmem>>, %arg4: memref<1x128xf32, #tpu.memory_space<vmem>>, %arg5: memref<128x128xf32, #tpu.memory_space<vmem>>, %arg6: memref<10240x1xi32, #tpu.memory_space<vmem>>, %arg7: memref<10240x128xf32, #tpu.memory_space<vmem>>, %arg8: memref<10240x128xf32, #tpu.memory_space<vmem>>, %arg9: memref<64x128xf32, #tpu.memory_space<vmem>>) attributes {dimension_semantics = [#tpu.dimension_semantics<arbitrary>], iteration_bounds = array<i64: 1>, scalar_prefetch = 0 : i64, scratch_operands = 0 : i64, tpu.core_type = #tpu.core_type<tc>, window_params = [{transform_indices = @transform_0, window_bounds = array<i64: 2, 10240, 128>}, {transform_indices = @transform_1, window_bounds = array<i64: 10240, 128>}, {transform_indices = @transform_2, window_bounds = array<i64: 10240, 1>}, {pipeline_mode = #tpu.pipeline_mode<synchronous>, transform_indices = @transform_3, window_bounds = array<i64: 1, 128>}, {pipeline_mode = #tpu.pipeline_mode<synchronous>, transform_indices = @transform_4, window_bounds = array<i64: 128, 128>}, {transform_indices = @transform_5, window_bounds = array<i64: 10240, 1>}, {transform_indices = @transform_6, window_bounds = array<i64: 10240, 128>}, {transform_indices = @transform_7, window_bounds = array<i64: 10240, 128>}, {pipeline_mode = #tpu.pipeline_mode<synchronous>, transform_indices = @transform_8, window_bounds = array<i64: 64, 128>}]} {
    %get3A = arith.constant 0 : index
    %get3A_0 = arith.constant 0 : index
    %get3A_1 = vector.load %arg3[%get3A, %get3A_0] : memref<10240x1xf32, #tpu.memory_space<vmem>>, vector<10240x1xf32>
    %get3A_2 = arith.constant 0 : index
    %get3A_3 = arith.constant 0 : index
    %get3A_4 = arith.constant 0 : index
    %get3A_5 = vector.load %arg1[%get3A_2, %get3A_3, %get3A_4] : memref<2x10240x128xf32, #tpu.memory_space<vmem>>, vector<1x10240x128xf32>
    %get3A_6 = vector.shape_cast %get3A_5 : vector<1x10240x128xf32> to vector<10240x128xf32>
    %get3A_7 = arith.constant 1 : index
    %get3A_8 = arith.constant 0 : index
    %get3A_9 = arith.constant 0 : index
    %get3A_10 = vector.load %arg1[%get3A_7, %get3A_8, %get3A_9] : memref<2x10240x128xf32, #tpu.memory_space<vmem>>, vector<1x10240x128xf32>
    %get3A_11 = vector.shape_cast %get3A_10 : vector<1x10240x128xf32> to vector<10240x128xf32>
    %add3A = arith.addf %get3A_6, %get3A_11 : vector<10240x128xf32>
    %get3A_12 = arith.constant 0 : index
    %get3A_13 = arith.constant 0 : index
    %get3A_14 = vector.load %arg2[%get3A_12, %get3A_13] : memref<10240x128xf32, #tpu.memory_space<vmem>>, vector<10240x128xf32>
    %add3A_15 = arith.addf %add3A, %get3A_14 : vector<10240x128xf32>
    %mul3A = vector.broadcast %get3A_1 : vector<10240x1xf32> to vector<10240x128xf32>
    %mul3A_16 = arith.mulf %mul3A, %add3A_15 : vector<10240x128xf32>
    %get3A_17 = arith.constant 0 : index
    %get3A_18 = arith.constant 0 : index
    %get3A_19 = vector.load %arg4[%get3A_17, %get3A_18] : memref<1x128xf32, #tpu.memory_space<vmem>>, vector<1x128xf32>
    %add3A_20 = vector.broadcast %get3A_19 : vector<1x128xf32> to vector<10240x128xf32>
    %add3A_21 = arith.addf %mul3A_16, %add3A_20 : vector<10240x128xf32>
    %max3A = arith.constant 0.000000e+00 : f32
    %max3A_22 = vector.broadcast %max3A : f32 to vector<10240x128xf32>
    %max3A_23 = arith.maximumf %add3A_21, %max3A_22 : vector<10240x128xf32>
    %swap3A = arith.constant 0 : index
    %swap3A_24 = arith.constant 0 : index
    %swap3A_25 = vector.load %arg7[%swap3A, %swap3A_24] : memref<10240x128xf32, #tpu.memory_space<vmem>>, vector<10240x128xf32>
    tpu.vector_store %arg7[%swap3A, %swap3A_24], %max3A_23 {strides = array<i32>} : memref<10240x128xf32, #tpu.memory_space<vmem>>, vector<10240x128xf32>,
    %get3A_26 = arith.constant 0 : index
    %get3A_27 = arith.constant 0 : index
    %get3A_28 = vector.load %arg5[%get3A_26, %get3A_27] : memref<128x128xf32, #tpu.memory_space<vmem>>, vector<128x128xf32>
    %dot_general3A = arith.constant dense<0.000000e+00> : vector<10240x128xf32>
    %dot_general3A_29 = tpu.matmul %max3A_23, %get3A_28, %dot_general3A {dimension_numbers = #tpu.dot_dimension_numbers<[1], [0], [0], [1], [0, 0, 1, 1], [], []>, transpose_lhs_hint = false} : vector<10240x128xf32>, vector<128x128xf32>, vector<10240x128xf32> -> vector<10240x128xf32>
    %mul3A_30 = vector.broadcast %get3A_1 : vector<10240x1xf32> to vector<10240x128xf32>
    %mul3A_31 = arith.mulf %mul3A_30, %dot_general3A_29 : vector<10240x128xf32>
    %swap3A_32 = arith.constant 0 : index
    %swap3A_33 = arith.constant 0 : index
    %swap3A_34 = vector.load %arg8[%swap3A_32, %swap3A_33] : memref<10240x128xf32, #tpu.memory_space<vmem>>, vector<10240x128xf32>
    tpu.vector_store %arg8[%swap3A_32, %swap3A_33], %mul3A_31 {strides = array<i32>} : memref<10240x128xf32, #tpu.memory_space<vmem>>, vector<10240x128xf32>,
    %get3A_35 = arith.constant 0 : index
    %get3A_36 = arith.constant 0 : index
    %get3A_37 = vector.load %arg6[%get3A_35, %get3A_36] : memref<10240x1xi32, #tpu.memory_space<vmem>>, vector<10240x1xi32>
    %iota3A = tpu.iota {dimensions = array<i32: 1>} : vector<1x64xi32>
    %eq3A = vector.broadcast %get3A_37 : vector<10240x1xi32> to vector<10240x64xi32>
    %eq3A_38 = vector.broadcast %iota3A : vector<1x64xi32> to vector<10240x64xi32>
    %eq3A_39 = arith.cmpi eq, %eq3A, %eq3A_38 : vector<10240x64xi32>
    %convert_element_type3A = arith.extui %eq3A_39 : vector<10240x64xi1> to vector<10240x64xi32>
    %convert_element_type3A_40 = arith.sitofp %convert_element_type3A : vector<10240x64xi32> to vector<10240x64xf32>
    %dot_general3A_41 = arith.constant dense<0.000000e+00> : vector<64x128xf32>
    %dot_general3A_42 = tpu.matmul %convert_element_type3A_40, %max3A_23, %dot_general3A_41 {dimension_numbers = #tpu.dot_dimension_numbers<[0], [0], [1], [1], [0, 1, 1, 1], [], []>, transpose_lhs_hint = false} : vector<10240x64xf32>, vector<10240x128xf32>, vector<64x128xf32> -> vector<64x128xf32>
    %eq3A_43 = arith.constant 0 : i32
    %eq3A_44 = arith.cmpi eq, %arg0, %eq3A_43 : i32
    %convert_element_type3A_45 = arith.extui %eq3A_44 : i1 to i32
    %cond3A = arith.constant 0 : i32
    %cond3A_46 = arith.cmpi ne, %convert_element_type3A_45, %cond3A : i32
    scf.if %cond3A_46 {
      %broadcast_in_dim3A = arith.constant 0.000000e+00 : f32
      %broadcast_in_dim3A_54 = vector.broadcast %broadcast_in_dim3A : f32 to vector<64x128xf32>
      %swap3A_55 = arith.constant 0 : index
      %swap3A_56 = arith.constant 0 : index
      %swap3A_57 = vector.load %arg9[%swap3A_55, %swap3A_56] : memref<64x128xf32, #tpu.memory_space<vmem>>, vector<64x128xf32>
      tpu.vector_store %arg9[%swap3A_55, %swap3A_56], %broadcast_in_dim3A_54 {strides = array<i32>} : memref<64x128xf32, #tpu.memory_space<vmem>>, vector<64x128xf32>,
    } else {
    }
    %get3A_47 = arith.constant 0 : index
    %get3A_48 = arith.constant 0 : index
    %get3A_49 = vector.load %arg9[%get3A_47, %get3A_48] : memref<64x128xf32, #tpu.memory_space<vmem>>, vector<64x128xf32>
    %add3A_50 = arith.addf %get3A_49, %dot_general3A_42 : vector<64x128xf32>
    %swap3A_51 = arith.constant 0 : index
    %swap3A_52 = arith.constant 0 : index
    %swap3A_53 = vector.load %arg9[%swap3A_51, %swap3A_52] : memref<64x128xf32, #tpu.memory_space<vmem>>, vector<64x128xf32>
    tpu.vector_store %arg9[%swap3A_51, %swap3A_52], %add3A_50 {strides = array<i32>} : memref<64x128xf32, #tpu.memory_space<vmem>>, vector<64x128xf32>,
    return
  }
  func.func @transform_0(%arg0: i32) -> (i32, i32, i32) {
    %c0_i32 = arith.constant 0 : i32
    %c0_i32_0 = arith.constant 0 : i32
    %c0_i32_1 = arith.constant 0 : i32
    return %c0_i32, %arg0, %c0_i32_0 : i32, i32, i32
  }
  func.func @transform_1(%arg0: i32) -> (i32, i32) {
    %c0_i32 = arith.constant 0 : i32
    %c0_i32_0 = arith.constant 0 : i32
    return %arg0, %c0_i32 : i32, i32
  }
  func.func @transform_2(%arg0: i32) -> (i32, i32) {
    %c0_i32 = arith.constant 0 : i32
    %c0_i32_0 = arith.constant 0 : i32
    return %arg0, %c0_i32 : i32, i32
  }
  func.func @transform_3(%arg0: i32) -> (i32, i32) {
    %c0_i32 = arith.constant 0 : i32
    %c0_i32_0 = arith.constant 0 : i32
    %c0_i32_1 = arith.constant 0 : i32
    return %c0_i32, %c0_i32_0 : i32, i32
  }
  func.func @transform_4(%arg0: i32) -> (i32, i32) {
    %c0_i32 = arith.constant 0 : i32
    %c0_i32_0 = arith.constant 0 : i32
    %c0_i32_1 = arith.constant 0 : i32
    return %c0_i32, %c0_i32_0 : i32, i32
  }
  func.func @transform_5(%arg0: i32) -> (i32, i32) {
    %c0_i32 = arith.constant 0 : i32
    %c0_i32_0 = arith.constant 0 : i32
    return %arg0, %c0_i32 : i32, i32
  }
  func.func @transform_6(%arg0: i32) -> (i32, i32) {
    %c0_i32 = arith.constant 0 : i32
    %c0_i32_0 = arith.constant 0 : i32
    return %arg0, %c0_i32 : i32, i32
  }
  func.func @transform_7(%arg0: i32) -> (i32, i32) {
    %c0_i32 = arith.constant 0 : i32
    %c0_i32_0 = arith.constant 0 : i32
    return %arg0, %c0_i32 : i32, i32
  }
  func.func @transform_8(%arg0: i32) -> (i32, i32) {
    %c0_i32 = arith.constant 0 : i32
    %c0_i32_0 = arith.constant 0 : i32
    %c0_i32_1 = arith.constant 0 : i32
    return %c0_i32, %c0_i32_0 : i32, i32
  }
}

module attributes {stable_mosaic.version = 14 : i64} {
  func.func @_fin_body(%arg0: i32, %arg1: memref<2x10240x128xf32, #tpu.memory_space<vmem>>, %arg2: memref<10240x128xf32, #tpu.memory_space<vmem>>, %arg3: memref<10240x1xf32, #tpu.memory_space<vmem>>, %arg4: memref<1x128xf32, #tpu.memory_space<vmem>>, %arg5: memref<10240x1xi32, #tpu.memory_space<vmem>>, %arg6: memref<10240x128xf32, #tpu.memory_space<vmem>>, %arg7: memref<64x128xf32, #tpu.memory_space<vmem>>) attributes {dimension_semantics = [#tpu.dimension_semantics<arbitrary>], iteration_bounds = array<i64: 1>, scalar_prefetch = 0 : i64, scratch_operands = 0 : i64, tpu.core_type = #tpu.core_type<tc>, window_params = [{transform_indices = @transform_0, window_bounds = array<i64: 2, 10240, 128>}, {transform_indices = @transform_1, window_bounds = array<i64: 10240, 128>}, {transform_indices = @transform_2, window_bounds = array<i64: 10240, 1>}, {pipeline_mode = #tpu.pipeline_mode<synchronous>, transform_indices = @transform_3, window_bounds = array<i64: 1, 128>}, {transform_indices = @transform_4, window_bounds = array<i64: 10240, 1>}, {transform_indices = @transform_5, window_bounds = array<i64: 10240, 128>}, {pipeline_mode = #tpu.pipeline_mode<synchronous>, transform_indices = @transform_6, window_bounds = array<i64: 64, 128>}]} {
    %get3A = arith.constant 0 : index
    %get3A_0 = arith.constant 0 : index
    %get3A_1 = vector.load %arg3[%get3A, %get3A_0] : memref<10240x1xf32, #tpu.memory_space<vmem>>, vector<10240x1xf32>
    %get3A_2 = arith.constant 0 : index
    %get3A_3 = arith.constant 0 : index
    %get3A_4 = arith.constant 0 : index
    %get3A_5 = vector.load %arg1[%get3A_2, %get3A_3, %get3A_4] : memref<2x10240x128xf32, #tpu.memory_space<vmem>>, vector<1x10240x128xf32>
    %get3A_6 = vector.shape_cast %get3A_5 : vector<1x10240x128xf32> to vector<10240x128xf32>
    %get3A_7 = arith.constant 1 : index
    %get3A_8 = arith.constant 0 : index
    %get3A_9 = arith.constant 0 : index
    %get3A_10 = vector.load %arg1[%get3A_7, %get3A_8, %get3A_9] : memref<2x10240x128xf32, #tpu.memory_space<vmem>>, vector<1x10240x128xf32>
    %get3A_11 = vector.shape_cast %get3A_10 : vector<1x10240x128xf32> to vector<10240x128xf32>
    %add3A = arith.addf %get3A_6, %get3A_11 : vector<10240x128xf32>
    %get3A_12 = arith.constant 0 : index
    %get3A_13 = arith.constant 0 : index
    %get3A_14 = vector.load %arg2[%get3A_12, %get3A_13] : memref<10240x128xf32, #tpu.memory_space<vmem>>, vector<10240x128xf32>
    %add3A_15 = arith.addf %add3A, %get3A_14 : vector<10240x128xf32>
    %mul3A = vector.broadcast %get3A_1 : vector<10240x1xf32> to vector<10240x128xf32>
    %mul3A_16 = arith.mulf %mul3A, %add3A_15 : vector<10240x128xf32>
    %get3A_17 = arith.constant 0 : index
    %get3A_18 = arith.constant 0 : index
    %get3A_19 = vector.load %arg4[%get3A_17, %get3A_18] : memref<1x128xf32, #tpu.memory_space<vmem>>, vector<1x128xf32>
    %add3A_20 = vector.broadcast %get3A_19 : vector<1x128xf32> to vector<10240x128xf32>
    %add3A_21 = arith.addf %mul3A_16, %add3A_20 : vector<10240x128xf32>
    %max3A = arith.constant 0.000000e+00 : f32
    %max3A_22 = vector.broadcast %max3A : f32 to vector<10240x128xf32>
    %max3A_23 = arith.maximumf %add3A_21, %max3A_22 : vector<10240x128xf32>
    %swap3A = arith.constant 0 : index
    %swap3A_24 = arith.constant 0 : index
    %swap3A_25 = vector.load %arg6[%swap3A, %swap3A_24] : memref<10240x128xf32, #tpu.memory_space<vmem>>, vector<10240x128xf32>
    tpu.vector_store %arg6[%swap3A, %swap3A_24], %max3A_23 {strides = array<i32>} : memref<10240x128xf32, #tpu.memory_space<vmem>>, vector<10240x128xf32>,
    %get3A_26 = arith.constant 0 : index
    %get3A_27 = arith.constant 0 : index
    %get3A_28 = vector.load %arg5[%get3A_26, %get3A_27] : memref<10240x1xi32, #tpu.memory_space<vmem>>, vector<10240x1xi32>
    %iota3A = tpu.iota {dimensions = array<i32: 1>} : vector<1x64xi32>
    %eq3A = vector.broadcast %get3A_28 : vector<10240x1xi32> to vector<10240x64xi32>
    %eq3A_29 = vector.broadcast %iota3A : vector<1x64xi32> to vector<10240x64xi32>
    %eq3A_30 = arith.cmpi eq, %eq3A, %eq3A_29 : vector<10240x64xi32>
    %convert_element_type3A = arith.extui %eq3A_30 : vector<10240x64xi1> to vector<10240x64xi32>
    %convert_element_type3A_31 = arith.sitofp %convert_element_type3A : vector<10240x64xi32> to vector<10240x64xf32>
    %dot_general3A = arith.constant dense<0.000000e+00> : vector<64x128xf32>
    %dot_general3A_32 = tpu.matmul %convert_element_type3A_31, %max3A_23, %dot_general3A {dimension_numbers = #tpu.dot_dimension_numbers<[0], [0], [1], [1], [0, 1, 1, 1], [], []>, transpose_lhs_hint = false} : vector<10240x64xf32>, vector<10240x128xf32>, vector<64x128xf32> -> vector<64x128xf32>
    %eq3A_33 = arith.constant 0 : i32
    %eq3A_34 = arith.cmpi eq, %arg0, %eq3A_33 : i32
    %convert_element_type3A_35 = arith.extui %eq3A_34 : i1 to i32
    %cond3A = arith.constant 0 : i32
    %cond3A_36 = arith.cmpi ne, %convert_element_type3A_35, %cond3A : i32
    scf.if %cond3A_36 {
      %broadcast_in_dim3A = arith.constant 0.000000e+00 : f32
      %broadcast_in_dim3A_44 = vector.broadcast %broadcast_in_dim3A : f32 to vector<64x128xf32>
      %swap3A_45 = arith.constant 0 : index
      %swap3A_46 = arith.constant 0 : index
      %swap3A_47 = vector.load %arg7[%swap3A_45, %swap3A_46] : memref<64x128xf32, #tpu.memory_space<vmem>>, vector<64x128xf32>
      tpu.vector_store %arg7[%swap3A_45, %swap3A_46], %broadcast_in_dim3A_44 {strides = array<i32>} : memref<64x128xf32, #tpu.memory_space<vmem>>, vector<64x128xf32>,
    } else {
    }
    %get3A_37 = arith.constant 0 : index
    %get3A_38 = arith.constant 0 : index
    %get3A_39 = vector.load %arg7[%get3A_37, %get3A_38] : memref<64x128xf32, #tpu.memory_space<vmem>>, vector<64x128xf32>
    %add3A_40 = arith.addf %get3A_39, %dot_general3A_32 : vector<64x128xf32>
    %swap3A_41 = arith.constant 0 : index
    %swap3A_42 = arith.constant 0 : index
    %swap3A_43 = vector.load %arg7[%swap3A_41, %swap3A_42] : memref<64x128xf32, #tpu.memory_space<vmem>>, vector<64x128xf32>
    tpu.vector_store %arg7[%swap3A_41, %swap3A_42], %add3A_40 {strides = array<i32>} : memref<64x128xf32, #tpu.memory_space<vmem>>, vector<64x128xf32>,
    return
  }
  func.func @transform_0(%arg0: i32) -> (i32, i32, i32) {
    %c0_i32 = arith.constant 0 : i32
    %c0_i32_0 = arith.constant 0 : i32
    %c0_i32_1 = arith.constant 0 : i32
    return %c0_i32, %arg0, %c0_i32_0 : i32, i32, i32
  }
  func.func @transform_1(%arg0: i32) -> (i32, i32) {
    %c0_i32 = arith.constant 0 : i32
    %c0_i32_0 = arith.constant 0 : i32
    return %arg0, %c0_i32 : i32, i32
  }
  func.func @transform_2(%arg0: i32) -> (i32, i32) {
    %c0_i32 = arith.constant 0 : i32
    %c0_i32_0 = arith.constant 0 : i32
    return %arg0, %c0_i32 : i32, i32
  }
  func.func @transform_3(%arg0: i32) -> (i32, i32) {
    %c0_i32 = arith.constant 0 : i32
    %c0_i32_0 = arith.constant 0 : i32
    %c0_i32_1 = arith.constant 0 : i32
    return %c0_i32, %c0_i32_0 : i32, i32
  }
  func.func @transform_4(%arg0: i32) -> (i32, i32) {
    %c0_i32 = arith.constant 0 : i32
    %c0_i32_0 = arith.constant 0 : i32
    return %arg0, %c0_i32 : i32, i32
  }
  func.func @transform_5(%arg0: i32) -> (i32, i32) {
    %c0_i32 = arith.constant 0 : i32
    %c0_i32_0 = arith.constant 0 : i32
    return %arg0, %c0_i32 : i32, i32
  }
  func.func @transform_6(%arg0: i32) -> (i32, i32) {
    %c0_i32 = arith.constant 0 : i32
    %c0_i32_0 = arith.constant 0 : i32
    %c0_i32_1 = arith.constant 0 : i32
    return %c0_i32, %c0_i32_0 : i32, i32
  }
}

</mosaic_0001>

<sc_bundles>
// kernel: kernel.11.cloned.1.call-start
scs
__scs_entry_jumppad:
0x0: {  	(pc) =	sbr.rel $0x88, $3  }
0x1: {  	(tag) =	ssettag $0x0;
	lr =	simm.s32 $0x1  }
0x2: {  	[smem:$0x3F9A] =	sst lr;
	_ =	strace $0xD0000000  }
0x3: {  	_ = 	snop  }
0x4: {  	_ = 	snop  }
0x5: {  	_ = 	snop  }
0x6: {  	_ = 	snop  }
0x7: {  	_ = 	snop  }
__scs_overlays_trampoline_lowered:
0x8: {  	[smem:$0x3FA9] =	sst s0  }
0x9: {  	[smem:$0x3FAA] =	sst s1  }
0xa: {  	[smem:$0x3FAB] =	sst s2  }
0xb: {  	[smem:$0x3FAC] =	sst s3  }
0xc: {  	[smem:$0x3FAD] =	sst s4  }
0xd: {  	[smem:$0x3FAE] =	sst s5  }
0xe: {  	[smem:$0x3FAF] =	sst s6  }
0xf: {  	[smem:$0x3FB0] =	sst s7  }
0x10: {  	[smem:$0x3FB1] =	sst s8  }
0x11: {  	[smem:$0x3FB2] =	sst s9;
	s0 =	simm.s32 @!p0 $0x0  }
0x12: {  	s1 =	sld [smem:$0x3F98];
	s0 =	simm.s32 @p0 $0x1  }
0x13: {  	[smem:$0x3FB3] =	sst s0;
	s0 =	simm.s32 @!p1 $0x0  }
0x14: {  	s2 =	sld [smem:$0x3F97];
	s0 =	simm.s32 @p1 $0x1  }
0x15: {  	[smem:$0x3FB4] =	sst s0;
	s0 =	simm.s32 @!p2 $0x0  }
0x16: {  	s3 =	sld [smem:$0x3FDB];
	s0 =	simm.s32 @p2 $0x1  }
0x17: {  	s4 =	simm.s32 $0x1BF5;
	[smem:$0x3FB6] =	sst s0  }
0x18: {  	s0 =	sld [smem:$0x3F99];
	_ =	swait.ge [sflag:s4], $0x0  }
0x19: {  	s7 =	sld [smem:$0x3F9A]  }
0x1a: {  	s8 =	sadd.s32 $0xFFFFE003, lr  }
0x1b: {  	s9 =	sadd.s32 $0xFFFFFEF7, lr;
	s5 =	simm.s32 $0xFFFFFFFF;
	p2 =	slt.u32 s8, $0xFFFFF086  }
0x1c: {  	p1 =	slt.u32 s9, $0xF7A;
	s5 =	simm.s32 @!p2 $0x0  }
0x1d: {  	s5 =	simm.s32 @p1 $0x1;
	p0 =	seq.s32 s7, s2  }
0x1e: {  	s7 =	smul.u32 @!p0 $0xF7A, s2;
	p2 =	seq.s32 @!p0 s5, $0x0  }
0x1f: {  	s9 =	smul.u32 $0xF7A, s1;
	s8 =	simm.s32 @!p0 $0x1BF5;
	p2 =	por !p2, p0  }
0x20: {  	[sflag:s8] =	ssyncset.s32 @!p0 $0xFFFFF086;
	s6 =	sadd.s32 @!p0 s3, s7;
	s7 =	simm.s32 @!p0 $0x108  }
0x21: {  	s3 =	sadd.s32 s3, s9;
	s6 =	sadd.s32 @!p0 $0x88, s6;
	s7 =	simm.s32 @p2 $0x1082  }
0x22: {  	[simem:s7], [sflag:s8] =	dma.local @!p0 [hbm:s6], $0xF7A  }
0x23: {  	s9 =	sor.u32 $0xD0000000, s2;
	s6 =	simm.s32 $0x108;
	_ =	swait.ge @!p0 [sflag:s8], $0x0  }
0x24: {  	s3 =	sadd.s32 $0x88, s3;
	s6 =	simm.s32 @!p1 $0x1082;
	[sflag:s4] =	ssyncset.s32 $0xFFFFF086  }
0x25: {  	[simem:s6], [sflag:s4] =	dma.local [hbm:s3], $0xF7A  }
0x26: {  	[smem:$0x3F9A] =	sst s1;
	(tag) =	ssettag s2;
	_ =	strace s9  }
0x27: {  	s1 =	sld [smem:$0x3FAA]  }
0x28: {  	s2 =	sld [smem:$0x3FAB]  }
0x29: {  	s4 =	sld [smem:$0x3FAD]  }
0x2a: {  	p0 =	seq.s32 s5, $0x0;
	s5 =	sld [smem:$0x3FAE]  }
0x2b: {  	s6 =	sld [smem:$0x3FAF]  }
0x2c: {  	s7 =	sld [smem:$0x3FB0]  }
0x2d: {  	s3 =	simm.s32 $0x108;
	s8 =	sld [smem:$0x3FB1]  }
0x2e: {  	s3 =	simm.s32 @!p0 $0x1082;
	s9 =	sld [smem:$0x3FB2]  }
0x2f: {  	lr =	sadd.s32 s0, s3;
	s0 =	sld [smem:$0x3FA9]  }
0x30: {  	s3 =	sld [smem:$0x3FAC]  }
0x31: {  	[smem:$0x3FB5] =	sst s10  }
0x32: {  	s10 =	sld [smem:$0x3FB3];
	_ =	sdelay $0x3  }
0x33: {  	p0 =	seq.s32 s10, $0x1;
	s10 =	sld [smem:$0x3FB5];
	_ =	sdelay $0x3  }
0x34: {  	[smem:$0x3FB5] =	sst s10  }
0x35: {  	s10 =	sld [smem:$0x3FB4];
	_ =	sdelay $0x3  }
0x36: {  	p1 =	seq.s32 s10, $0x1;
	s10 =	sld [smem:$0x3FB5];
	_ =	sdelay $0x3  }
0x37: {  	[smem:$0x3FB5] =	sst s10  }
0x38: {  	s10 =	sld [smem:$0x3FB6]  }
0x39: {  	_ = 	snop;
	(pc) =	sbr.ind lr, $3  }
0x3a: {  	_ = 	snop  }
0x3b: {  	_ = 	snop  }
0x3c: {  	p2 =	seq.s32 s10, $0x1;
	s10 =	sld [smem:$0x3FB5]  }
0x3d: {  	_ =	shalt  }
0x3e: {  	_ =	shalt  }
0x3f: {  	_ =	shalt  }
0x40: {  	_ =	shalt  }
0x41: {  	_ =	shalt  }
0x42: {  	_ =	shalt  }
0x43: {  	_ =	shalt  }
0x44: {  	_ =	shalt  }
0x45: {  	_ =	shalt  }
0x46: {  	_ =	shalt  }
0x47: {  	_ =	shalt  }
0x48: {  	_ =	shalt  }
0x49: {  	_ =	shalt  }
0x4a: {  	_ =	shalt  }
0x4b: {  	_ =	shalt  }
0x4c: {  	_ =	shalt  }
0x4d: {  	_ =	shalt  }
0x4e: {  	_ =	shalt  }
0x4f: {  	_ =	shalt  }
0x50: {  	_ =	shalt  }
0x51: {  	_ =	shalt  }
0x52: {  	_ =	shalt  }
0x53: {  	_ =	shalt  }
0x54: {  	_ =	shalt  }
0x55: {  	_ =	shalt  }
0x56: {  	_ =	shalt  }
0x57: {  	_ =	shalt  }
0x58: {  	_ =	shalt  }
0x59: {  	_ =	shalt  }
0x5a: {  	_ =	shalt  }
0x5b: {  	_ =	shalt  }
0x5c: {  	_ =	shalt  }
0x5d: {  	_ =	shalt  }
0x5e: {  	_ =	shalt  }
0x5f: {  	_ =	shalt  }
0x60: {  	_ =	shalt  }
0x61: {  	_ =	shalt  }
0x62: {  	_ =	shalt  }
0x63: {  	_ =	shalt  }
0x64: {  	_ =	shalt  }
0x65: {  	_ =	shalt  }
0x66: {  	_ =	shalt  }
0x67: {  	_ =	shalt  }
0x68: {  	_ =	shalt  }
0x69: {  	_ =	shalt  }
0x6a: {  	_ =	shalt  }
0x6b: {  	_ =	shalt  }
0x6c: {  	_ =	shalt  }
0x6d: {  	_ =	shalt  }
0x6e: {  	_ =	shalt  }
0x6f: {  	_ =	shalt  }
0x70: {  	_ =	shalt  }
0x71: {  	_ =	shalt  }
0x72: {  	_ =	shalt  }
0x73: {  	_ =	shalt  }
0x74: {  	_ =	shalt  }
0x75: {  	_ =	shalt  }
0x76: {  	_ =	shalt  }
0x77: {  	_ =	shalt  }
0x78: {  	_ =	shalt  }
0x79: {  	_ =	shalt  }
0x7a: {  	_ =	shalt  }
0x7b: {  	_ =	shalt  }
0x7c: {  	_ =	shalt  }
0x7d: {  	_ =	shalt  }
0x7e: {  	_ =	shalt  }
0x7f: {  	_ =	shalt  }
0x80: {  	_ =	shalt  }
0x81: {  	_ =	shalt  }
0x82: {  	_ =	shalt  }
0x83: {  	_ =	shalt  }
0x84: {  	_ =	shalt  }
0x85: {  	_ =	shalt  }
0x86: {  	_ =	shalt  }
0x87: {  	_ =	shalt  }
.Lfunc_end0:
.L_simem_size_0:
called_computation.1_lowered:
.L_overlay_start_0:
0x88: {  	s2 =	sld [smem:$0x3FD9]  }
0x89: {  	s3 =	sld [smem:$0x3FFE];
	_ =	sdelay $0x1  }
0x8a: {  	s1 =	srdreg.scid  }
0x8b: {  	s0 =	sand.u32 $0x1, s1  }
0x8c: {  	s14 =	sshll.u32 s0, $0xA;
	s2 =	sadd.s32 s3, s2  }
0x8d: {  	s2 =	sadd.s32 s2, s14  }
0x8e: {  	[smem:$0x3FC1] =	sst s2  }
0x8f: {  	_ = 	snop  }
0x90: {  	s2 =	sld [smem:$0x3FD0];
	_ =	sdelay $0x2  }
0x91: {  	s15 =	simm.s32 $0xA;
	s4 =	simm.s32 $0x10  }
0x92: {  	[smem:s4], [sflag:s15] =	dma.local [hbm:s2], $0x1  }
0x93: {  	_ =	swait.eq [sflag:s15], $0x1  }
0x94: {  	[sflag:s15] =	ssyncset.done $0x0  }
0x95: {  	[sflag:s15] =	ssyncadd.s32 $0xFFFFFFFF  }
0x96: {  	s16 =	sld [smem:$0x10];
	(tm) =	ssettm $0x1  }
0x97: {  	s17 =	sld [smem:$0x3FFB];
	_ =	sdelay $0x3  }
0x98: {  	_ =	strace s17  }
0x99: {  	s3 =	sld [smem:$0x3FFC];
	_ =	sdelay $0x3  }
0x9a: {  	_ =	strace s3  }
0x9b: {  	s3 =	sld [smem:$0x3FFD];
	_ =	sdelay $0x3  }
0x9c: {  	_ =	strace s3  }
0x9d: {  	_ =	strace $0x8FFFFFFF  }
0x9e: {  	s18 =	sld [smem:$0x3FDB];
	_ =	sdelay $0x1  }
0x9f: {  	s19 =	simm.s32 $_scs_section_size  }
0xa0: {  	s5 =	simm.s32 $_size__tile_overlayer_lowered;
	s6 =	simm.s32 $_tile_overlayer_lowered  }
0xa1: {  	s22 =	simm.s32 $0x1BFF;
	s21 =	sshll.u32 s6, $0x1;
	s3 =	sadd.s32 s19, s18  }
0xa2: {  	s7 =	simm.s32 $0x0;
	s20 =	sshll.u32 s5, $0x1;
	s5 =	sadd.s32 s21, s3  }
0xa3: {  	[timem:s7], [sflag:s22] =	dma.local [hbm:s5], s20  }
0xa4: {  	_ =	swait.ge [sflag:s22], s20  }
0xa5: {  	s4 =	ssub.s32 $0x0, s20;
	[sflag:s22] =	ssyncset.done $0x0  }
0xa6: {  	[sflag:s22] =	ssyncadd.s32 s4;
	_ =	sdelay $0x1  }
0xa7: {  	s23 =	simm.s32 $0x1B8B  }
0xa8: {  	_ =	swait.ge [sflag:s23], $0x1  }
0xa9: {  	[sflag:s23] =	ssyncset.done $0x0  }
0xaa: {  	s25 =	simm.s32 $0x1B8E;
	s24 =	sld [smem:$0x3FFE];
	[sflag:s23] =	ssyncadd.s32 $0xFFFFFFFF  }
0xab: {  	s26 =	simm.s32 $execute0_lowered;
	[smem:$0x3FD2] =	sst s25  }
0xac: {  	s5 =	sshll.u32 s26, $0x1;
	_ =	strace $0x80000049;
	[dreg:$0x1] =	wrdreg $0xFFFFFFFF  }
0xad: {  	s28 =	simm.s32 $_size_execute0_lowered;
	s3 =	sadd.s32 s3, s5;
	[dreg:$0x0] =	wrdreg $0x0  }
0xae: {  	s5 =	sshll.u32 s28, $0x1;
	[dreg:$0x2] =	wrdreg s3  }
0xaf: {  	[dreg:$0x3] =	wrdreg s5  }
0xb0: {  	[dreg:$0x4] =	wrdreg $0xC0  }
0xb1: {  	_ =	task [dreg:s7], $0x5FFFF  }
0xb2: {  	[dreg:$0x1] =	wrdreg $0xFFFFFFFF  }
0xb3: {  	[dreg:$0x0] =	wrdreg $0x60  }
0xb4: {  	[dreg:$0x2] =	wrdreg s24  }
0xb5: {  	[dreg:$0x3] =	wrdreg s16  }
0xb6: {  	[dreg:$0x4] =	wrdreg $0xB8000  }
0xb7: {  	[dreg:$0x5] =	wrdreg $0x9  }
0xb8: {  	_ =	task.clear_ibuf [dreg:s7], $0x6FFFF;
	_ =	strace $0x90000049  }
0xb9: {  	s29 =	simm.s32 $0x9;
	_ =	strace $0x8000004B  }
0xba: {  	_ =	swait.ge [sflag:s29], $0x1  }
0xbb: {  	[sflag:s29] =	ssyncadd.s32 $0xFFFFFFFF  }
0xbc: {  	_ =	strace $0x9000004B  }
0xbd: {  	_ =	sfence  }
0xbe: {  	s30 =	sld [smem:$0x0];
	_ =	sdelay $0x2  }
0xbf: {  	s31 =	sshll.u32 s1, $0xD;
	s1 =	sshrl.u32 s1, $0x2  }
0xc0: {  	s3 =	sand.u32 $0x4000, s31;
	s1 =	sadd.s32 s1, s30  }
0xc1: {  	s0 =	sor.u32 s3, s0;
	s1 =	sshll.u32 s1, $0x11  }
0xc2: {  	s0 =	sor.u32 s1, s0  }
0xc3: {  	s0 =	sadd.s32 $0x8F2B, s0  }
0xc4: {  	[sflag:s0] =	ssyncadd.remote.s32 $0x1  }
0xc5: {  	_ =	sfence.sel $0xFFFF  }
0xc6: {  	[dreg:$0x0] =	wrdreg $0xFFFFFFFF;
	(pc) =	sbr.abs _section_cstart, $3  }
0xc7: {  	[dreg:$0x1] =	wrdreg $0xFFFFFFFF  }
0xc8: {  	_ =	task.clear_ibuf [dreg:s7], $0x2FFFF;
	_ =	strace $0x9FFFFFFF  }
0xc9: {  	(tm) =	ssettm $0x7FFFFFFF  }
tec
execute0_lowered:
.L_overlay_start_1:
0x0: {  	(tag) =	ssettag $0x1  }
0x1: {  	s0 =	rddreg [dreg:$0x0]  }
0x2: {  	s1 =	rddreg [dreg:$0x1]  }
0x3: {  	s2 =	rddreg [dreg:$0x2]  }
0x4: {  	s4 =	srdreg.scid;
	s3 =	simm.s32 $0x0;
	s15 =	stileid.u32  }
0x5: {  	s28 =	simm.s32 $0x7;
	s29 =	simm.s32 $0x50;
	s30 =	simm.s32 $0x80  }
0x6: {  	s31 =	simm.s32 $0x6800;
	s4 =	sand.u32 $0x1, s4;
	s7 =	sshll.u32 s15, $0xB  }
0x7: {  	s8 =	sadd.s32 $0x3C00, s0;
	s26 =	sadd.s32 $0x3BC00, s0;
	s14 =	smul.u32 $0x14000, s15  }
0x8: {  	[smem:$0x7FF] =	sst s3;
	s5 =	ssub.s32 $0x2, s4;
	s6 =	sshll.u32 s4, $0xF  }
0x9: {  	s16 =	smul.u32 $0x140000, s4;
	s9 =	sshrl.u32 s5, $0x1;
	s6 =	sor.u32 s7, s6  }
0xa: {  	s4 =	sor.u32 $0x2800, s14;
	s10 =	sadd.s32 $0xA000, s14;
	s11 =	sadd.s32 $0xC800, s14  }
0xb: {  	s25 =	sadd.s32 $0x11800, s14;
	s7 =	simm.s32 $0x1;
	s5 =	ssub.s32 s5, s9  }
0xc: {  	s12 =	sadd.s32 s8, s6;
	s13 =	sadd.s32 s1, s6;
	s6 =	sor.u32 $0x400, s6  }
0xd: {  	s9 =	sadd.s32 s16, s14;
	s20 =	sadd.s32 s16, s10;
	[dreg:$0x4] =	wrdreg s12  }
0xe: {  	s21 =	sadd.s32 s16, s11;
	[dreg:$0x5] =	wrdreg s13;
	s8 =	sadd.s32 s8, s6  }
0xf: {  	s1 =	sadd.s32 s1, s6;
	s6 =	sadd.s32 $0x5000, s14;
	s12 =	sadd.s32 $0xF000, s14  }
0x10: {  	s13 =	sadd.s32 s16, s4;
	s9 =	sshrl.u32 s9, $0x3;
	[dreg:$0x6] =	wrdreg s8  }
0x11: {  	s23 =	sshrl.u32 s21, $0x3;
	[dreg:$0x7] =	wrdreg s1;
	s8 =	sadd.s32 $0x7800, s14  }
0x12: {  	s13 =	sshrl.u32 s13, $0x3;
	s14 =	sadd.s32 s16, s6;
	s9 =	sadd.s32 s26, s9  }
0x13: {  	s24 =	sadd.s32 s16, s12;
	s1 =	sadd.s32 s16, s25;
	s25 =	sadd.s32 s25, s2  }
0x14: {  	[dreg:$0x8] =	wrdreg s9;
	s17 =	sadd.s32 s26, s13;
	s18 =	sshrl.u32 s14, $0x3  }
0x15: {  	s19 =	sadd.s32 s16, s8;
	s13 =	sshrl.u32 s20, $0x3;
	s1 =	sshrl.u32 s1, $0x3  }
0x16: {  	s16 =	sadd.s32 $0x13C00, s0;
	s20 =	sadd.s32 s6, s2;
	s21 =	sadd.s32 s8, s2  }
0x17: {  	s0 =	simm.s32 $0x5;
	s6 =	simm.s32 $0x2;
	s8 =	simm.s32 $0x0  }
0x18: {  	[dreg:$0x9] =	wrdreg s17;
	s9 =	sadd.s32 s26, s18;
	s22 =	sadd.s32 s26, s13  }
0x19: {  	s17 =	smul.u32 $0x50000, s15;
	s15 =	sadd.s32 s26, s1;
	[dreg:$0xa] =	wrdreg s9  }
0x1a: {  	s1 =	simm.s32 $0x3;
	s9 =	sshrl.u32 s19, $0x3;
	[dreg:$0xc] =	wrdreg s22  }
0x1b: {  	s19 =	sadd.s32 s4, s2;
	s22 =	sadd.s32 s10, s2;
	s9 =	sadd.s32 s26, s9  }
.Ltmp0:
0x1c: {  	[dreg:$0xb] =	wrdreg s9;
	s9 =	sadd.s32 s26, s23;
	(pc) =	sbr.rel .LBB2_1-.Ltmp0, $4  }
0x1d: {  	s4 =	simm.s32 $0x9000;
	[dreg:$0xd] =	wrdreg s9;
	s9 =	sshrl.u32 s24, $0x3  }
0x1e: {  	s23 =	sadd.s32 s11, s2;
	s24 =	sadd.s32 s12, s2;
	s14 =	sadd.s32 s26, s9  }
0x1f: {  	_ =	strace $0x8000004A;
	s26 =	sshrl.u32 s17, $0x2;
	s17 =	smax.u32 s5, $0x1  }
0x20: {  	v0 =	vimm.f32 $0.0e+00;
	s5 =	simm.s32 $0x4;
	s18 =	sadd.s32 s26, s2;
	s26 =	simm.s32 $0x4000  }
.LBB2_17:
0x21: {  	_ =	swait.ge [sflag:s5], $0x2800  }
0x22: {  	[sflag:s5] =	ssyncset.done $0x0  }
0x23: {  	[sflag:s5] =	ssyncadd.s32 $0xFFFFD800  }
0x24: {  	[bflag:$0x0] =	sbarrier.arrive $0xFFFF  }
0x25: {  	[tilespmem:s26], [sflag:$0x7] =	stream.linear.gather [spmem:s18], $0x2800, $0x38;
	[tilespmem:$0x1F800] =	vst v63  }
0x26: {  	_ =	swait.ge [sflag:s28], $0x2800  }
0x27: {  	[sflag:s28] =	ssyncset.done $0x0  }
0x28: {  	s9 =	rddreg [dreg:$0x8];
	[sflag:s28] =	ssyncadd.s32 $0xFFFFD800  }
0x29: {  	[hbm4b:s9+s3] =	stream.linear.scatter [tilespmem:s26], [sflag:$0x7], $0x2800, $0x38;
	[tilespmem:$0x1F800] =	vst v63  }
0x2a: {  	_ =	swait.ge [sflag:s28], $0x2800  }
0x2b: {  	[sflag:s28] =	ssyncset.done $0x0  }
0x2c: {  	[sflag:s28] =	ssyncadd.s32 $0xFFFFD800  }
0x2d: {  	[tilespmem:s26], [sflag:$0x7] =	stream.linear.gather [spmem:s19], $0x2800, $0x38;
	[tilespmem:$0x1F800] =	vst v63  }
0x2e: {  	_ =	swait.ge [sflag:s28], $0x2800  }
0x2f: {  	[sflag:s28] =	ssyncset.done $0x0  }
0x30: {  	s13 =	rddreg [dreg:$0x9];
	[sflag:s28] =	ssyncadd.s32 $0xFFFFD800  }
0x31: {  	[hbm4b:s13+s3] =	stream.linear.scatter [tilespmem:s26], [sflag:$0x7], $0x2800, $0x38;
	[tilespmem:$0x1F800] =	vst v63  }
0x32: {  	_ =	swait.ge [sflag:s28], $0x2800  }
0x33: {  	[sflag:s28] =	ssyncset.done $0x0  }
0x34: {  	[sflag:s28] =	ssyncadd.s32 $0xFFFFD800  }
0x35: {  	[tilespmem:s26], [sflag:$0x7] =	stream.linear.gather [spmem:s20], $0x2800, $0x38;
	[tilespmem:$0x1F800] =	vst v63  }
0x36: {  	_ =	swait.ge [sflag:s28], $0x2800  }
0x37: {  	[sflag:s28] =	ssyncset.done $0x0  }
0x38: {  	s10 =	rddreg [dreg:$0xa];
	[sflag:s28] =	ssyncadd.s32 $0xFFFFD800  }
0x39: {  	[hbm4b:s10+s3] =	stream.linear.scatter [tilespmem:s26], [sflag:$0x7], $0x2800, $0x38;
	[tilespmem:$0x1F800] =	vst v63  }
0x3a: {  	_ =	swait.ge [sflag:s28], $0x2800  }
0x3b: {  	[sflag:s28] =	ssyncset.done $0x0  }
0x3c: {  	[sflag:s28] =	ssyncadd.s32 $0xFFFFD800  }
0x3d: {  	[tilespmem:s26], [sflag:$0x7] =	stream.linear.gather [spmem:s21], $0x2800, $0x38;
	[tilespmem:$0x1F800] =	vst v63  }
0x3e: {  	_ =	swait.ge [sflag:s28], $0x2800  }
0x3f: {  	[sflag:s28] =	ssyncset.done $0x0  }
0x40: {  	s11 =	rddreg [dreg:$0xb];
	[sflag:s28] =	ssyncadd.s32 $0xFFFFD800  }
0x41: {  	[hbm4b:s11+s3] =	stream.linear.scatter [tilespmem:s26], [sflag:$0x7], $0x2800, $0x38;
	[tilespmem:$0x1F800] =	vst v63  }
0x42: {  	_ =	swait.ge [sflag:s28], $0x2800  }
0x43: {  	[sflag:s28] =	ssyncset.done $0x0  }
0x44: {  	[sflag:s28] =	ssyncadd.s32 $0xFFFFD800  }
0x45: {  	[tilespmem:s26], [sflag:$0x7] =	stream.linear.gather [spmem:s22], $0x2800, $0x38;
	[tilespmem:$0x1F800] =	vst v63  }
0x46: {  	_ =	swait.ge [sflag:s28], $0x2800  }
0x47: {  	[sflag:s28] =	ssyncset.done $0x0  }
0x48: {  	s12 =	rddreg [dreg:$0xc];
	[sflag:s28] =	ssyncadd.s32 $0xFFFFD800  }
0x49: {  	[hbm4b:s12+s3] =	stream.linear.scatter [tilespmem:s26], [sflag:$0x7], $0x2800, $0x38;
	[tilespmem:$0x1F800] =	vst v63  }
0x4a: {  	_ =	swait.ge [sflag:s28], $0x2800  }
0x4b: {  	[sflag:s28] =	ssyncset.done $0x0  }
0x4c: {  	[sflag:s28] =	ssyncadd.s32 $0xFFFFD800  }
0x4d: {  	[tilespmem:s26], [sflag:$0x7] =	stream.linear.gather [spmem:s23], $0x2800, $0x38;
	[tilespmem:$0x1F800] =	vst v63  }
0x4e: {  	_ =	swait.ge [sflag:s28], $0x2800  }
0x4f: {  	[sflag:s28] =	ssyncset.done $0x0  }
0x50: {  	s13 =	rddreg [dreg:$0xd];
	[sflag:s28] =	ssyncadd.s32 $0xFFFFD800  }
0x51: {  	[hbm4b:s13+s3] =	stream.linear.scatter [tilespmem:s26], [sflag:$0x7], $0x2800, $0x38;
	[tilespmem:$0x1F800] =	vst v63  }
0x52: {  	_ =	swait.ge [sflag:s28], $0x2800  }
0x53: {  	[sflag:s28] =	ssyncset.done $0x0  }
0x54: {  	[sflag:s28] =	ssyncadd.s32 $0xFFFFD800  }
0x55: {  	[tilespmem:s26], [sflag:$0x7] =	stream.linear.gather [spmem:s24], $0x2800, $0x38;
	[tilespmem:$0x1F800] =	vst v63  }
0x56: {  	_ =	swait.ge [sflag:s28], $0x2800  }
0x57: {  	[sflag:s28] =	ssyncset.done $0x0  }
0x58: {  	[sflag:s28] =	ssyncadd.s32 $0xFFFFD800  }
0x59: {  	[hbm4b:s14+s3] =	stream.linear.scatter [tilespmem:s26], [sflag:$0x7], $0x2800, $0x38;
	[tilespmem:$0x1F800] =	vst v63  }
0x5a: {  	_ =	swait.ge [sflag:s28], $0x2800  }
0x5b: {  	[sflag:s28] =	ssyncset.done $0x0  }
0x5c: {  	[sflag:s28] =	ssyncadd.s32 $0xFFFFD800  }
0x5d: {  	[tilespmem:s26], [sflag:$0x7] =	stream.linear.gather [spmem:s25], $0x2800, $0x38;
	[tilespmem:$0x1F800] =	vst v63  }
0x5e: {  	s8 =	sadd.s32 $0x1, s8;
	_ =	swait.ge [sflag:s28], $0x2800  }
0x5f: {  	p0 =	sne.s32 s8, s17;
	[sflag:s28] =	ssyncset.done $0x0  }
.Ltmp1:
0x60: {  	[sflag:s28] =	ssyncadd.s32 $0xFFFFD800;
	(pc) =	sbr.rel @!p0 .LBB2_18-.Ltmp1, $4  }
0x61: {  	[hbm4b:s15+s3] =	stream.linear.scatter [tilespmem:s26], [sflag:$0x7], $0x2800, $0x38;
	[tilespmem:$0x1F800] =	vst v63  }
0x62: {  	_ =	swait.ge [sflag:s28], $0x2800  }
0x63: {  	[sflag:s28] =	ssyncset.done $0x0  }
0x64: {  	[sflag:s28] =	ssyncadd.s32 $0xFFFFD800  }
.LBB2_1:
0x65: {  	s9 =	simm.s32 $0x70;
	s10 =	simm.s32 $0x3C0  }
.LBB2_2:
0x66: {  	p0 =	sne.s32 s10, $0x9FC0;
	[tilespmem:s9+$0x4000] =	vst v0  }
0x67: {  	[tilespmem:s9+$0x3F90] =	vst v0  }
0x68: {  	[tilespmem:s9+$0x3FA0] =	vst v0  }
.Ltmp2:
0x69: {  	[tilespmem:s9+$0x3FB0] =	vst v0;
	(pc) =	sbr.rel @p0 .LBB2_2-.Ltmp2, $4  }
0x6a: {  	[tilespmem:s9+$0x3FC0] =	vst v0  }
0x6b: {  	[tilespmem:s9+$0x3FD0] =	vst v0  }
0x6c: {  	[tilespmem:s9+$0x3FE0] =	vst v0  }
0x6d: {  	[tilespmem:s9+$0x3FF0] =	vst v0;
	s9 =	sshra.s32 s10, $0x2;
	s10 =	sadd.s32 $0x200, s10  }
0x6e: {  	[tilespmem:s9+$0x4000] =	vst v0  }
0x6f: {  	[tilespmem:s9+$0x3F90] =	vst v0  }
0x70: {  	[tilespmem:s9+$0x3FA0] =	vst v0  }
0x71: {  	[tilespmem:s9+$0x3FB0] =	vst v0  }
0x72: {  	[tilespmem:s9+$0x3FC0] =	vst v0  }
0x73: {  	[tilespmem:s9+$0x3FD0] =	vst v0  }
0x74: {  	[tilespmem:s9+$0x3FE0] =	vst v0  }
0x75: {  	[tilespmem:s9+$0x3FF0] =	vst v0  }
0x76: {  	[spmem:s18] =	stream.linear.scatter [tilespmem:s26], [sflag:$0x7], $0x2800, $0x38;
	[tilespmem:$0x1F800] =	vst v63  }
0x77: {  	_ =	swait.ge [sflag:s28], $0x2800  }
0x78: {  	[sflag:s28] =	ssyncset.done $0x0  }
0x79: {  	[sflag:s28] =	ssyncadd.s32 $0xFFFFD800  }
0x7a: {  	[spmem:s19] =	stream.linear.scatter [tilespmem:s26], [sflag:$0x7], $0x2800, $0x38;
	[tilespmem:$0x1F800] =	vst v63  }
0x7b: {  	_ =	swait.ge [sflag:s28], $0x2800  }
0x7c: {  	[sflag:s28] =	ssyncset.done $0x0  }
0x7d: {  	[sflag:s28] =	ssyncadd.s32 $0xFFFFD800  }
0x7e: {  	[spmem:s20] =	stream.linear.scatter [tilespmem:s26], [sflag:$0x7], $0x2800, $0x38;
	[tilespmem:$0x1F800] =	vst v63  }
0x7f: {  	_ =	swait.ge [sflag:s28], $0x2800  }
0x80: {  	[sflag:s28] =	ssyncset.done $0x0  }
0x81: {  	[sflag:s28] =	ssyncadd.s32 $0xFFFFD800  }
0x82: {  	[spmem:s21] =	stream.linear.scatter [tilespmem:s26], [sflag:$0x7], $0x2800, $0x38;
	[tilespmem:$0x1F800] =	vst v63  }
0x83: {  	_ =	swait.ge [sflag:s28], $0x2800  }
0x84: {  	[sflag:s28] =	ssyncset.done $0x0  }
0x85: {  	[sflag:s28] =	ssyncadd.s32 $0xFFFFD800  }
0x86: {  	[spmem:s22] =	stream.linear.scatter [tilespmem:s26], [sflag:$0x7], $0x2800, $0x38;
	[tilespmem:$0x1F800] =	vst v63  }
0x87: {  	_ =	swait.ge [sflag:s28], $0x2800  }
0x88: {  	[sflag:s28] =	ssyncset.done $0x0  }
0x89: {  	[sflag:s28] =	ssyncadd.s32 $0xFFFFD800  }
0x8a: {  	[spmem:s23] =	stream.linear.scatter [tilespmem:s26], [sflag:$0x7], $0x2800, $0x38;
	[tilespmem:$0x1F800] =	vst v63  }
0x8b: {  	_ =	swait.ge [sflag:s28], $0x2800  }
0x8c: {  	[sflag:s28] =	ssyncset.done $0x0  }
0x8d: {  	[sflag:s28] =	ssyncadd.s32 $0xFFFFD800  }
0x8e: {  	[spmem:s24] =	stream.linear.scatter [tilespmem:s26], [sflag:$0x7], $0x2800, $0x38;
	[tilespmem:$0x1F800] =	vst v63  }
0x8f: {  	_ =	swait.ge [sflag:s28], $0x2800  }
0x90: {  	[sflag:s28] =	ssyncset.done $0x0  }
0x91: {  	[sflag:s28] =	ssyncadd.s32 $0xFFFFD800  }
0x92: {  	[spmem:s25] =	stream.linear.scatter [tilespmem:s26], [sflag:$0x7], $0x2800, $0x38;
	[tilespmem:$0x1F800] =	vst v63  }
0x93: {  	_ =	swait.ge [sflag:s28], $0x2800  }
0x94: {  	[sflag:s28] =	ssyncset.done $0x0  }
0x95: {  	[sflag:s28] =	ssyncadd.s32 $0xFFFFD800  }
0x96: {  	[bflag:$0x0] =	sbarrier.arrive $0xFFFF  }
0x97: {  	s9 =	simm.s32 $0x0;
	s10 =	rddreg [dreg:$0x4]  }
0x98: {  	[tilespmem:s9], [sflag:$0x7] =	stream.linear.gather [hbm4b:s10+s9], $0x2000, $0x38;
	[tilespmem:$0x1F800] =	vst v63  }
0x99: {  	_ =	swait.ge [sflag:s28], $0x2000  }
0x9a: {  	[sflag:s28] =	ssyncset.done $0x0  }
0x9b: {  	s10 =	simm.s32 $0x2000;
	s11 =	rddreg [dreg:$0x5];
	[sflag:s28] =	ssyncadd.s32 $0xFFFFE000  }
0x9c: {  	[tilespmem:s10], [sflag:$0x7] =	stream.linear.gather [hbm4b:s11+s9], $0x2000, $0x38;
	[tilespmem:$0x1F800] =	vst v63  }
0x9d: {  	_ =	swait.ge [sflag:s28], $0x2000  }
.Ltmp3:
0x9e: {  	[sflag:s28] =	ssyncset.done $0x0;
	(pc) =	sbr.rel .LBB2_4-.Ltmp3, $4  }
0x9f: {  	[sflag:s28] =	ssyncadd.s32 $0xFFFFE000  }
0xa0: {  	[tilespmem:s26], [sflag:$0x1] =	stream.indirect.gather [hbm4b:s16+s29], $0x80, s9, s29, $0xb8;
	[tilespmem:$0x1F800] =	vst v63  }
0xa1: {  	s11 =	simm.s32 $0x100  }
0xa2: {  	[tilespmem:s31], [sflag:$0x2] =	stream.indirect.gather [hbm4b:s16+s29], $0x80, s30, s29, $0xb8;
	[tilespmem:$0x1F800] =	vst v63  }
.LBB2_8:
0xa3: {  	_ =	swait.ge [sflag:s0], $0x2800  }
0xa4: {  	p0 =	sgt.u32 s9, $0x3D;
	[sflag:s0] =	ssyncset.done $0x0  }
0xa5: {  	s12 =	simm.s32 @!p0 $0x50;
	s13 =	simm.s32 @!p0 $0x6800;
	[sflag:s0] =	ssyncadd.s32 $0xFFFFD800  }
0xa6: {  	[tilespmem:s13], [sflag:$0x2] =	stream.indirect.gather @!p0 [hbm4b:s16+s12], $0x80, s11, s12, $0xb8;
	[tilespmem:$0x1F800] =	vst v63  }
0xa7: {  	_ =	swait.ge [sflag:s1], $0x2800  }
0xa8: {  	[sflag:s1] =	ssyncset.done $0x0  }
0xa9: {  	[sflag:s1] =	ssyncadd.s32 $0xFFFFD800  }
0xaa: {  	[spmem:s2] =	stream.indirect.scatter.add.f32 [tilespmem:s4], [sflag:$0x6], $0x80, s10, s29, $0xb8;
	[tilespmem:$0x1F800] =	vst v63  }
.LBB2_9:
0xab: {  	s9 =	sadd.s32 $0x1, s9  }
0xac: {  	p0 =	sne.s32 s9, $0x40  }
.Ltmp4:
0xad: {  	_ = 	snop;
	(pc) =	sbr.rel @!p0 .LBB2_10-.Ltmp4, $2  }
0xae: {  	_ =	sdelay $0x2  }
0xaf: {  	s10 =	sadd.s32 $0x80, s10;
	s11 =	sadd.s32 $0x80, s11  }
.LBB2_4:
0xb0: {  	s12 =	smul.u32 $0xAB, s9;
	_ =	sdelay $0x1  }
0xb1: {  	s12 =	sshrl.u32 s12, $0x9  }
0xb2: {  	s12 =	sand.u32 $0x7F, s12  }
0xb3: {  	s12 =	smul.u32 $0x3, s12;
	_ =	sdelay $0x1  }
0xb4: {  	s12 =	ssub.s32 s9, s12  }
0xb5: {  	s12 =	sand.u32 $0xFF, s12  }
0xb6: {  	p0 =	seq.s32 s12, $0x2  }
.Ltmp5:
0xb7: {  	_ = 	snop;
	(pc) =	sbr.rel @p0 .LBB2_8-.Ltmp5, $1  }
0xb8: {  	_ =	sdelay $0x3  }
0xb9: {  	p0 =	seq.s32 s12, $0x1  }
.Ltmp6:
0xba: {  	_ = 	snop;
	(pc) =	sbr.rel @!p0 .LBB2_6-.Ltmp6, $1  }
0xbb: {  	_ =	sdelay $0x3  }
0xbc: {  	_ =	swait.ge [sflag:s5], $0x2800  }
0xbd: {  	p0 =	sgt.u32 s9, $0x3D;
	[sflag:s5] =	ssyncset.done $0x0  }
0xbe: {  	s12 =	simm.s32 @!p0 $0x50;
	s13 =	simm.s32 @!p0 $0x4000;
	[sflag:s5] =	ssyncadd.s32 $0xFFFFD800  }
0xbf: {  	[tilespmem:s13], [sflag:$0x1] =	stream.indirect.gather @!p0 [hbm4b:s16+s12], $0x80, s11, s12, $0xb8;
	[tilespmem:$0x1F800] =	vst v63  }
.Ltmp7:
0xc0: {  	_ = 	snop;
	(pc) =	sbr.rel .LBB2_9-.Ltmp7, $4  }
0xc1: {  	_ =	swait.ge [sflag:s6], $0x2800  }
0xc2: {  	[sflag:s6] =	ssyncset.done $0x0  }
0xc3: {  	[sflag:s6] =	ssyncadd.s32 $0xFFFFD800  }
0xc4: {  	[spmem:s2] =	stream.indirect.scatter.add.f32 [tilespmem:s31], [sflag:$0x5], $0x80, s10, s29, $0xb8;
	[tilespmem:$0x1F800] =	vst v63  }
.LBB2_6:
0xc5: {  	p0 =	seq.s32 s9, $0x0  }
0xc6: {  	s12 =	simm.s32 @!p0 $0x6  }
0xc7: {  	_ =	swait.ge @!p0 [sflag:s12], $0x2800  }
0xc8: {  	p1 =	sgt.u32 @!p0 s9, $0x3D;
	[sflag:s12] =	ssyncset.done @!p0 $0x0  }
0xc9: {  	p1 =	por p0, !p1;
	[sflag:s12] =	ssyncadd.s32 @!p0 $0xFFFFD800  }
0xca: {  	[tilespmem:s4], [sflag:$0x3] =	stream.indirect.gather @p1 [hbm4b:s16+s29], $0x80, s11, s29, $0xb8;
	[tilespmem:$0x1F800] =	vst v63  }
.Ltmp8:
0xcb: {  	_ = 	snop;
	(pc) =	sbr.rel .LBB2_9-.Ltmp8, $4  }
0xcc: {  	_ =	swait.ge [sflag:s7], $0x2800  }
0xcd: {  	[sflag:s7] =	ssyncset.done $0x0  }
0xce: {  	[sflag:s7] =	ssyncadd.s32 $0xFFFFD800  }
0xcf: {  	[spmem:s2] =	stream.indirect.scatter.add.f32 [tilespmem:s26], [sflag:$0x4], $0x80, s10, s29, $0xb8;
	[tilespmem:$0x1F800] =	vst v63  }
.LBB2_10:
0xd0: {  	_ =	swait.ge [sflag:s5], $0x2800  }
0xd1: {  	[sflag:s5] =	ssyncset.done $0x0  }
0xd2: {  	s9 =	simm.s32 $0x0;
	s10 =	rddreg [dreg:$0x6];
	[sflag:s5] =	ssyncadd.s32 $0xFFFFD800  }
0xd3: {  	[tilespmem:s9], [sflag:$0x7] =	stream.linear.gather [hbm4b:s10+s9], $0x1E80, $0x38;
	[tilespmem:$0x1F800] =	vst v63  }
0xd4: {  	_ =	swait.ge [sflag:s28], $0x1E80  }
0xd5: {  	[sflag:s28] =	ssyncset.done $0x0  }
0xd6: {  	s10 =	simm.s32 $0x2000;
	s11 =	rddreg [dreg:$0x7];
	[sflag:s28] =	ssyncadd.s32 $0xFFFFE180  }
0xd7: {  	[tilespmem:s10], [sflag:$0x7] =	stream.linear.gather [hbm4b:s11+s9], $0x1E80, $0x38;
	[tilespmem:$0x1F800] =	vst v63  }
0xd8: {  	_ =	swait.ge [sflag:s28], $0x1E80  }
.Ltmp9:
0xd9: {  	[sflag:s28] =	ssyncset.done $0x0;
	(pc) =	sbr.rel .LBB2_11-.Ltmp9, $4  }
0xda: {  	[sflag:s28] =	ssyncadd.s32 $0xFFFFE180  }
0xdb: {  	[tilespmem:s26], [sflag:$0x1] =	stream.indirect.gather [hbm4b:s16+s29], $0x80, s9, s29, $0xb8;
	[tilespmem:$0x1F800] =	vst v63  }
0xdc: {  	s11 =	simm.s32 $0x100  }
0xdd: {  	[tilespmem:s31], [sflag:$0x2] =	stream.indirect.gather [hbm4b:s16+s29], $0x80, s30, s29, $0xb8;
	[tilespmem:$0x1F800] =	vst v63  }
.LBB2_15:
0xde: {  	_ =	swait.ge [sflag:s0], $0x2800  }
0xdf: {  	p0 =	sgt.u32 s9, $0x3A;
	[sflag:s0] =	ssyncset.done $0x0  }
0xe0: {  	s12 =	simm.s32 @!p0 $0x50;
	s13 =	simm.s32 @!p0 $0x6800;
	[sflag:s0] =	ssyncadd.s32 $0xFFFFD800  }
0xe1: {  	[tilespmem:s13], [sflag:$0x2] =	stream.indirect.gather @!p0 [hbm4b:s16+s12], $0x80, s11, s12, $0xb8;
	[tilespmem:$0x1F800] =	vst v63  }
0xe2: {  	_ =	swait.ge [sflag:s1], $0x2800  }
0xe3: {  	[sflag:s1] =	ssyncset.done $0x0  }
0xe4: {  	[sflag:s1] =	ssyncadd.s32 $0xFFFFD800  }
0xe5: {  	[spmem:s2] =	stream.indirect.scatter.add.f32 [tilespmem:s4], [sflag:$0x6], $0x80, s10, s29, $0xb8;
	[tilespmem:$0x1F800] =	vst v63  }
.LBB2_16:
0xe6: {  	s9 =	sadd.s32 $0x1, s9  }
0xe7: {  	p0 =	sne.s32 s9, $0x3D  }
.Ltmp10:
0xe8: {  	_ = 	snop;
	(pc) =	sbr.rel @!p0 .LBB2_17-.Ltmp10, $2  }
0xe9: {  	_ =	sdelay $0x2  }
0xea: {  	s10 =	sadd.s32 $0x80, s10;
	s11 =	sadd.s32 $0x80, s11  }
.LBB2_11:
0xeb: {  	s12 =	smul.u32 $0xAB, s9;
	_ =	sdelay $0x1  }
0xec: {  	s12 =	sshrl.u32 s12, $0x9  }
0xed: {  	s12 =	sand.u32 $0x7F, s12  }
0xee: {  	s12 =	smul.u32 $0x3, s12;
	_ =	sdelay $0x1  }
0xef: {  	s12 =	ssub.s32 s9, s12  }
0xf0: {  	s12 =	sand.u32 $0xFF, s12  }
0xf1: {  	p0 =	seq.s32 s12, $0x2  }
.Ltmp11:
0xf2: {  	_ = 	snop;
	(pc) =	sbr.rel @p0 .LBB2_15-.Ltmp11, $1  }
0xf3: {  	_ =	sdelay $0x3  }
0xf4: {  	p0 =	seq.s32 s12, $0x1  }
.Ltmp12:
0xf5: {  	_ = 	snop;
	(pc) =	sbr.rel @!p0 .LBB2_13-.Ltmp12, $1  }
0xf6: {  	_ =	sdelay $0x3  }
0xf7: {  	_ =	swait.ge [sflag:s5], $0x2800  }
0xf8: {  	p0 =	sgt.u32 s9, $0x3A;
	[sflag:s5] =	ssyncset.done $0x0  }
0xf9: {  	s12 =	simm.s32 @!p0 $0x50;
	s13 =	simm.s32 @!p0 $0x4000;
	[sflag:s5] =	ssyncadd.s32 $0xFFFFD800  }
0xfa: {  	[tilespmem:s13], [sflag:$0x1] =	stream.indirect.gather @!p0 [hbm4b:s16+s12], $0x80, s11, s12, $0xb8;
	[tilespmem:$0x1F800] =	vst v63  }
.Ltmp13:
0xfb: {  	_ = 	snop;
	(pc) =	sbr.rel .LBB2_16-.Ltmp13, $4  }
0xfc: {  	_ =	swait.ge [sflag:s6], $0x2800  }
0xfd: {  	[sflag:s6] =	ssyncset.done $0x0  }
0xfe: {  	[sflag:s6] =	ssyncadd.s32 $0xFFFFD800  }
0xff: {  	[spmem:s2] =	stream.indirect.scatter.add.f32 [tilespmem:s31], [sflag:$0x5], $0x80, s10, s29, $0xb8;
	[tilespmem:$0x1F800] =	vst v63  }
.LBB2_13:
0x100: {  	p0 =	seq.s32 s9, $0x0  }
0x101: {  	s12 =	simm.s32 @!p0 $0x6  }
0x102: {  	_ =	swait.ge @!p0 [sflag:s12], $0x2800  }
0x103: {  	p1 =	sgt.u32 @!p0 s9, $0x3A;
	[sflag:s12] =	ssyncset.done @!p0 $0x0  }
0x104: {  	p1 =	por p0, !p1;
	[sflag:s12] =	ssyncadd.s32 @!p0 $0xFFFFD800  }
0x105: {  	[tilespmem:s4], [sflag:$0x3] =	stream.indirect.gather @p1 [hbm4b:s16+s29], $0x80, s11, s29, $0xb8;
	[tilespmem:$0x1F800] =	vst v63  }
.Ltmp14:
0x106: {  	_ = 	snop;
	(pc) =	sbr.rel .LBB2_16-.Ltmp14, $4  }
0x107: {  	_ =	swait.ge [sflag:s7], $0x2800  }
0x108: {  	[sflag:s7] =	ssyncset.done $0x0  }
0x109: {  	[sflag:s7] =	ssyncadd.s32 $0xFFFFD800  }
0x10a: {  	[spmem:s2] =	stream.indirect.scatter.add.f32 [tilespmem:s26], [sflag:$0x4], $0x80, s10, s29, $0xb8;
	[tilespmem:$0x1F800] =	vst v63  }
.LBB2_18:
0x10b: {  	_ =	sfence.sel $0x180000  }
0x10c: {  	[bflag:$0x0] =	sbarrier.arrive $0xFFFF  }
0x10d: {  	_ =	strace $0x9000004A  }
0x10e: {  	s0 =	stileid.u32;
	[bflag:$0x2] =	sbarrier.arrive $0xFFFF  }
0x10f: {  	p0 =	sne.s32 s0, $0x0;
	s0 =	rddreg [dreg:$0x3]  }
0x110: {  	s0 =	sadd.s32 @!p0 $0x100000, s0  }
0x111: {  	[sflag:s0] =	ssyncadd.tile.s32 @!p0 $0x1;
	_ =	shalt  }
.Lfunc_end2:
_tile_overlayer_lowered:
.L_overlay_start_2:
0x112: {  	(tag) =	ssettag $0x2  }
0x113: {  	s0 =	rddreg [dreg:$0x0];
	s2 =	stileid.u32  }
0x114: {  	s1 =	rddreg [dreg:$0x1];
	p0 =	sne.s32 s2, $0x0  }
0x115: {  	s3 =	rddreg [dreg:$0x2];
	[bflag:$0x3] =	sbarrier.arrive $0xFFFF;
	s2 =	simm.s32 @!p0 $0x1C07  }
0x116: {  	[timem:s3], [sflag:s2] =	dma.local @!p0 [hbm:s0], s1  }
0x117: {  	s0 =	simm.s32 @!p0 $0x7  }
0x118: {  	_ =	swait.ge @!p0 [sflag:s0], s1  }
0x119: {  	s1 =	ssub.s32 @!p0 $0x0, s1;
	[sflag:s0] =	ssyncset.done @!p0 $0x0  }
0x11a: {  	[sflag:s0] =	ssyncadd.s32 @!p0 s1  }
0x11b: {  	[bflag:$0x3] =	sbarrier.arrive $0xFFFF  }
0x11c: {  	_ =	shalt  }

// kernel: kernel.14.cloned.1.call-start
scs
__scs_entry_jumppad:
0x0: {  	(pc) =	sbr.rel $0x88, $3  }
0x1: {  	(tag) =	ssettag $0x0;
	lr =	simm.s32 $0x1  }
0x2: {  	[smem:$0x3F9A] =	sst lr;
	_ =	strace $0xD0000000  }
0x3: {  	_ = 	snop  }
0x4: {  	_ = 	snop  }
0x5: {  	_ = 	snop  }
0x6: {  	_ = 	snop  }
0x7: {  	_ = 	snop  }
__scs_overlays_trampoline_lowered:
0x8: {  	[smem:$0x3FA9] =	sst s0  }
0x9: {  	[smem:$0x3FAA] =	sst s1  }
0xa: {  	[smem:$0x3FAB] =	sst s2  }
0xb: {  	[smem:$0x3FAC] =	sst s3  }
0xc: {  	[smem:$0x3FAD] =	sst s4  }
0xd: {  	[smem:$0x3FAE] =	sst s5  }
0xe: {  	[smem:$0x3FAF] =	sst s6  }
0xf: {  	[smem:$0x3FB0] =	sst s7  }
0x10: {  	[smem:$0x3FB1] =	sst s8  }
0x11: {  	[smem:$0x3FB2] =	sst s9;
	s0 =	simm.s32 @!p0 $0x0  }
0x12: {  	s1 =	sld [smem:$0x3F98];
	s0 =	simm.s32 @p0 $0x1  }
0x13: {  	[smem:$0x3FB3] =	sst s0;
	s0 =	simm.s32 @!p1 $0x0  }
0x14: {  	s2 =	sld [smem:$0x3F97];
	s0 =	simm.s32 @p1 $0x1  }
0x15: {  	[smem:$0x3FB4] =	sst s0;
	s0 =	simm.s32 @!p2 $0x0  }
0x16: {  	s3 =	sld [smem:$0x3FDB];
	s0 =	simm.s32 @p2 $0x1  }
0x17: {  	s4 =	simm.s32 $0x1BF5;
	[smem:$0x3FB6] =	sst s0  }
0x18: {  	s0 =	sld [smem:$0x3F99];
	_ =	swait.ge [sflag:s4], $0x0  }
0x19: {  	s7 =	sld [smem:$0x3F9A]  }
0x1a: {  	s8 =	sadd.s32 $0xFFFFE003, lr  }
0x1b: {  	s9 =	sadd.s32 $0xFFFFFEF7, lr;
	s5 =	simm.s32 $0xFFFFFFFF;
	p2 =	slt.u32 s8, $0xFFFFF086  }
0x1c: {  	p1 =	slt.u32 s9, $0xF7A;
	s5 =	simm.s32 @!p2 $0x0  }
0x1d: {  	s5 =	simm.s32 @p1 $0x1;
	p0 =	seq.s32 s7, s2  }
0x1e: {  	s7 =	smul.u32 @!p0 $0xF7A, s2;
	p2 =	seq.s32 @!p0 s5, $0x0  }
0x1f: {  	s9 =	smul.u32 $0xF7A, s1;
	s8 =	simm.s32 @!p0 $0x1BF5;
	p2 =	por !p2, p0  }
0x20: {  	[sflag:s8] =	ssyncset.s32 @!p0 $0xFFFFF086;
	s6 =	sadd.s32 @!p0 s3, s7;
	s7 =	simm.s32 @!p0 $0x108  }
0x21: {  	s3 =	sadd.s32 s3, s9;
	s6 =	sadd.s32 @!p0 $0x88, s6;
	s7 =	simm.s32 @p2 $0x1082  }
0x22: {  	[simem:s7], [sflag:s8] =	dma.local @!p0 [hbm:s6], $0xF7A  }
0x23: {  	s9 =	sor.u32 $0xD0000000, s2;
	s6 =	simm.s32 $0x108;
	_ =	swait.ge @!p0 [sflag:s8], $0x0  }
0x24: {  	s3 =	sadd.s32 $0x88, s3;
	s6 =	simm.s32 @!p1 $0x1082;
	[sflag:s4] =	ssyncset.s32 $0xFFFFF086  }
0x25: {  	[simem:s6], [sflag:s4] =	dma.local [hbm:s3], $0xF7A  }
0x26: {  	[smem:$0x3F9A] =	sst s1;
	(tag) =	ssettag s2;
	_ =	strace s9  }
0x27: {  	s1 =	sld [smem:$0x3FAA]  }
0x28: {  	s2 =	sld [smem:$0x3FAB]  }
0x29: {  	s4 =	sld [smem:$0x3FAD]  }
0x2a: {  	p0 =	seq.s32 s5, $0x0;
	s5 =	sld [smem:$0x3FAE]  }
0x2b: {  	s6 =	sld [smem:$0x3FAF]  }
0x2c: {  	s7 =	sld [smem:$0x3FB0]  }
0x2d: {  	s3 =	simm.s32 $0x108;
	s8 =	sld [smem:$0x3FB1]  }
0x2e: {  	s3 =	simm.s32 @!p0 $0x1082;
	s9 =	sld [smem:$0x3FB2]  }
0x2f: {  	lr =	sadd.s32 s0, s3;
	s0 =	sld [smem:$0x3FA9]  }
0x30: {  	s3 =	sld [smem:$0x3FAC]  }
0x31: {  	[smem:$0x3FB5] =	sst s10  }
0x32: {  	s10 =	sld [smem:$0x3FB3];
	_ =	sdelay $0x3  }
0x33: {  	p0 =	seq.s32 s10, $0x1;
	s10 =	sld [smem:$0x3FB5];
	_ =	sdelay $0x3  }
0x34: {  	[smem:$0x3FB5] =	sst s10  }
0x35: {  	s10 =	sld [smem:$0x3FB4];
	_ =	sdelay $0x3  }
0x36: {  	p1 =	seq.s32 s10, $0x1;
	s10 =	sld [smem:$0x3FB5];
	_ =	sdelay $0x3  }
0x37: {  	[smem:$0x3FB5] =	sst s10  }
0x38: {  	s10 =	sld [smem:$0x3FB6]  }
0x39: {  	_ = 	snop;
	(pc) =	sbr.ind lr, $3  }
0x3a: {  	_ = 	snop  }
0x3b: {  	_ = 	snop  }
0x3c: {  	p2 =	seq.s32 s10, $0x1;
	s10 =	sld [smem:$0x3FB5]  }
0x3d: {  	_ =	shalt  }
0x3e: {  	_ =	shalt  }
0x3f: {  	_ =	shalt  }
0x40: {  	_ =	shalt  }
0x41: {  	_ =	shalt  }
0x42: {  	_ =	shalt  }
0x43: {  	_ =	shalt  }
0x44: {  	_ =	shalt  }
0x45: {  	_ =	shalt  }
0x46: {  	_ =	shalt  }
0x47: {  	_ =	shalt  }
0x48: {  	_ =	shalt  }
0x49: {  	_ =	shalt  }
0x4a: {  	_ =	shalt  }
0x4b: {  	_ =	shalt  }
0x4c: {  	_ =	shalt  }
0x4d: {  	_ =	shalt  }
0x4e: {  	_ =	shalt  }
0x4f: {  	_ =	shalt  }
0x50: {  	_ =	shalt  }
0x51: {  	_ =	shalt  }
0x52: {  	_ =	shalt  }
0x53: {  	_ =	shalt  }
0x54: {  	_ =	shalt  }
0x55: {  	_ =	shalt  }
0x56: {  	_ =	shalt  }
0x57: {  	_ =	shalt  }
0x58: {  	_ =	shalt  }
0x59: {  	_ =	shalt  }
0x5a: {  	_ =	shalt  }
0x5b: {  	_ =	shalt  }
0x5c: {  	_ =	shalt  }
0x5d: {  	_ =	shalt  }
0x5e: {  	_ =	shalt  }
0x5f: {  	_ =	shalt  }
0x60: {  	_ =	shalt  }
0x61: {  	_ =	shalt  }
0x62: {  	_ =	shalt  }
0x63: {  	_ =	shalt  }
0x64: {  	_ =	shalt  }
0x65: {  	_ =	shalt  }
0x66: {  	_ =	shalt  }
0x67: {  	_ =	shalt  }
0x68: {  	_ =	shalt  }
0x69: {  	_ =	shalt  }
0x6a: {  	_ =	shalt  }
0x6b: {  	_ =	shalt  }
0x6c: {  	_ =	shalt  }
0x6d: {  	_ =	shalt  }
0x6e: {  	_ =	shalt  }
0x6f: {  	_ =	shalt  }
0x70: {  	_ =	shalt  }
0x71: {  	_ =	shalt  }
0x72: {  	_ =	shalt  }
0x73: {  	_ =	shalt  }
0x74: {  	_ =	shalt  }
0x75: {  	_ =	shalt  }
0x76: {  	_ =	shalt  }
0x77: {  	_ =	shalt  }
0x78: {  	_ =	shalt  }
0x79: {  	_ =	shalt  }
0x7a: {  	_ =	shalt  }
0x7b: {  	_ =	shalt  }
0x7c: {  	_ =	shalt  }
0x7d: {  	_ =	shalt  }
0x7e: {  	_ =	shalt  }
0x7f: {  	_ =	shalt  }
0x80: {  	_ =	shalt  }
0x81: {  	_ =	shalt  }
0x82: {  	_ =	shalt  }
0x83: {  	_ =	shalt  }
0x84: {  	_ =	shalt  }
0x85: {  	_ =	shalt  }
0x86: {  	_ =	shalt  }
0x87: {  	_ =	shalt  }
.Lfunc_end0:
.L_simem_size_0:
called_computation.2_lowered:
.L_overlay_start_0:
0x88: {  	s2 =	sld [smem:$0x3FD9]  }
0x89: {  	s3 =	sld [smem:$0x3FFE];
	_ =	sdelay $0x1  }
0x8a: {  	s1 =	srdreg.scid  }
0x8b: {  	s0 =	sand.u32 $0x1, s1  }
0x8c: {  	s14 =	sshll.u32 s0, $0xA;
	s2 =	sadd.s32 s3, s2  }
0x8d: {  	s2 =	sadd.s32 s2, s14  }
0x8e: {  	[smem:$0x3FC1] =	sst s2  }
0x8f: {  	_ = 	snop  }
0x90: {  	s2 =	sld [smem:$0x3FD0];
	_ =	sdelay $0x2  }
0x91: {  	s15 =	simm.s32 $0xA;
	s4 =	simm.s32 $0x10  }
0x92: {  	[smem:s4], [sflag:s15] =	dma.local [hbm:s2], $0x1  }
0x93: {  	_ =	swait.eq [sflag:s15], $0x1  }
0x94: {  	[sflag:s15] =	ssyncset.done $0x0  }
0x95: {  	[sflag:s15] =	ssyncadd.s32 $0xFFFFFFFF  }
0x96: {  	s16 =	sld [smem:$0x10];
	(tm) =	ssettm $0x1  }
0x97: {  	s17 =	sld [smem:$0x3FFB];
	_ =	sdelay $0x3  }
0x98: {  	_ =	strace s17  }
0x99: {  	s3 =	sld [smem:$0x3FFC];
	_ =	sdelay $0x3  }
0x9a: {  	_ =	strace s3  }
0x9b: {  	s3 =	sld [smem:$0x3FFD];
	_ =	sdelay $0x3  }
0x9c: {  	_ =	strace s3  }
0x9d: {  	_ =	strace $0x8FFFFFFF  }
0x9e: {  	s18 =	sld [smem:$0x3FDB];
	_ =	sdelay $0x1  }
0x9f: {  	s19 =	simm.s32 $_scs_section_size  }
0xa0: {  	s5 =	simm.s32 $_size__tile_overlayer_lowered;
	s6 =	simm.s32 $_tile_overlayer_lowered  }
0xa1: {  	s22 =	simm.s32 $0x1BFF;
	s21 =	sshll.u32 s6, $0x1;
	s3 =	sadd.s32 s19, s18  }
0xa2: {  	s7 =	simm.s32 $0x0;
	s20 =	sshll.u32 s5, $0x1;
	s5 =	sadd.s32 s21, s3  }
0xa3: {  	[timem:s7], [sflag:s22] =	dma.local [hbm:s5], s20  }
0xa4: {  	_ =	swait.ge [sflag:s22], s20  }
0xa5: {  	s4 =	ssub.s32 $0x0, s20;
	[sflag:s22] =	ssyncset.done $0x0  }
0xa6: {  	[sflag:s22] =	ssyncadd.s32 s4;
	_ =	sdelay $0x1  }
0xa7: {  	s23 =	simm.s32 $0x1B8B  }
0xa8: {  	_ =	swait.ge [sflag:s23], $0x1  }
0xa9: {  	[sflag:s23] =	ssyncset.done $0x0  }
0xaa: {  	s25 =	simm.s32 $0x1B8E;
	s24 =	sld [smem:$0x3FFE];
	[sflag:s23] =	ssyncadd.s32 $0xFFFFFFFF  }
0xab: {  	s26 =	simm.s32 $execute0_lowered;
	[smem:$0x3FD2] =	sst s25  }
0xac: {  	s5 =	sshll.u32 s26, $0x1;
	_ =	strace $0x8000004C;
	[dreg:$0x1] =	wrdreg $0xFFFFFFFF  }
0xad: {  	s28 =	simm.s32 $_size_execute0_lowered;
	s3 =	sadd.s32 s3, s5;
	[dreg:$0x0] =	wrdreg $0x0  }
0xae: {  	s5 =	sshll.u32 s28, $0x1;
	[dreg:$0x2] =	wrdreg s3  }
0xaf: {  	[dreg:$0x3] =	wrdreg s5  }
0xb0: {  	[dreg:$0x4] =	wrdreg $0xC0  }
0xb1: {  	_ =	task [dreg:s7], $0x5FFFF  }
0xb2: {  	[dreg:$0x1] =	wrdreg $0xFFFFFFFF  }
0xb3: {  	[dreg:$0x0] =	wrdreg $0x60  }
0xb4: {  	[dreg:$0x2] =	wrdreg s24  }
0xb5: {  	[dreg:$0x3] =	wrdreg s16  }
0xb6: {  	[dreg:$0x4] =	wrdreg $0xB8000  }
0xb7: {  	[dreg:$0x5] =	wrdreg $0x9  }
0xb8: {  	_ =	task.clear_ibuf [dreg:s7], $0x6FFFF;
	_ =	strace $0x9000004C  }
0xb9: {  	s29 =	simm.s32 $0x9;
	_ =	strace $0x8000004E  }
0xba: {  	_ =	swait.ge [sflag:s29], $0x1  }
0xbb: {  	[sflag:s29] =	ssyncadd.s32 $0xFFFFFFFF  }
0xbc: {  	_ =	strace $0x9000004E  }
0xbd: {  	_ =	sfence  }
0xbe: {  	s30 =	sld [smem:$0x0];
	_ =	sdelay $0x2  }
0xbf: {  	s31 =	sshll.u32 s1, $0xD;
	s1 =	sshrl.u32 s1, $0x2  }
0xc0: {  	s3 =	sand.u32 $0x4000, s31;
	s1 =	sadd.s32 s1, s30  }
0xc1: {  	s0 =	sor.u32 s3, s0;
	s1 =	sshll.u32 s1, $0x11  }
0xc2: {  	s0 =	sor.u32 s1, s0  }
0xc3: {  	s0 =	sadd.s32 $0x8F2B, s0  }
0xc4: {  	[sflag:s0] =	ssyncadd.remote.s32 $0x1  }
0xc5: {  	_ =	sfence.sel $0xFFFF  }
0xc6: {  	[dreg:$0x0] =	wrdreg $0xFFFFFFFF;
	(pc) =	sbr.abs _section_cstart, $3  }
0xc7: {  	[dreg:$0x1] =	wrdreg $0xFFFFFFFF  }
0xc8: {  	_ =	task.clear_ibuf [dreg:s7], $0x2FFFF;
	_ =	strace $0x9FFFFFFF  }
0xc9: {  	(tm) =	ssettm $0x7FFFFFFF  }
tec
execute0_lowered:
.L_overlay_start_1:
0x0: {  	(tag) =	ssettag $0x1  }
0x1: {  	s0 =	rddreg [dreg:$0x0]  }
0x2: {  	s1 =	rddreg [dreg:$0x1]  }
0x3: {  	s2 =	rddreg [dreg:$0x2]  }
0x4: {  	s4 =	srdreg.scid;
	s3 =	simm.s32 $0x0;
	s15 =	stileid.u32  }
0x5: {  	s28 =	simm.s32 $0x7;
	s29 =	simm.s32 $0x50;
	s30 =	simm.s32 $0x80  }
0x6: {  	s31 =	simm.s32 $0x6800;
	s4 =	sand.u32 $0x1, s4;
	s7 =	sshll.u32 s15, $0xB  }
0x7: {  	s8 =	sadd.s32 $0x3C00, s0;
	s26 =	sadd.s32 $0x3BC00, s0;
	s14 =	smul.u32 $0x14000, s15  }
0x8: {  	[smem:$0x7FF] =	sst s3;
	s5 =	ssub.s32 $0x2, s4;
	s6 =	sshll.u32 s4, $0xF  }
0x9: {  	s16 =	smul.u32 $0x140000, s4;
	s9 =	sshrl.u32 s5, $0x1;
	s6 =	sor.u32 s7, s6  }
0xa: {  	s4 =	sor.u32 $0x2800, s14;
	s10 =	sadd.s32 $0xA000, s14;
	s11 =	sadd.s32 $0xC800, s14  }
0xb: {  	s25 =	sadd.s32 $0x11800, s14;
	s7 =	simm.s32 $0x1;
	s5 =	ssub.s32 s5, s9  }
0xc: {  	s12 =	sadd.s32 s8, s6;
	s13 =	sadd.s32 s1, s6;
	s6 =	sor.u32 $0x400, s6  }
0xd: {  	s9 =	sadd.s32 s16, s14;
	s20 =	sadd.s32 s16, s10;
	[dreg:$0x4] =	wrdreg s12  }
0xe: {  	s21 =	sadd.s32 s16, s11;
	[dreg:$0x5] =	wrdreg s13;
	s8 =	sadd.s32 s8, s6  }
0xf: {  	s1 =	sadd.s32 s1, s6;
	s6 =	sadd.s32 $0x5000, s14;
	s12 =	sadd.s32 $0xF000, s14  }
0x10: {  	s13 =	sadd.s32 s16, s4;
	s9 =	sshrl.u32 s9, $0x3;
	[dreg:$0x6] =	wrdreg s8  }
0x11: {  	s23 =	sshrl.u32 s21, $0x3;
	[dreg:$0x7] =	wrdreg s1;
	s8 =	sadd.s32 $0x7800, s14  }
0x12: {  	s13 =	sshrl.u32 s13, $0x3;
	s14 =	sadd.s32 s16, s6;
	s9 =	sadd.s32 s26, s9  }
0x13: {  	s24 =	sadd.s32 s16, s12;
	s1 =	sadd.s32 s16, s25;
	s25 =	sadd.s32 s25, s2  }
0x14: {  	[dreg:$0x8] =	wrdreg s9;
	s17 =	sadd.s32 s26, s13;
	s18 =	sshrl.u32 s14, $0x3  }
0x15: {  	s19 =	sadd.s32 s16, s8;
	s13 =	sshrl.u32 s20, $0x3;
	s1 =	sshrl.u32 s1, $0x3  }
0x16: {  	s16 =	sadd.s32 $0x13C00, s0;
	s20 =	sadd.s32 s6, s2;
	s21 =	sadd.s32 s8, s2  }
0x17: {  	s0 =	simm.s32 $0x5;
	s6 =	simm.s32 $0x2;
	s8 =	simm.s32 $0x0  }
0x18: {  	[dreg:$0x9] =	wrdreg s17;
	s9 =	sadd.s32 s26, s18;
	s22 =	sadd.s32 s26, s13  }
0x19: {  	s17 =	smul.u32 $0x50000, s15;
	s15 =	sadd.s32 s26, s1;
	[dreg:$0xa] =	wrdreg s9  }
0x1a: {  	s1 =	simm.s32 $0x3;
	s9 =	sshrl.u32 s19, $0x3;
	[dreg:$0xc] =	wrdreg s22  }
0x1b: {  	s19 =	sadd.s32 s4, s2;
	s22 =	sadd.s32 s10, s2;
	s9 =	sadd.s32 s26, s9  }
.Ltmp0:
0x1c: {  	[dreg:$0xb] =	wrdreg s9;
	s9 =	sadd.s32 s26, s23;
	(pc) =	sbr.rel .LBB2_1-.Ltmp0, $4  }
0x1d: {  	s4 =	simm.s32 $0x9000;
	[dreg:$0xd] =	wrdreg s9;
	s9 =	sshrl.u32 s24, $0x3  }
0x1e: {  	s23 =	sadd.s32 s11, s2;
	s24 =	sadd.s32 s12, s2;
	s14 =	sadd.s32 s26, s9  }
0x1f: {  	_ =	strace $0x8000004D;
	s26 =	sshrl.u32 s17, $0x2;
	s17 =	smax.u32 s5, $0x1  }
0x20: {  	v0 =	vimm.f32 $0.0e+00;
	s5 =	simm.s32 $0x4;
	s18 =	sadd.s32 s26, s2;
	s26 =	simm.s32 $0x4000  }
.LBB2_17:
0x21: {  	_ =	swait.ge [sflag:s5], $0x2800  }
0x22: {  	[sflag:s5] =	ssyncset.done $0x0  }
0x23: {  	[sflag:s5] =	ssyncadd.s32 $0xFFFFD800  }
0x24: {  	[bflag:$0x0] =	sbarrier.arrive $0xFFFF  }
0x25: {  	[tilespmem:s26], [sflag:$0x7] =	stream.linear.gather [spmem:s18], $0x2800, $0x38;
	[tilespmem:$0x1F800] =	vst v63  }
0x26: {  	_ =	swait.ge [sflag:s28], $0x2800  }
0x27: {  	[sflag:s28] =	ssyncset.done $0x0  }
0x28: {  	s9 =	rddreg [dreg:$0x8];
	[sflag:s28] =	ssyncadd.s32 $0xFFFFD800  }
0x29: {  	[hbm4b:s9+s3] =	stream.linear.scatter [tilespmem:s26], [sflag:$0x7], $0x2800, $0x38;
	[tilespmem:$0x1F800] =	vst v63  }
0x2a: {  	_ =	swait.ge [sflag:s28], $0x2800  }
0x2b: {  	[sflag:s28] =	ssyncset.done $0x0  }
0x2c: {  	[sflag:s28] =	ssyncadd.s32 $0xFFFFD800  }
0x2d: {  	[tilespmem:s26], [sflag:$0x7] =	stream.linear.gather [spmem:s19], $0x2800, $0x38;
	[tilespmem:$0x1F800] =	vst v63  }
0x2e: {  	_ =	swait.ge [sflag:s28], $0x2800  }
0x2f: {  	[sflag:s28] =	ssyncset.done $0x0  }
0x30: {  	s13 =	rddreg [dreg:$0x9];
	[sflag:s28] =	ssyncadd.s32 $0xFFFFD800  }
0x31: {  	[hbm4b:s13+s3] =	stream.linear.scatter [tilespmem:s26], [sflag:$0x7], $0x2800, $0x38;
	[tilespmem:$0x1F800] =	vst v63  }
0x32: {  	_ =	swait.ge [sflag:s28], $0x2800  }
0x33: {  	[sflag:s28] =	ssyncset.done $0x0  }
0x34: {  	[sflag:s28] =	ssyncadd.s32 $0xFFFFD800  }
0x35: {  	[tilespmem:s26], [sflag:$0x7] =	stream.linear.gather [spmem:s20], $0x2800, $0x38;
	[tilespmem:$0x1F800] =	vst v63  }
0x36: {  	_ =	swait.ge [sflag:s28], $0x2800  }
0x37: {  	[sflag:s28] =	ssyncset.done $0x0  }
0x38: {  	s10 =	rddreg [dreg:$0xa];
	[sflag:s28] =	ssyncadd.s32 $0xFFFFD800  }
0x39: {  	[hbm4b:s10+s3] =	stream.linear.scatter [tilespmem:s26], [sflag:$0x7], $0x2800, $0x38;
	[tilespmem:$0x1F800] =	vst v63  }
0x3a: {  	_ =	swait.ge [sflag:s28], $0x2800  }
0x3b: {  	[sflag:s28] =	ssyncset.done $0x0  }
0x3c: {  	[sflag:s28] =	ssyncadd.s32 $0xFFFFD800  }
0x3d: {  	[tilespmem:s26], [sflag:$0x7] =	stream.linear.gather [spmem:s21], $0x2800, $0x38;
	[tilespmem:$0x1F800] =	vst v63  }
0x3e: {  	_ =	swait.ge [sflag:s28], $0x2800  }
0x3f: {  	[sflag:s28] =	ssyncset.done $0x0  }
0x40: {  	s11 =	rddreg [dreg:$0xb];
	[sflag:s28] =	ssyncadd.s32 $0xFFFFD800  }
0x41: {  	[hbm4b:s11+s3] =	stream.linear.scatter [tilespmem:s26], [sflag:$0x7], $0x2800, $0x38;
	[tilespmem:$0x1F800] =	vst v63  }
0x42: {  	_ =	swait.ge [sflag:s28], $0x2800  }
0x43: {  	[sflag:s28] =	ssyncset.done $0x0  }
0x44: {  	[sflag:s28] =	ssyncadd.s32 $0xFFFFD800  }
0x45: {  	[tilespmem:s26], [sflag:$0x7] =	stream.linear.gather [spmem:s22], $0x2800, $0x38;
	[tilespmem:$0x1F800] =	vst v63  }
0x46: {  	_ =	swait.ge [sflag:s28], $0x2800  }
0x47: {  	[sflag:s28] =	ssyncset.done $0x0  }
0x48: {  	s12 =	rddreg [dreg:$0xc];
	[sflag:s28] =	ssyncadd.s32 $0xFFFFD800  }
0x49: {  	[hbm4b:s12+s3] =	stream.linear.scatter [tilespmem:s26], [sflag:$0x7], $0x2800, $0x38;
	[tilespmem:$0x1F800] =	vst v63  }
0x4a: {  	_ =	swait.ge [sflag:s28], $0x2800  }
0x4b: {  	[sflag:s28] =	ssyncset.done $0x0  }
0x4c: {  	[sflag:s28] =	ssyncadd.s32 $0xFFFFD800  }
0x4d: {  	[tilespmem:s26], [sflag:$0x7] =	stream.linear.gather [spmem:s23], $0x2800, $0x38;
	[tilespmem:$0x1F800] =	vst v63  }
0x4e: {  	_ =	swait.ge [sflag:s28], $0x2800  }
0x4f: {  	[sflag:s28] =	ssyncset.done $0x0  }
0x50: {  	s13 =	rddreg [dreg:$0xd];
	[sflag:s28] =	ssyncadd.s32 $0xFFFFD800  }
0x51: {  	[hbm4b:s13+s3] =	stream.linear.scatter [tilespmem:s26], [sflag:$0x7], $0x2800, $0x38;
	[tilespmem:$0x1F800] =	vst v63  }
0x52: {  	_ =	swait.ge [sflag:s28], $0x2800  }
0x53: {  	[sflag:s28] =	ssyncset.done $0x0  }
0x54: {  	[sflag:s28] =	ssyncadd.s32 $0xFFFFD800  }
0x55: {  	[tilespmem:s26], [sflag:$0x7] =	stream.linear.gather [spmem:s24], $0x2800, $0x38;
	[tilespmem:$0x1F800] =	vst v63  }
0x56: {  	_ =	swait.ge [sflag:s28], $0x2800  }
0x57: {  	[sflag:s28] =	ssyncset.done $0x0  }
0x58: {  	[sflag:s28] =	ssyncadd.s32 $0xFFFFD800  }
0x59: {  	[hbm4b:s14+s3] =	stream.linear.scatter [tilespmem:s26], [sflag:$0x7], $0x2800, $0x38;
	[tilespmem:$0x1F800] =	vst v63  }
0x5a: {  	_ =	swait.ge [sflag:s28], $0x2800  }
0x5b: {  	[sflag:s28] =	ssyncset.done $0x0  }
0x5c: {  	[sflag:s28] =	ssyncadd.s32 $0xFFFFD800  }
0x5d: {  	[tilespmem:s26], [sflag:$0x7] =	stream.linear.gather [spmem:s25], $0x2800, $0x38;
	[tilespmem:$0x1F800] =	vst v63  }
0x5e: {  	s8 =	sadd.s32 $0x1, s8;
	_ =	swait.ge [sflag:s28], $0x2800  }
0x5f: {  	p0 =	sne.s32 s8, s17;
	[sflag:s28] =	ssyncset.done $0x0  }
.Ltmp1:
0x60: {  	[sflag:s28] =	ssyncadd.s32 $0xFFFFD800;
	(pc) =	sbr.rel @!p0 .LBB2_18-.Ltmp1, $4  }
0x61: {  	[hbm4b:s15+s3] =	stream.linear.scatter [tilespmem:s26], [sflag:$0x7], $0x2800, $0x38;
	[tilespmem:$0x1F800] =	vst v63  }
0x62: {  	_ =	swait.ge [sflag:s28], $0x2800  }
0x63: {  	[sflag:s28] =	ssyncset.done $0x0  }
0x64: {  	[sflag:s28] =	ssyncadd.s32 $0xFFFFD800  }
.LBB2_1:
0x65: {  	s9 =	simm.s32 $0x70;
	s10 =	simm.s32 $0x3C0  }
.LBB2_2:
0x66: {  	p0 =	sne.s32 s10, $0x9FC0;
	[tilespmem:s9+$0x4000] =	vst v0  }
0x67: {  	[tilespmem:s9+$0x3F90] =	vst v0  }
0x68: {  	[tilespmem:s9+$0x3FA0] =	vst v0  }
.Ltmp2:
0x69: {  	[tilespmem:s9+$0x3FB0] =	vst v0;
	(pc) =	sbr.rel @p0 .LBB2_2-.Ltmp2, $4  }
0x6a: {  	[tilespmem:s9+$0x3FC0] =	vst v0  }
0x6b: {  	[tilespmem:s9+$0x3FD0] =	vst v0  }
0x6c: {  	[tilespmem:s9+$0x3FE0] =	vst v0  }
0x6d: {  	[tilespmem:s9+$0x3FF0] =	vst v0;
	s9 =	sshra.s32 s10, $0x2;
	s10 =	sadd.s32 $0x200, s10  }
0x6e: {  	[tilespmem:s9+$0x4000] =	vst v0  }
0x6f: {  	[tilespmem:s9+$0x3F90] =	vst v0  }
0x70: {  	[tilespmem:s9+$0x3FA0] =	vst v0  }
0x71: {  	[tilespmem:s9+$0x3FB0] =	vst v0  }
0x72: {  	[tilespmem:s9+$0x3FC0] =	vst v0  }
0x73: {  	[tilespmem:s9+$0x3FD0] =	vst v0  }
0x74: {  	[tilespmem:s9+$0x3FE0] =	vst v0  }
0x75: {  	[tilespmem:s9+$0x3FF0] =	vst v0  }
0x76: {  	[spmem:s18] =	stream.linear.scatter [tilespmem:s26], [sflag:$0x7], $0x2800, $0x38;
	[tilespmem:$0x1F800] =	vst v63  }
0x77: {  	_ =	swait.ge [sflag:s28], $0x2800  }
0x78: {  	[sflag:s28] =	ssyncset.done $0x0  }
0x79: {  	[sflag:s28] =	ssyncadd.s32 $0xFFFFD800  }
0x7a: {  	[spmem:s19] =	stream.linear.scatter [tilespmem:s26], [sflag:$0x7], $0x2800, $0x38;
	[tilespmem:$0x1F800] =	vst v63  }
0x7b: {  	_ =	swait.ge [sflag:s28], $0x2800  }
0x7c: {  	[sflag:s28] =	ssyncset.done $0x0  }
0x7d: {  	[sflag:s28] =	ssyncadd.s32 $0xFFFFD800  }
0x7e: {  	[spmem:s20] =	stream.linear.scatter [tilespmem:s26], [sflag:$0x7], $0x2800, $0x38;
	[tilespmem:$0x1F800] =	vst v63  }
0x7f: {  	_ =	swait.ge [sflag:s28], $0x2800  }
0x80: {  	[sflag:s28] =	ssyncset.done $0x0  }
0x81: {  	[sflag:s28] =	ssyncadd.s32 $0xFFFFD800  }
0x82: {  	[spmem:s21] =	stream.linear.scatter [tilespmem:s26], [sflag:$0x7], $0x2800, $0x38;
	[tilespmem:$0x1F800] =	vst v63  }
0x83: {  	_ =	swait.ge [sflag:s28], $0x2800  }
0x84: {  	[sflag:s28] =	ssyncset.done $0x0  }
0x85: {  	[sflag:s28] =	ssyncadd.s32 $0xFFFFD800  }
0x86: {  	[spmem:s22] =	stream.linear.scatter [tilespmem:s26], [sflag:$0x7], $0x2800, $0x38;
	[tilespmem:$0x1F800] =	vst v63  }
0x87: {  	_ =	swait.ge [sflag:s28], $0x2800  }
0x88: {  	[sflag:s28] =	ssyncset.done $0x0  }
0x89: {  	[sflag:s28] =	ssyncadd.s32 $0xFFFFD800  }
0x8a: {  	[spmem:s23] =	stream.linear.scatter [tilespmem:s26], [sflag:$0x7], $0x2800, $0x38;
	[tilespmem:$0x1F800] =	vst v63  }
0x8b: {  	_ =	swait.ge [sflag:s28], $0x2800  }
0x8c: {  	[sflag:s28] =	ssyncset.done $0x0  }
0x8d: {  	[sflag:s28] =	ssyncadd.s32 $0xFFFFD800  }
0x8e: {  	[spmem:s24] =	stream.linear.scatter [tilespmem:s26], [sflag:$0x7], $0x2800, $0x38;
	[tilespmem:$0x1F800] =	vst v63  }
0x8f: {  	_ =	swait.ge [sflag:s28], $0x2800  }
0x90: {  	[sflag:s28] =	ssyncset.done $0x0  }
0x91: {  	[sflag:s28] =	ssyncadd.s32 $0xFFFFD800  }
0x92: {  	[spmem:s25] =	stream.linear.scatter [tilespmem:s26], [sflag:$0x7], $0x2800, $0x38;
	[tilespmem:$0x1F800] =	vst v63  }
0x93: {  	_ =	swait.ge [sflag:s28], $0x2800  }
0x94: {  	[sflag:s28] =	ssyncset.done $0x0  }
0x95: {  	[sflag:s28] =	ssyncadd.s32 $0xFFFFD800  }
0x96: {  	[bflag:$0x0] =	sbarrier.arrive $0xFFFF  }
0x97: {  	s9 =	simm.s32 $0x0;
	s10 =	rddreg [dreg:$0x4]  }
0x98: {  	[tilespmem:s9], [sflag:$0x7] =	stream.linear.gather [hbm4b:s10+s9], $0x2000, $0x38;
	[tilespmem:$0x1F800] =	vst v63  }
0x99: {  	_ =	swait.ge [sflag:s28], $0x2000  }
0x9a: {  	[sflag:s28] =	ssyncset.done $0x0  }
0x9b: {  	s10 =	simm.s32 $0x2000;
	s11 =	rddreg [dreg:$0x5];
	[sflag:s28] =	ssyncadd.s32 $0xFFFFE000  }
0x9c: {  	[tilespmem:s10], [sflag:$0x7] =	stream.linear.gather [hbm4b:s11+s9], $0x2000, $0x38;
	[tilespmem:$0x1F800] =	vst v63  }
0x9d: {  	_ =	swait.ge [sflag:s28], $0x2000  }
.Ltmp3:
0x9e: {  	[sflag:s28] =	ssyncset.done $0x0;
	(pc) =	sbr.rel .LBB2_4-.Ltmp3, $4  }
0x9f: {  	[sflag:s28] =	ssyncadd.s32 $0xFFFFE000  }
0xa0: {  	[tilespmem:s26], [sflag:$0x1] =	stream.indirect.gather [hbm4b:s16+s29], $0x80, s9, s29, $0xb8;
	[tilespmem:$0x1F800] =	vst v63  }
0xa1: {  	s11 =	simm.s32 $0x100  }
0xa2: {  	[tilespmem:s31], [sflag:$0x2] =	stream.indirect.gather [hbm4b:s16+s29], $0x80, s30, s29, $0xb8;
	[tilespmem:$0x1F800] =	vst v63  }
.LBB2_8:
0xa3: {  	_ =	swait.ge [sflag:s0], $0x2800  }
0xa4: {  	p0 =	sgt.u32 s9, $0x3D;
	[sflag:s0] =	ssyncset.done $0x0  }
0xa5: {  	s12 =	simm.s32 @!p0 $0x50;
	s13 =	simm.s32 @!p0 $0x6800;
	[sflag:s0] =	ssyncadd.s32 $0xFFFFD800  }
0xa6: {  	[tilespmem:s13], [sflag:$0x2] =	stream.indirect.gather @!p0 [hbm4b:s16+s12], $0x80, s11, s12, $0xb8;
	[tilespmem:$0x1F800] =	vst v63  }
0xa7: {  	_ =	swait.ge [sflag:s1], $0x2800  }
0xa8: {  	[sflag:s1] =	ssyncset.done $0x0  }
0xa9: {  	[sflag:s1] =	ssyncadd.s32 $0xFFFFD800  }
0xaa: {  	[spmem:s2] =	stream.indirect.scatter.add.f32 [tilespmem:s4], [sflag:$0x6], $0x80, s10, s29, $0xb8;
	[tilespmem:$0x1F800] =	vst v63  }
.LBB2_9:
0xab: {  	s9 =	sadd.s32 $0x1, s9  }
0xac: {  	p0 =	sne.s32 s9, $0x40  }
.Ltmp4:
0xad: {  	_ = 	snop;
	(pc) =	sbr.rel @!p0 .LBB2_10-.Ltmp4, $2  }
0xae: {  	_ =	sdelay $0x2  }
0xaf: {  	s10 =	sadd.s32 $0x80, s10;
	s11 =	sadd.s32 $0x80, s11  }
.LBB2_4:
0xb0: {  	s12 =	smul.u32 $0xAB, s9;
	_ =	sdelay $0x1  }
0xb1: {  	s12 =	sshrl.u32 s12, $0x9  }
0xb2: {  	s12 =	sand.u32 $0x7F, s12  }
0xb3: {  	s12 =	smul.u32 $0x3, s12;
	_ =	sdelay $0x1  }
0xb4: {  	s12 =	ssub.s32 s9, s12  }
0xb5: {  	s12 =	sand.u32 $0xFF, s12  }
0xb6: {  	p0 =	seq.s32 s12, $0x2  }
.Ltmp5:
0xb7: {  	_ = 	snop;
	(pc) =	sbr.rel @p0 .LBB2_8-.Ltmp5, $1  }
0xb8: {  	_ =	sdelay $0x3  }
0xb9: {  	p0 =	seq.s32 s12, $0x1  }
.Ltmp6:
0xba: {  	_ = 	snop;
	(pc) =	sbr.rel @!p0 .LBB2_6-.Ltmp6, $1  }
0xbb: {  	_ =	sdelay $0x3  }
0xbc: {  	_ =	swait.ge [sflag:s5], $0x2800  }
0xbd: {  	p0 =	sgt.u32 s9, $0x3D;
	[sflag:s5] =	ssyncset.done $0x0  }
0xbe: {  	s12 =	simm.s32 @!p0 $0x50;
	s13 =	simm.s32 @!p0 $0x4000;
	[sflag:s5] =	ssyncadd.s32 $0xFFFFD800  }
0xbf: {  	[tilespmem:s13], [sflag:$0x1] =	stream.indirect.gather @!p0 [hbm4b:s16+s12], $0x80, s11, s12, $0xb8;
	[tilespmem:$0x1F800] =	vst v63  }
.Ltmp7:
0xc0: {  	_ = 	snop;
	(pc) =	sbr.rel .LBB2_9-.Ltmp7, $4  }
0xc1: {  	_ =	swait.ge [sflag:s6], $0x2800  }
0xc2: {  	[sflag:s6] =	ssyncset.done $0x0  }
0xc3: {  	[sflag:s6] =	ssyncadd.s32 $0xFFFFD800  }
0xc4: {  	[spmem:s2] =	stream.indirect.scatter.add.f32 [tilespmem:s31], [sflag:$0x5], $0x80, s10, s29, $0xb8;
	[tilespmem:$0x1F800] =	vst v63  }
.LBB2_6:
0xc5: {  	p0 =	seq.s32 s9, $0x0  }
0xc6: {  	s12 =	simm.s32 @!p0 $0x6  }
0xc7: {  	_ =	swait.ge @!p0 [sflag:s12], $0x2800  }
0xc8: {  	p1 =	sgt.u32 @!p0 s9, $0x3D;
	[sflag:s12] =	ssyncset.done @!p0 $0x0  }
0xc9: {  	p1 =	por p0, !p1;
	[sflag:s12] =	ssyncadd.s32 @!p0 $0xFFFFD800  }
0xca: {  	[tilespmem:s4], [sflag:$0x3] =	stream.indirect.gather @p1 [hbm4b:s16+s29], $0x80, s11, s29, $0xb8;
	[tilespmem:$0x1F800] =	vst v63  }
.Ltmp8:
0xcb: {  	_ = 	snop;
	(pc) =	sbr.rel .LBB2_9-.Ltmp8, $4  }
0xcc: {  	_ =	swait.ge [sflag:s7], $0x2800  }
0xcd: {  	[sflag:s7] =	ssyncset.done $0x0  }
0xce: {  	[sflag:s7] =	ssyncadd.s32 $0xFFFFD800  }
0xcf: {  	[spmem:s2] =	stream.indirect.scatter.add.f32 [tilespmem:s26], [sflag:$0x4], $0x80, s10, s29, $0xb8;
	[tilespmem:$0x1F800] =	vst v63  }
.LBB2_10:
0xd0: {  	_ =	swait.ge [sflag:s5], $0x2800  }
0xd1: {  	[sflag:s5] =	ssyncset.done $0x0  }
0xd2: {  	s9 =	simm.s32 $0x0;
	s10 =	rddreg [dreg:$0x6];
	[sflag:s5] =	ssyncadd.s32 $0xFFFFD800  }
0xd3: {  	[tilespmem:s9], [sflag:$0x7] =	stream.linear.gather [hbm4b:s10+s9], $0x1E80, $0x38;
	[tilespmem:$0x1F800] =	vst v63  }
0xd4: {  	_ =	swait.ge [sflag:s28], $0x1E80  }
0xd5: {  	[sflag:s28] =	ssyncset.done $0x0  }
0xd6: {  	s10 =	simm.s32 $0x2000;
	s11 =	rddreg [dreg:$0x7];
	[sflag:s28] =	ssyncadd.s32 $0xFFFFE180  }
0xd7: {  	[tilespmem:s10], [sflag:$0x7] =	stream.linear.gather [hbm4b:s11+s9], $0x1E80, $0x38;
	[tilespmem:$0x1F800] =	vst v63  }
0xd8: {  	_ =	swait.ge [sflag:s28], $0x1E80  }
.Ltmp9:
0xd9: {  	[sflag:s28] =	ssyncset.done $0x0;
	(pc) =	sbr.rel .LBB2_11-.Ltmp9, $4  }
0xda: {  	[sflag:s28] =	ssyncadd.s32 $0xFFFFE180  }
0xdb: {  	[tilespmem:s26], [sflag:$0x1] =	stream.indirect.gather [hbm4b:s16+s29], $0x80, s9, s29, $0xb8;
	[tilespmem:$0x1F800] =	vst v63  }
0xdc: {  	s11 =	simm.s32 $0x100  }
0xdd: {  	[tilespmem:s31], [sflag:$0x2] =	stream.indirect.gather [hbm4b:s16+s29], $0x80, s30, s29, $0xb8;
	[tilespmem:$0x1F800] =	vst v63  }
.LBB2_15:
0xde: {  	_ =	swait.ge [sflag:s0], $0x2800  }
0xdf: {  	p0 =	sgt.u32 s9, $0x3A;
	[sflag:s0] =	ssyncset.done $0x0  }
0xe0: {  	s12 =	simm.s32 @!p0 $0x50;
	s13 =	simm.s32 @!p0 $0x6800;
	[sflag:s0] =	ssyncadd.s32 $0xFFFFD800  }
0xe1: {  	[tilespmem:s13], [sflag:$0x2] =	stream.indirect.gather @!p0 [hbm4b:s16+s12], $0x80, s11, s12, $0xb8;
	[tilespmem:$0x1F800] =	vst v63  }
0xe2: {  	_ =	swait.ge [sflag:s1], $0x2800  }
0xe3: {  	[sflag:s1] =	ssyncset.done $0x0  }
0xe4: {  	[sflag:s1] =	ssyncadd.s32 $0xFFFFD800  }
0xe5: {  	[spmem:s2] =	stream.indirect.scatter.add.f32 [tilespmem:s4], [sflag:$0x6], $0x80, s10, s29, $0xb8;
	[tilespmem:$0x1F800] =	vst v63  }
.LBB2_16:
0xe6: {  	s9 =	sadd.s32 $0x1, s9  }
0xe7: {  	p0 =	sne.s32 s9, $0x3D  }
.Ltmp10:
0xe8: {  	_ = 	snop;
	(pc) =	sbr.rel @!p0 .LBB2_17-.Ltmp10, $2  }
0xe9: {  	_ =	sdelay $0x2  }
0xea: {  	s10 =	sadd.s32 $0x80, s10;
	s11 =	sadd.s32 $0x80, s11  }
.LBB2_11:
0xeb: {  	s12 =	smul.u32 $0xAB, s9;
	_ =	sdelay $0x1  }
0xec: {  	s12 =	sshrl.u32 s12, $0x9  }
0xed: {  	s12 =	sand.u32 $0x7F, s12  }
0xee: {  	s12 =	smul.u32 $0x3, s12;
	_ =	sdelay $0x1  }
0xef: {  	s12 =	ssub.s32 s9, s12  }
0xf0: {  	s12 =	sand.u32 $0xFF, s12  }
0xf1: {  	p0 =	seq.s32 s12, $0x2  }
.Ltmp11:
0xf2: {  	_ = 	snop;
	(pc) =	sbr.rel @p0 .LBB2_15-.Ltmp11, $1  }
0xf3: {  	_ =	sdelay $0x3  }
0xf4: {  	p0 =	seq.s32 s12, $0x1  }
.Ltmp12:
0xf5: {  	_ = 	snop;
	(pc) =	sbr.rel @!p0 .LBB2_13-.Ltmp12, $1  }
0xf6: {  	_ =	sdelay $0x3  }
0xf7: {  	_ =	swait.ge [sflag:s5], $0x2800  }
0xf8: {  	p0 =	sgt.u32 s9, $0x3A;
	[sflag:s5] =	ssyncset.done $0x0  }
0xf9: {  	s12 =	simm.s32 @!p0 $0x50;
	s13 =	simm.s32 @!p0 $0x4000;
	[sflag:s5] =	ssyncadd.s32 $0xFFFFD800  }
0xfa: {  	[tilespmem:s13], [sflag:$0x1] =	stream.indirect.gather @!p0 [hbm4b:s16+s12], $0x80, s11, s12, $0xb8;
	[tilespmem:$0x1F800] =	vst v63  }
.Ltmp13:
0xfb: {  	_ = 	snop;
	(pc) =	sbr.rel .LBB2_16-.Ltmp13, $4  }
0xfc: {  	_ =	swait.ge [sflag:s6], $0x2800  }
0xfd: {  	[sflag:s6] =	ssyncset.done $0x0  }
0xfe: {  	[sflag:s6] =	ssyncadd.s32 $0xFFFFD800  }
0xff: {  	[spmem:s2] =	stream.indirect.scatter.add.f32 [tilespmem:s31], [sflag:$0x5], $0x80, s10, s29, $0xb8;
	[tilespmem:$0x1F800] =	vst v63  }
.LBB2_13:
0x100: {  	p0 =	seq.s32 s9, $0x0  }
0x101: {  	s12 =	simm.s32 @!p0 $0x6  }
0x102: {  	_ =	swait.ge @!p0 [sflag:s12], $0x2800  }
0x103: {  	p1 =	sgt.u32 @!p0 s9, $0x3A;
	[sflag:s12] =	ssyncset.done @!p0 $0x0  }
0x104: {  	p1 =	por p0, !p1;
	[sflag:s12] =	ssyncadd.s32 @!p0 $0xFFFFD800  }
0x105: {  	[tilespmem:s4], [sflag:$0x3] =	stream.indirect.gather @p1 [hbm4b:s16+s29], $0x80, s11, s29, $0xb8;
	[tilespmem:$0x1F800] =	vst v63  }
.Ltmp14:
0x106: {  	_ = 	snop;
	(pc) =	sbr.rel .LBB2_16-.Ltmp14, $4  }
0x107: {  	_ =	swait.ge [sflag:s7], $0x2800  }
0x108: {  	[sflag:s7] =	ssyncset.done $0x0  }
0x109: {  	[sflag:s7] =	ssyncadd.s32 $0xFFFFD800  }
0x10a: {  	[spmem:s2] =	stream.indirect.scatter.add.f32 [tilespmem:s26], [sflag:$0x4], $0x80, s10, s29, $0xb8;
	[tilespmem:$0x1F800] =	vst v63  }
.LBB2_18:
0x10b: {  	_ =	sfence.sel $0x180000  }
0x10c: {  	[bflag:$0x0] =	sbarrier.arrive $0xFFFF  }
0x10d: {  	_ =	strace $0x9000004D  }
0x10e: {  	s0 =	stileid.u32;
	[bflag:$0x2] =	sbarrier.arrive $0xFFFF  }
0x10f: {  	p0 =	sne.s32 s0, $0x0;
	s0 =	rddreg [dreg:$0x3]  }
0x110: {  	s0 =	sadd.s32 @!p0 $0x100000, s0  }
0x111: {  	[sflag:s0] =	ssyncadd.tile.s32 @!p0 $0x1;
	_ =	shalt  }
.Lfunc_end2:
_tile_overlayer_lowered:
.L_overlay_start_2:
0x112: {  	(tag) =	ssettag $0x2  }
0x113: {  	s0 =	rddreg [dreg:$0x0];
	s2 =	stileid.u32  }
0x114: {  	s1 =	rddreg [dreg:$0x1];
	p0 =	sne.s32 s2, $0x0  }
0x115: {  	s3 =	rddreg [dreg:$0x2];
	[bflag:$0x3] =	sbarrier.arrive $0xFFFF;
	s2 =	simm.s32 @!p0 $0x1C07  }
0x116: {  	[timem:s3], [sflag:s2] =	dma.local @!p0 [hbm:s0], s1  }
0x117: {  	s0 =	simm.s32 @!p0 $0x7  }
0x118: {  	_ =	swait.ge @!p0 [sflag:s0], s1  }
0x119: {  	s1 =	ssub.s32 @!p0 $0x0, s1;
	[sflag:s0] =	ssyncset.done @!p0 $0x0  }
0x11a: {  	[sflag:s0] =	ssyncadd.s32 @!p0 s1  }
0x11b: {  	[bflag:$0x3] =	sbarrier.arrive $0xFFFF  }
0x11c: {  	_ =	shalt  }

// kernel: kernel.8.cloned.1.call-start
scs
__scs_entry_jumppad:
0x0: {  	(pc) =	sbr.rel $0x88, $3  }
0x1: {  	(tag) =	ssettag $0x0;
	lr =	simm.s32 $0x1  }
0x2: {  	[smem:$0x3F9A] =	sst lr;
	_ =	strace $0xD0000000  }
0x3: {  	_ = 	snop  }
0x4: {  	_ = 	snop  }
0x5: {  	_ = 	snop  }
0x6: {  	_ = 	snop  }
0x7: {  	_ = 	snop  }
__scs_overlays_trampoline_lowered:
0x8: {  	[smem:$0x3FA9] =	sst s0  }
0x9: {  	[smem:$0x3FAA] =	sst s1  }
0xa: {  	[smem:$0x3FAB] =	sst s2  }
0xb: {  	[smem:$0x3FAC] =	sst s3  }
0xc: {  	[smem:$0x3FAD] =	sst s4  }
0xd: {  	[smem:$0x3FAE] =	sst s5  }
0xe: {  	[smem:$0x3FAF] =	sst s6  }
0xf: {  	[smem:$0x3FB0] =	sst s7  }
0x10: {  	[smem:$0x3FB1] =	sst s8  }
0x11: {  	[smem:$0x3FB2] =	sst s9;
	s0 =	simm.s32 @!p0 $0x0  }
0x12: {  	s1 =	sld [smem:$0x3F98];
	s0 =	simm.s32 @p0 $0x1  }
0x13: {  	[smem:$0x3FB3] =	sst s0;
	s0 =	simm.s32 @!p1 $0x0  }
0x14: {  	s2 =	sld [smem:$0x3F97];
	s0 =	simm.s32 @p1 $0x1  }
0x15: {  	[smem:$0x3FB4] =	sst s0;
	s0 =	simm.s32 @!p2 $0x0  }
0x16: {  	s3 =	sld [smem:$0x3FDB];
	s0 =	simm.s32 @p2 $0x1  }
0x17: {  	s4 =	simm.s32 $0x1BF5;
	[smem:$0x3FB6] =	sst s0  }
0x18: {  	s0 =	sld [smem:$0x3F99];
	_ =	swait.ge [sflag:s4], $0x0  }
0x19: {  	s7 =	sld [smem:$0x3F9A]  }
0x1a: {  	s8 =	sadd.s32 $0xFFFFE003, lr  }
0x1b: {  	s9 =	sadd.s32 $0xFFFFFEF7, lr;
	s5 =	simm.s32 $0xFFFFFFFF;
	p2 =	slt.u32 s8, $0xFFFFF086  }
0x1c: {  	p1 =	slt.u32 s9, $0xF7A;
	s5 =	simm.s32 @!p2 $0x0  }
0x1d: {  	s5 =	simm.s32 @p1 $0x1;
	p0 =	seq.s32 s7, s2  }
0x1e: {  	s7 =	smul.u32 @!p0 $0xF7A, s2;
	p2 =	seq.s32 @!p0 s5, $0x0  }
0x1f: {  	s9 =	smul.u32 $0xF7A, s1;
	s8 =	simm.s32 @!p0 $0x1BF5;
	p2 =	por !p2, p0  }
0x20: {  	[sflag:s8] =	ssyncset.s32 @!p0 $0xFFFFF086;
	s6 =	sadd.s32 @!p0 s3, s7;
	s7 =	simm.s32 @!p0 $0x108  }
0x21: {  	s3 =	sadd.s32 s3, s9;
	s6 =	sadd.s32 @!p0 $0x88, s6;
	s7 =	simm.s32 @p2 $0x1082  }
0x22: {  	[simem:s7], [sflag:s8] =	dma.local @!p0 [hbm:s6], $0xF7A  }
0x23: {  	s9 =	sor.u32 $0xD0000000, s2;
	s6 =	simm.s32 $0x108;
	_ =	swait.ge @!p0 [sflag:s8], $0x0  }
0x24: {  	s3 =	sadd.s32 $0x88, s3;
	s6 =	simm.s32 @!p1 $0x1082;
	[sflag:s4] =	ssyncset.s32 $0xFFFFF086  }
0x25: {  	[simem:s6], [sflag:s4] =	dma.local [hbm:s3], $0xF7A  }
0x26: {  	[smem:$0x3F9A] =	sst s1;
	(tag) =	ssettag s2;
	_ =	strace s9  }
0x27: {  	s1 =	sld [smem:$0x3FAA]  }
0x28: {  	s2 =	sld [smem:$0x3FAB]  }
0x29: {  	s4 =	sld [smem:$0x3FAD]  }
0x2a: {  	p0 =	seq.s32 s5, $0x0;
	s5 =	sld [smem:$0x3FAE]  }
0x2b: {  	s6 =	sld [smem:$0x3FAF]  }
0x2c: {  	s7 =	sld [smem:$0x3FB0]  }
0x2d: {  	s3 =	simm.s32 $0x108;
	s8 =	sld [smem:$0x3FB1]  }
0x2e: {  	s3 =	simm.s32 @!p0 $0x1082;
	s9 =	sld [smem:$0x3FB2]  }
0x2f: {  	lr =	sadd.s32 s0, s3;
	s0 =	sld [smem:$0x3FA9]  }
0x30: {  	s3 =	sld [smem:$0x3FAC]  }
0x31: {  	[smem:$0x3FB5] =	sst s10  }
0x32: {  	s10 =	sld [smem:$0x3FB3];
	_ =	sdelay $0x3  }
0x33: {  	p0 =	seq.s32 s10, $0x1;
	s10 =	sld [smem:$0x3FB5];
	_ =	sdelay $0x3  }
0x34: {  	[smem:$0x3FB5] =	sst s10  }
0x35: {  	s10 =	sld [smem:$0x3FB4];
	_ =	sdelay $0x3  }
0x36: {  	p1 =	seq.s32 s10, $0x1;
	s10 =	sld [smem:$0x3FB5];
	_ =	sdelay $0x3  }
0x37: {  	[smem:$0x3FB5] =	sst s10  }
0x38: {  	s10 =	sld [smem:$0x3FB6]  }
0x39: {  	_ = 	snop;
	(pc) =	sbr.ind lr, $3  }
0x3a: {  	_ = 	snop  }
0x3b: {  	_ = 	snop  }
0x3c: {  	p2 =	seq.s32 s10, $0x1;
	s10 =	sld [smem:$0x3FB5]  }
0x3d: {  	_ =	shalt  }
0x3e: {  	_ =	shalt  }
0x3f: {  	_ =	shalt  }
0x40: {  	_ =	shalt  }
0x41: {  	_ =	shalt  }
0x42: {  	_ =	shalt  }
0x43: {  	_ =	shalt  }
0x44: {  	_ =	shalt  }
0x45: {  	_ =	shalt  }
0x46: {  	_ =	shalt  }
0x47: {  	_ =	shalt  }
0x48: {  	_ =	shalt  }
0x49: {  	_ =	shalt  }
0x4a: {  	_ =	shalt  }
0x4b: {  	_ =	shalt  }
0x4c: {  	_ =	shalt  }
0x4d: {  	_ =	shalt  }
0x4e: {  	_ =	shalt  }
0x4f: {  	_ =	shalt  }
0x50: {  	_ =	shalt  }
0x51: {  	_ =	shalt  }
0x52: {  	_ =	shalt  }
0x53: {  	_ =	shalt  }
0x54: {  	_ =	shalt  }
0x55: {  	_ =	shalt  }
0x56: {  	_ =	shalt  }
0x57: {  	_ =	shalt  }
0x58: {  	_ =	shalt  }
0x59: {  	_ =	shalt  }
0x5a: {  	_ =	shalt  }
0x5b: {  	_ =	shalt  }
0x5c: {  	_ =	shalt  }
0x5d: {  	_ =	shalt  }
0x5e: {  	_ =	shalt  }
0x5f: {  	_ =	shalt  }
0x60: {  	_ =	shalt  }
0x61: {  	_ =	shalt  }
0x62: {  	_ =	shalt  }
0x63: {  	_ =	shalt  }
0x64: {  	_ =	shalt  }
0x65: {  	_ =	shalt  }
0x66: {  	_ =	shalt  }
0x67: {  	_ =	shalt  }
0x68: {  	_ =	shalt  }
0x69: {  	_ =	shalt  }
0x6a: {  	_ =	shalt  }
0x6b: {  	_ =	shalt  }
0x6c: {  	_ =	shalt  }
0x6d: {  	_ =	shalt  }
0x6e: {  	_ =	shalt  }
0x6f: {  	_ =	shalt  }
0x70: {  	_ =	shalt  }
0x71: {  	_ =	shalt  }
0x72: {  	_ =	shalt  }
0x73: {  	_ =	shalt  }
0x74: {  	_ =	shalt  }
0x75: {  	_ =	shalt  }
0x76: {  	_ =	shalt  }
0x77: {  	_ =	shalt  }
0x78: {  	_ =	shalt  }
0x79: {  	_ =	shalt  }
0x7a: {  	_ =	shalt  }
0x7b: {  	_ =	shalt  }
0x7c: {  	_ =	shalt  }
0x7d: {  	_ =	shalt  }
0x7e: {  	_ =	shalt  }
0x7f: {  	_ =	shalt  }
0x80: {  	_ =	shalt  }
0x81: {  	_ =	shalt  }
0x82: {  	_ =	shalt  }
0x83: {  	_ =	shalt  }
0x84: {  	_ =	shalt  }
0x85: {  	_ =	shalt  }
0x86: {  	_ =	shalt  }
0x87: {  	_ =	shalt  }
.Lfunc_end0:
.L_simem_size_0:
called_computation_lowered:
.L_overlay_start_0:
0x88: {  	s2 =	sld [smem:$0x3FD9]  }
0x89: {  	s3 =	sld [smem:$0x3FFE];
	_ =	sdelay $0x1  }
0x8a: {  	s1 =	srdreg.scid  }
0x8b: {  	s0 =	sand.u32 $0x1, s1  }
0x8c: {  	s14 =	sshll.u32 s0, $0xA;
	s2 =	sadd.s32 s3, s2  }
0x8d: {  	s2 =	sadd.s32 s2, s14  }
0x8e: {  	[smem:$0x3FC1] =	sst s2  }
0x8f: {  	_ = 	snop  }
0x90: {  	s2 =	sld [smem:$0x3FD0];
	_ =	sdelay $0x2  }
0x91: {  	s15 =	simm.s32 $0xA;
	s4 =	simm.s32 $0x10  }
0x92: {  	[smem:s4], [sflag:s15] =	dma.local [hbm:s2], $0x1  }
0x93: {  	_ =	swait.eq [sflag:s15], $0x1  }
0x94: {  	[sflag:s15] =	ssyncset.done $0x0  }
0x95: {  	[sflag:s15] =	ssyncadd.s32 $0xFFFFFFFF  }
0x96: {  	s16 =	sld [smem:$0x10];
	(tm) =	ssettm $0x1  }
0x97: {  	s17 =	sld [smem:$0x3FFB];
	_ =	sdelay $0x3  }
0x98: {  	_ =	strace s17  }
0x99: {  	s3 =	sld [smem:$0x3FFC];
	_ =	sdelay $0x3  }
0x9a: {  	_ =	strace s3  }
0x9b: {  	s3 =	sld [smem:$0x3FFD];
	_ =	sdelay $0x3  }
0x9c: {  	_ =	strace s3  }
0x9d: {  	_ =	strace $0x8FFFFFFF  }
0x9e: {  	s18 =	sld [smem:$0x3FDB];
	_ =	sdelay $0x1  }
0x9f: {  	s19 =	simm.s32 $_scs_section_size  }
0xa0: {  	s5 =	simm.s32 $_size__tile_overlayer_lowered;
	s6 =	simm.s32 $_tile_overlayer_lowered  }
0xa1: {  	s22 =	simm.s32 $0x1BFF;
	s21 =	sshll.u32 s6, $0x1;
	s3 =	sadd.s32 s19, s18  }
0xa2: {  	s7 =	simm.s32 $0x0;
	s20 =	sshll.u32 s5, $0x1;
	s5 =	sadd.s32 s21, s3  }
0xa3: {  	[timem:s7], [sflag:s22] =	dma.local [hbm:s5], s20  }
0xa4: {  	_ =	swait.ge [sflag:s22], s20  }
0xa5: {  	s4 =	ssub.s32 $0x0, s20;
	[sflag:s22] =	ssyncset.done $0x0  }
0xa6: {  	[sflag:s22] =	ssyncadd.s32 s4;
	_ =	sdelay $0x1  }
0xa7: {  	s23 =	simm.s32 $0x1B8B  }
0xa8: {  	_ =	swait.ge [sflag:s23], $0x1  }
0xa9: {  	[sflag:s23] =	ssyncset.done $0x0  }
0xaa: {  	s25 =	simm.s32 $0x1B8E;
	s24 =	sld [smem:$0x3FFE];
	[sflag:s23] =	ssyncadd.s32 $0xFFFFFFFF  }
0xab: {  	s26 =	simm.s32 $execute0_lowered;
	[smem:$0x3FD2] =	sst s25  }
0xac: {  	s5 =	sshll.u32 s26, $0x1;
	_ =	strace $0x80000046;
	[dreg:$0x1] =	wrdreg $0xFFFFFFFF  }
0xad: {  	s28 =	simm.s32 $_size_execute0_lowered;
	s3 =	sadd.s32 s3, s5;
	[dreg:$0x0] =	wrdreg $0x0  }
0xae: {  	s5 =	sshll.u32 s28, $0x1;
	[dreg:$0x2] =	wrdreg s3  }
0xaf: {  	[dreg:$0x3] =	wrdreg s5  }
0xb0: {  	[dreg:$0x4] =	wrdreg $0xC0  }
0xb1: {  	_ =	task [dreg:s7], $0x5FFFF  }
0xb2: {  	[dreg:$0x1] =	wrdreg $0xFFFFFFFF  }
0xb3: {  	[dreg:$0x0] =	wrdreg $0x60  }
0xb4: {  	[dreg:$0x2] =	wrdreg s16  }
0xb5: {  	[dreg:$0x3] =	wrdreg s24  }
0xb6: {  	[dreg:$0x4] =	wrdreg $0x43000  }
0xb7: {  	[dreg:$0x5] =	wrdreg $0x9  }
0xb8: {  	_ =	task.clear_ibuf [dreg:s7], $0x6FFFF;
	_ =	strace $0x90000046  }
0xb9: {  	s29 =	simm.s32 $0x9;
	_ =	strace $0x80000048  }
0xba: {  	_ =	swait.ge [sflag:s29], $0x1  }
0xbb: {  	[sflag:s29] =	ssyncadd.s32 $0xFFFFFFFF  }
0xbc: {  	_ =	strace $0x90000048  }
0xbd: {  	_ =	sfence  }
0xbe: {  	s30 =	sld [smem:$0x0];
	_ =	sdelay $0x2  }
0xbf: {  	s31 =	sshll.u32 s1, $0xD;
	s1 =	sshrl.u32 s1, $0x2  }
0xc0: {  	s3 =	sand.u32 $0x4000, s31;
	s1 =	sadd.s32 s1, s30  }
0xc1: {  	s0 =	sor.u32 s3, s0;
	s1 =	sshll.u32 s1, $0x11  }
0xc2: {  	s0 =	sor.u32 s1, s0  }
0xc3: {  	s0 =	sadd.s32 $0x8F2B, s0  }
0xc4: {  	[sflag:s0] =	ssyncadd.remote.s32 $0x1  }
0xc5: {  	_ =	sfence.sel $0xFFFF  }
0xc6: {  	[dreg:$0x0] =	wrdreg $0xFFFFFFFF;
	(pc) =	sbr.abs _section_cstart, $3  }
0xc7: {  	[dreg:$0x1] =	wrdreg $0xFFFFFFFF  }
0xc8: {  	_ =	task.clear_ibuf [dreg:s7], $0x2FFFF;
	_ =	strace $0x9FFFFFFF  }
0xc9: {  	(tm) =	ssettm $0x7FFFFFFF  }
tec
execute0_lowered:
.L_overlay_start_1:
0x0: {  	(tag) =	ssettag $0x1  }
0x1: {  	s4 =	rddreg [dreg:$0x0]  }
0x2: {  	s5 =	rddreg [dreg:$0x1]  }
0x3: {  	s2 =	rddreg [dreg:$0x2]  }
0x4: {  	s0 =	rddreg [dreg:$0x3];
	s6 =	srdreg.scid  }
0x5: {  	s1 =	stileid.u32;
	s3 =	simm.s32 $0x0;
	s11 =	simm.s32 $0x4000  }
0x6: {  	s12 =	simm.s32 $0x1;
	s13 =	simm.s32 $0x80;
	s14 =	simm.s32 $0x100  }
0x7: {  	s15 =	simm.s32 $0x0;
	s6 =	sand.u32 $0x1, s6;
	s7 =	smul.u32 $0x500, s1  }
0x8: {  	[smem:$0x7FF] =	sst s3;
	s10 =	smul.u32 $0xA00, s1;
	s30 =	sshll.u32 s1, $0xB  }
0x9: {  	s8 =	sshll.u32 s6, $0x7;
	_ =	strace $0x80000047;
	s29 =	ssub.s32 $0x2, s6  }
0xa: {  	s6 =	sshll.u32 s6, $0xF;
	s7 =	sor.u32 s8, s7;
	s9 =	sshrl.u32 s29, $0x1  }
0xb: {  	s31 =	sshrl.u32 s10, $0x2;
	s10 =	simm.s32 $0x50;
	s7 =	sshrl.u32 s7, $0x3  }
0xc: {  	s8 =	ssub.s32 s29, s9;
	s7 =	sadd.s32 s7, s5;
	s5 =	sadd.s32 s4, s30  }
0xd: {  	s9 =	simm.s32 $0x2;
	s4 =	sadd.s32 s31, s2;
	s5 =	sadd.s32 s6, s5  }
0xe: {  	v0 =	vimm.f32 $0.0e+00;
	v1 =	vimm.f32 $1.000000000e+00;
	s6 =	sadd.s32 $0x3200, s7;
	s7 =	smax.u32 s8, $0x1;
	s8 =	simm.s32 $0x4080  }
.LBB2_1:
0xf: {  	[tilespmem:$0x4080] =	vst v0  }
0x10: {  	[tilespmem:$0x4090] =	vst v0  }
0x11: {  	[tilespmem:$0x40A0] =	vst v0  }
0x12: {  	[tilespmem:$0x40B0] =	vst v0  }
0x13: {  	[tilespmem:$0x40C0] =	vst v0  }
0x14: {  	[tilespmem:$0x40D0] =	vst v0  }
0x15: {  	[tilespmem:$0x40E0] =	vst v0  }
0x16: {  	[tilespmem:$0x40F0] =	vst v0  }
0x17: {  	[tilespmem:$0x4100] =	vst v0  }
0x18: {  	[tilespmem:$0x4110] =	vst v0  }
0x19: {  	[tilespmem:$0x4120] =	vst v0  }
0x1a: {  	[tilespmem:$0x4130] =	vst v0  }
0x1b: {  	[tilespmem:$0x4140] =	vst v0  }
0x1c: {  	[tilespmem:$0x4150] =	vst v0  }
0x1d: {  	[tilespmem:$0x4160] =	vst v0  }
0x1e: {  	[tilespmem:$0x4170] =	vst v0  }
0x1f: {  	[tilespmem:$0x4180] =	vst v0  }
0x20: {  	[tilespmem:$0x4190] =	vst v0  }
0x21: {  	[tilespmem:$0x41A0] =	vst v0  }
0x22: {  	[tilespmem:$0x41B0] =	vst v0  }
0x23: {  	[tilespmem:$0x41C0] =	vst v0  }
0x24: {  	[tilespmem:$0x41D0] =	vst v0  }
0x25: {  	[tilespmem:$0x41E0] =	vst v0  }
0x26: {  	[tilespmem:$0x41F0] =	vst v0  }
0x27: {  	[tilespmem:$0x4200] =	vst v0  }
0x28: {  	[tilespmem:$0x4210] =	vst v0  }
0x29: {  	[tilespmem:$0x4220] =	vst v0  }
0x2a: {  	[tilespmem:$0x4230] =	vst v0  }
0x2b: {  	[tilespmem:$0x4240] =	vst v0  }
0x2c: {  	[tilespmem:$0x4250] =	vst v0  }
0x2d: {  	[tilespmem:$0x4260] =	vst v0  }
0x2e: {  	[tilespmem:$0x4270] =	vst v0  }
0x2f: {  	[tilespmem:$0x4280] =	vst v0  }
0x30: {  	[tilespmem:$0x4290] =	vst v0  }
0x31: {  	[tilespmem:$0x42A0] =	vst v0  }
0x32: {  	[tilespmem:$0x42B0] =	vst v0  }
0x33: {  	[tilespmem:$0x42C0] =	vst v0  }
0x34: {  	[tilespmem:$0x42D0] =	vst v0  }
0x35: {  	[tilespmem:$0x42E0] =	vst v0  }
0x36: {  	[tilespmem:$0x42F0] =	vst v0  }
0x37: {  	[tilespmem:$0x4000] =	vst v1  }
0x38: {  	[tilespmem:$0x4010] =	vst v1  }
0x39: {  	[tilespmem:$0x4020] =	vst v1  }
0x3a: {  	[tilespmem:$0x4030] =	vst v1  }
0x3b: {  	[tilespmem:$0x4040] =	vst v1  }
0x3c: {  	[spmem:s4] =	stream.linear.scatter [tilespmem:s8], [sflag:$0x2], $0x280, $0x38;
	[tilespmem:$0x4580] =	vst v63  }
0x3d: {  	_ =	swait.ge [sflag:s9], $0x280  }
0x3e: {  	[sflag:s9] =	ssyncset.done $0x0  }
0x3f: {  	[sflag:s9] =	ssyncadd.s32 $0xFFFFFD80  }
0x40: {  	[bflag:$0x0] =	sbarrier.arrive $0xFFFF  }
0x41: {  	[tilespmem:s3], [sflag:$0x2] =	stream.linear.gather [hbm4b:s5+s3], $0x3E80, $0x38;
	[tilespmem:$0x4580] =	vst v63  }
0x42: {  	_ =	swait.ge [sflag:s9], $0x3E80  }
0x43: {  	[sflag:s9] =	ssyncset.done $0x0  }
0x44: {  	s16 =	simm.s32 $0x0;
	[sflag:s9] =	ssyncadd.s32 $0xFFFFC180  }
0x45: {  	[spmem:s2] =	stream.indirect.scatter.add.f32 [tilespmem:s11], [sflag:$0x1], $0x1, s16, s10, $0xb8;
	[tilespmem:$0x4580] =	vst v63  }
0x46: {  	_ =	swait.ge [sflag:s12], $0x50  }
0x47: {  	s16 =	simm.s32 $0x200;
	[sflag:s12] =	ssyncset.done $0x0  }
.LBB2_2:
0x48: {  	s17 =	sshra.s32 s16, $0x2;
	[sflag:s12] =	ssyncadd.s32 $0xFFFFFFB0;
	p0 =	sne.s32 s16, $0xF800  }
0x49: {  	[spmem:s2] =	stream.indirect.scatter.add.f32 [tilespmem:s11], [sflag:$0x1], $0x1, s17, s10, $0xb8;
	[tilespmem:$0x4580] =	vst v63  }
.Ltmp0:
0x4a: {  	_ = 	snop;
	(pc) =	sbr.rel @p0 .LBB2_2-.Ltmp0, $4  }
0x4b: {  	_ = 	snop  }
0x4c: {  	s16 =	sadd.s32 $0x200, s16  }
0x4d: {  	_ =	swait.ge [sflag:s12], $0x50  }
0x4e: {  	[sflag:s12] =	ssyncset.done $0x0  }
0x4f: {  	[sflag:s12] =	ssyncadd.s32 $0xFFFFFFB0  }
0x50: {  	[bflag:$0x0] =	sbarrier.arrive $0xFFFF  }
0x51: {  	[tilespmem:s8], [sflag:$0x2] =	stream.linear.gather [spmem:s4], $0x280, $0x38;
	[tilespmem:$0x4580] =	vst v63  }
0x52: {  	s15 =	sadd.s32 $0x1, s15;
	_ =	swait.ge [sflag:s9], $0x280  }
0x53: {  	p0 =	sne.s32 s15, s7;
	[sflag:s9] =	ssyncset.done $0x0  }
.Ltmp1:
0x54: {  	[sflag:s9] =	ssyncadd.s32 $0xFFFFFD80;
	(pc) =	sbr.rel @p0 .LBB2_1-.Ltmp1, $4  }
0x55: {  	[hbm4b:s6+s13] =	stream.strided.scatter [tilespmem:s8], [sflag:$0x2], $0x280, s14, s13, $0x38;
	[tilespmem:$0x4580] =	vst v63  }
0x56: {  	_ =	swait.ge [sflag:s9], $0x280  }
0x57: {  	[sflag:s9] =	ssyncset.done $0x0  }
0x58: {  	[sflag:s9] =	ssyncadd.s32 $0xFFFFFD80  }
0x59: {  	_ =	sfence.sel $0x180000  }
0x5a: {  	[bflag:$0x0] =	sbarrier.arrive $0xFFFF  }
0x5b: {  	p0 =	sne.s32 s1, $0x0;
	_ =	strace $0x90000047  }
0x5c: {  	s0 =	sadd.s32 @!p0 $0x100000, s0;
	[bflag:$0x2] =	sbarrier.arrive $0xFFFF  }
0x5d: {  	[sflag:s0] =	ssyncadd.tile.s32 @!p0 $0x1;
	_ =	shalt  }
.Lfunc_end2:
_tile_overlayer_lowered:
.L_overlay_start_2:
0x5e: {  	(tag) =	ssettag $0x2  }
0x5f: {  	s0 =	rddreg [dreg:$0x0];
	s2 =	stileid.u32  }
0x60: {  	s1 =	rddreg [dreg:$0x1];
	p0 =	sne.s32 s2, $0x0  }
0x61: {  	s3 =	rddreg [dreg:$0x2];
	[bflag:$0x3] =	sbarrier.arrive $0xFFFF;
	s2 =	simm.s32 @!p0 $0x1C02  }
0x62: {  	[timem:s3], [sflag:s2] =	dma.local @!p0 [hbm:s0], s1  }
0x63: {  	s0 =	simm.s32 @!p0 $0x2  }
0x64: {  	_ =	swait.ge @!p0 [sflag:s0], s1  }
0x65: {  	s1 =	ssub.s32 @!p0 $0x0, s1;
	[sflag:s0] =	ssyncset.done @!p0 $0x0  }
0x66: {  	[sflag:s0] =	ssyncadd.s32 @!p0 s1  }
0x67: {  	[bflag:$0x3] =	sbarrier.arrive $0xFFFF  }
0x68: {  	_ =	shalt  }

</sc_bundles>
